<compile_context>
chip_gen: v7x
topology: tpu7x:2x2x1
jax: 0.10.2.dev20260603
libtpu: 0.0.44.dev20260713+nightly
codegen_flags: <defaults>
</compile_context>

<pallas_src>
import jax
import jax.numpy as jnp
from jax import lax
from jax.experimental import pallas as pl
from jax.experimental.pallas import tpu as pltpu
from jax.experimental.pallas import tpu_sc as plsc

_HEADS = 8
_OUT_C = 8
_HC = _HEADS * _OUT_C
_ROW = _HC + 2 * _OUT_C

_NC = 2
_NS = 16
_NW = _NC * _NS
_B = 80
_NPAD = 10240
_BN = 2000


def _prologue_body(x_ref, w_ref, asrc_ref, adst_ref,
                   xs_ref, dtab_ref, gv_ref, acc_ref):
    i = pl.program_id(0)
    xw = jnp.dot(x_ref[...], w_ref[...],
                 preferred_element_type=jnp.float32)
    n = xw.shape[0]
    xw3 = xw.reshape(n, _HEADS, _OUT_C)
    a_src = jnp.sum(xw3 * asrc_ref[...][None], axis=-1)
    a_dst = jnp.sum(xw3 * adst_ref[...][None], axis=-1)
    xs_ref[...] = jnp.concatenate(
        [xw, a_src, jnp.zeros_like(a_src)], axis=1)
    dtab_ref[...] = jnp.concatenate([a_dst, a_dst], axis=1)
    m = jnp.max(a_src, axis=0, keepdims=True)

    @pl.when(i == 0)
    def _():
        acc_ref[...] = m

    @pl.when(i > 0)
    def _():
        acc_ref[...] = jnp.maximum(acc_ref[...], m)

    @pl.when(i == pl.num_programs(0) - 1)
    def _():
        gv_ref[...] = jnp.concatenate(
            [jnp.zeros((1, _HEADS), jnp.float32), acc_ref[...]], axis=1)


def _prologue(x, w, att_src, att_dst):
    n = x.shape[0]
    nblk = n // _BN
    return pl.pallas_call(
        _prologue_body,
        grid=(nblk,),
        in_specs=[
            pl.BlockSpec((_BN, x.shape[1]), lambda i: (i, 0)),
            pl.BlockSpec(w.shape, lambda i: (0, 0)),
            pl.BlockSpec(att_src.shape, lambda i: (0, 0)),
            pl.BlockSpec(att_dst.shape, lambda i: (0, 0)),
        ],
        out_specs=(
            pl.BlockSpec((_BN, _ROW), lambda i: (i, 0)),
            pl.BlockSpec((_BN, 2 * _HEADS), lambda i: (i, 0)),
            pl.BlockSpec((1, 2 * _HEADS), lambda i: (0, 0)),
        ),
        out_shape=(
            jax.ShapeDtypeStruct((n, _ROW), jnp.float32),
            jax.ShapeDtypeStruct((n, 2 * _HEADS), jnp.float32),
            jax.ShapeDtypeStruct((1, 2 * _HEADS), jnp.float32),
        ),
        scratch_shapes=[pltpu.VMEM((1, _HEADS), jnp.float32)],
    )(x, w, att_src, att_dst)


def _edge_body(xs_hbm, dtab_hbm, gv_hbm, src_hbm, dst_hbm, acc_hbm,
               sidx0, sidx1, didx0, didx1, sdix0, sdix1, xr0, xr1, dt0, dt1,
               mw0, mw1, gv_v, za_v, acc_s,
               isem0, isem1, gsem0, gsem1, ssem0, ssem1):
    c = lax.axis_index("c")
    s = lax.axis_index("s")
    wid = s * _NC + c
    rows_per_tile = _NPAD // _NS
    ep = src_hbm.shape[0] // _NW
    nch = ep // _B
    e0 = wid * ep

    sidx = (sidx0, sidx1)
    didx = (didx0, didx1)
    sdix = (sdix0, sdix1)
    xr = (xr0, xr1)
    dt = (dt0, dt1)
    mw = (mw0, mw1)
    isem = (isem0, isem1)
    gsem = (gsem0, gsem1)
    ssem = (ssem0, ssem1)

    zrows = 64
    def _zrow(i, _):
        for j in range(5):
            za_v[i, pl.ds(16 * j, 16)] = jnp.zeros((16,), jnp.float32)
        return 0
    lax.fori_loop(0, zrows, _zrow, 0)
    row0 = s * rows_per_tile

    def _zcopy(i, _):
        pltpu.sync_copy(za_v, acc_s.at[pl.ds(row0 + i * zrows, zrows)])
        return 0
    lax.fori_loop(0, rows_per_tile // zrows, _zcopy, 0)
    pltpu.sync_copy(gv_hbm, gv_v)
    plsc.subcore_barrier()

    zero16 = jnp.zeros((16,), jnp.int32)
    iota16 = lax.iota(jnp.int32, 16)
    lane8 = iota16 // 8
    lo8 = iota16 & 7
    g2 = plsc.load_gather(gv_v, [zero16, lo8 + 8])

    def _issue_idx(i, p):
        base = e0 + i * _B
        pltpu.async_copy(src_hbm.at[pl.ds(base, _B)], sidx[p], isem[p])
        pltpu.async_copy(dst_hbm.at[pl.ds(base, _B)], didx[p], isem[p])

    def _wait_idx(p):
        pltpu.make_async_copy(src_hbm.at[pl.ds(0, _B)], sidx[p], isem[p]).wait()
        pltpu.make_async_copy(dst_hbm.at[pl.ds(0, _B)], didx[p], isem[p]).wait()

    def _issue_gather(p):
        pltpu.async_copy(xs_hbm.at[sidx[p]], xr[p], gsem[p])
        pltpu.async_copy(dtab_hbm.at[didx[p]], dt[p], gsem[p])

    def _wait_gather(p):
        pltpu.make_async_copy(xs_hbm.at[sidx[p]], xr[p], gsem[p]).wait()
        pltpu.make_async_copy(dtab_hbm.at[didx[p]], dt[p], gsem[p]).wait()

    def _issue_scatter(p):
        pltpu.async_copy(mw[p], acc_s.at[sdix[p]], ssem[p], add=True)

    def _wait_scatter(p):
        pltpu.make_async_copy(mw[p], acc_s.at[sdix[p]], ssem[p]).wait()

    def _snap_didx(p):
        for k in range(_B // 16):
            sdix[p][pl.ds(16 * k, 16)] = didx[p][pl.ds(16 * k, 16)]

    def _compute(p):
        xr_v, dt_v, mw_v = xr[p], dt[p], mw[p]

        def _edge(e4, _):
            for u in range(2):
                e = e4 * 4 + 2 * u
                epair = e + lane8
                sv = plsc.load_gather(xr_v, [epair, lo8 + _HC])
                dv = plsc.load_gather(dt_v, [epair, lo8])
                t = sv + dv
                t = jnp.maximum(t, 0.2 * t)
                q = dv + g2
                ub = jnp.maximum(q, 0.2 * q)
                w2 = jnp.exp(t - ub)
                plsc.store_scatter(mw_v, [epair, lo8 + _HC], w2)
            for v in range(4):
                e = e4 * 4 + v
                erow = jnp.full((16,), e, jnp.int32)
                for k in range(4):
                    wk = plsc.load_gather(mw_v, [erow, _HC + lane8 + 2 * k])
                    mw_v[e, pl.ds(16 * k, 16)] = xr_v[e, pl.ds(16 * k, 16)] * wk
            return 0
        lax.fori_loop(0, _B // 4, _edge, 0)

    _issue_idx(0, 0)
    _issue_idx(1, 1)
    _wait_idx(0)
    _issue_gather(0)

    def _step(i, p):
        q = 1 - p
        _wait_gather(p)
        _wait_idx(q)
        _issue_gather(q)

        @pl.when(i >= 2)
        def _():
            _wait_scatter(p)
        _snap_didx(p)

        @pl.when(i + 2 < nch)
        def _():
            _issue_idx(i + 2, p)
        _compute(p)
        _issue_scatter(p)

    def _pair(j, _):
        _step(2 * j, 0)
        _step(2 * j + 1, 1)
        return 0
    lax.fori_loop(0, (nch - 1) // 2, _pair, 0)

    _wait_gather(0)
    _wait_scatter(0)
    _snap_didx(0)
    _compute(0)
    _issue_scatter(0)
    _wait_scatter(0)
    _wait_scatter(1)
    plsc.subcore_barrier()

    pltpu.sync_copy(acc_s.at[pl.ds(row0, rows_per_tile)],
                    acc_hbm.at[c, pl.ds(row0, rows_per_tile)])


def _edge_phase(xs, dtab, gv, src, dst):
    rows_per_tile = _NPAD // _NS
    mesh = plsc.VectorSubcoreMesh(core_axis_name="c", subcore_axis_name="s")
    kern = pl.kernel(
        _edge_body,
        out_type=jax.ShapeDtypeStruct((_NC, _NPAD, _ROW), jnp.float32),
        mesh=mesh,
        compiler_params=pltpu.CompilerParams(use_tc_tiling_on_sc=False, needs_layout_passes=False),
        scratch_types=(
            [pltpu.VMEM((_B,), jnp.int32)] * 6
            + [pltpu.VMEM((_B, _ROW), jnp.float32)] * 2
            + [pltpu.VMEM((_B, 16), jnp.float32)] * 2
            + [pltpu.VMEM((_B, _ROW), jnp.float32)] * 2
            + [
                pltpu.VMEM((1, 16), jnp.float32),
                pltpu.VMEM((64, _ROW), jnp.float32),
                pltpu.VMEM_SHARED((_NPAD, _ROW), jnp.float32),
            ]
            + [pltpu.SemaphoreType.DMA] * 6
        ),
    )
    return kern(xs, dtab, gv, src, dst)


def _epilogue_body(acc_ref, bias_ref, out_ref):
    acc = acc_ref[0] + acc_ref[1]
    n = acc.shape[0]
    agg = acc[:, :_HC]
    den = acc[:, _HC:_HC + _HEADS]
    d8 = den.reshape(n, _HEADS, 1) + 1e-16
    a3 = agg.reshape(n, _HEADS, _OUT_C)
    out = (a3 / d8).reshape(n, _HC) + bias_ref[...][None]
    out_ref[...] = jnp.maximum(out, 0.0)


def _epilogue(acc2, bias):
    bn = 1280
    nblk = _NPAD // bn
    return pl.pallas_call(
        _epilogue_body,
        grid=(nblk,),
        in_specs=[
            pl.BlockSpec((_NC, bn, _ROW), lambda i: (0, i, 0)),
            pl.BlockSpec(bias.shape, lambda i: (0,)),
        ],
        out_specs=pl.BlockSpec((bn, _HC), lambda i: (i, 0)),
        out_shape=jax.ShapeDtypeStruct((_NPAD, _HC), jnp.float32),
    )(acc2, bias)


@jax.jit
def kernel(x, edge_index, W, att_src, att_dst, bias):
    src = edge_index[0].astype(jnp.int32)
    dst = edge_index[1].astype(jnp.int32)
    xs, dtab, gv = _prologue(x, W, att_src, att_dst)
    acc2 = _edge_phase(xs, dtab, gv, src, dst)
    out = _epilogue(acc2, bias)
    return out[:x.shape[0]]

# --- scband reference (transcript-rebuilt; emitter-appended) ---
"""Pipeline reference for scband-gat-68255620268395 (READ-ONLY COPY).

The authoritative reference and input builder live on the scoring server;
editing this copy changes nothing except your own understanding.
"""

import jax, jax.numpy as jnp
import numpy as np

HEADS = 8
OUT_C = 8
IN_C = 128
N_NODES = 10000
N_EDGES = 320000

def setup_inputs(seed: int = 0) -> dict:
    key = jax.random.key(seed)
    k1, k2, k3, k4, k5, k6 = jax.random.split(key, 6)
    x = jax.random.normal(k1, (N_NODES, IN_C), dtype=jnp.float32)
    edge_index = jax.random.randint(k2, (2, N_EDGES), 0, N_NODES, dtype=jnp.int64)
    # Glorot-style init for GATConv params
    W = jax.random.normal(k3, (IN_C, HEADS * OUT_C), dtype=jnp.float32) * (1.0 / np.sqrt(IN_C))
    att_src = jax.random.normal(k4, (HEADS, OUT_C), dtype=jnp.float32) * (1.0 / np.sqrt(OUT_C))
    att_dst = jax.random.normal(k5, (HEADS, OUT_C), dtype=jnp.float32) * (1.0 / np.sqrt(OUT_C))
    bias = jnp.zeros((HEADS * OUT_C,), dtype=jnp.float32)
    return {"x": x, "edge_index": edge_index, "W": W, "att_src": att_src, "att_dst": att_dst, "bias": bias}

def reference(x, edge_index, W, att_src, att_dst, bias):
    N = x.shape[0]
    src = edge_index[0]
    dst = edge_index[1]
    xw = (x @ W).reshape(N, HEADS, OUT_C)                       # [N, H, C]
    a_src = jnp.sum(xw * att_src[None, :, :], axis=-1)          # [N, H]
    a_dst = jnp.sum(xw * att_dst[None, :, :], axis=-1)          # [N, H]
    alpha = a_src[src] + a_dst[dst]                             # [E, H]
    alpha = jax.nn.leaky_relu(alpha, negative_slope=0.2)
    amax = jax.ops.segment_max(alpha, dst, num_segments=N)      # [N, H]
    alpha = jnp.exp(alpha - amax[dst])
    denom = jax.ops.segment_sum(alpha, dst, num_segments=N)     # [N, H]
    alpha = alpha / (denom[dst] + 1e-16)
    msg = xw[src] * alpha[:, :, None]                           # [E, H, C]
    agg = jax.ops.segment_sum(msg, dst, num_segments=N)         # [N, H, C]
    out = agg.reshape(N, HEADS * OUT_C) + bias
    return jax.nn.relu(out)

if __name__ == "__main__":
    import jax
    _d = setup_inputs()
    print(jax.jit(kernel)(*tuple(_d.values())))

</pallas_src>

<mosaic_0001>
#map = affine_map<(d0, d1) -> (0, 0)>
#map1 = affine_map<(d0, d1) -> (0)>
#map2 = affine_map<(d0, d1) -> (0, 0, 0)>
module attributes {stable_mosaic.version = 14 : i64} {
  func.func @_edge_body(%arg0: i32, %arg1: i32, %arg2: memref<10000x80xf32, #tpu.memory_space<hbm>>, %arg3: memref<10000x16xf32, #tpu.memory_space<hbm>>, %arg4: memref<1x16xf32, #tpu.memory_space<hbm>>, %arg5: memref<320000xi32, #tpu.memory_space<hbm>>, %arg6: memref<320000xi32, #tpu.memory_space<hbm>>, %arg7: memref<2x10240x80xf32, #tpu.memory_space<hbm>>, %arg8: memref<80xi32, #tpu.memory_space<vmem>>, %arg9: memref<80xi32, #tpu.memory_space<vmem>>, %arg10: memref<80xi32, #tpu.memory_space<vmem>>, %arg11: memref<80xi32, #tpu.memory_space<vmem>>, %arg12: memref<80xi32, #tpu.memory_space<vmem>>, %arg13: memref<80xi32, #tpu.memory_space<vmem>>, %arg14: memref<80x80xf32, #tpu.memory_space<vmem>>, %arg15: memref<80x80xf32, #tpu.memory_space<vmem>>, %arg16: memref<80x16xf32, #tpu.memory_space<vmem>>, %arg17: memref<80x16xf32, #tpu.memory_space<vmem>>, %arg18: memref<80x80xf32, #tpu.memory_space<vmem>>, %arg19: memref<80x80xf32, #tpu.memory_space<vmem>>, %arg20: memref<1x16xf32, #tpu.memory_space<vmem>>, %arg21: memref<64x80xf32, #tpu.memory_space<vmem>>, %arg22: memref<10240x80xf32, #tpu.memory_space<vmem_shared>>, %arg23: memref<!tpu.dma_semaphore, #tpu.memory_space<semaphore_mem>>, %arg24: memref<!tpu.dma_semaphore, #tpu.memory_space<semaphore_mem>>, %arg25: memref<!tpu.dma_semaphore, #tpu.memory_space<semaphore_mem>>, %arg26: memref<!tpu.dma_semaphore, #tpu.memory_space<semaphore_mem>>, %arg27: memref<!tpu.dma_semaphore, #tpu.memory_space<semaphore_mem>>, %arg28: memref<!tpu.dma_semaphore, #tpu.memory_space<semaphore_mem>>) attributes {dimension_semantics = [#tpu.dimension_semantics<core_parallel>, #tpu.dimension_semantics<subcore_parallel>], iteration_bounds = array<i64: 2, 16>, scalar_prefetch = 0 : i64, scratch_operands = 21 : i64, tpu.core_type = #tpu.core_type<sc_vector_subcore>, window_params = [{transform_indices = #map}, {transform_indices = #map}, {transform_indices = #map}, {transform_indices = #map1}, {transform_indices = #map1}, {transform_indices = #map2}]} {
    %mul3A = arith.constant 2 : i32
    %mul3A_0 = arith.muli %arg1, %mul3A : i32
    %add3A = arith.addi %mul3A_0, %arg0 : i32
    %mul3A_1 = arith.constant 10000 : i32
    %mul3A_2 = arith.muli %add3A, %mul3A_1 : i32
    %scan3A = arith.constant 0 : i32
    %scan3A_3 = arith.constant 0 : i32
    %scan3A_4 = arith.constant 64 : i32
    %scan3A_5 = arith.addi %scan3A_3, %scan3A_4 : i32
    %scan3A_6 = arith.constant 1 : i32
    %scan3A_7 = scf.for %scan3A_123 = %scan3A_3 to %scan3A_5 step %scan3A_6 iter_args(%scan3A_124 = %scan3A) -> (i32)  : i32 {
      %broadcast_in_dim3A_125 = arith.constant 0.000000e+00 : f32
      %broadcast_in_dim3A_126 = vector.broadcast %broadcast_in_dim3A_125 : f32 to vector<16xf32>
      %swap3A_127 = arith.index_cast %scan3A_123 : i32 to index
      %swap3A_128 = arith.constant 0 : index
      %swap3A_129 = tpu.vector_load %arg21[%swap3A_127, %swap3A_128] {strides = array<i32>} : memref<64x80xf32, #tpu.memory_space<vmem>>, vector<16xf32>,
      tpu.vector_store %arg21[%swap3A_127, %swap3A_128], %broadcast_in_dim3A_126 {strides = array<i32>} : memref<64x80xf32, #tpu.memory_space<vmem>>, vector<16xf32>,
      %broadcast_in_dim3A_130 = arith.constant 0.000000e+00 : f32
      %broadcast_in_dim3A_131 = vector.broadcast %broadcast_in_dim3A_130 : f32 to vector<16xf32>
      %swap3A_132 = arith.index_cast %scan3A_123 : i32 to index
      %swap3A_133 = arith.constant 16 : index
      %swap3A_134 = tpu.vector_load %arg21[%swap3A_132, %swap3A_133] {strides = array<i32>} : memref<64x80xf32, #tpu.memory_space<vmem>>, vector<16xf32>,
      tpu.vector_store %arg21[%swap3A_132, %swap3A_133], %broadcast_in_dim3A_131 {strides = array<i32>} : memref<64x80xf32, #tpu.memory_space<vmem>>, vector<16xf32>,
      %broadcast_in_dim3A_135 = arith.constant 0.000000e+00 : f32
      %broadcast_in_dim3A_136 = vector.broadcast %broadcast_in_dim3A_135 : f32 to vector<16xf32>
      %swap3A_137 = arith.index_cast %scan3A_123 : i32 to index
      %swap3A_138 = arith.constant 32 : index
      %swap3A_139 = tpu.vector_load %arg21[%swap3A_137, %swap3A_138] {strides = array<i32>} : memref<64x80xf32, #tpu.memory_space<vmem>>, vector<16xf32>,
      tpu.vector_store %arg21[%swap3A_137, %swap3A_138], %broadcast_in_dim3A_136 {strides = array<i32>} : memref<64x80xf32, #tpu.memory_space<vmem>>, vector<16xf32>,
      %broadcast_in_dim3A_140 = arith.constant 0.000000e+00 : f32
      %broadcast_in_dim3A_141 = vector.broadcast %broadcast_in_dim3A_140 : f32 to vector<16xf32>
      %swap3A_142 = arith.index_cast %scan3A_123 : i32 to index
      %swap3A_143 = arith.constant 48 : index
      %swap3A_144 = tpu.vector_load %arg21[%swap3A_142, %swap3A_143] {strides = array<i32>} : memref<64x80xf32, #tpu.memory_space<vmem>>, vector<16xf32>,
      tpu.vector_store %arg21[%swap3A_142, %swap3A_143], %broadcast_in_dim3A_141 {strides = array<i32>} : memref<64x80xf32, #tpu.memory_space<vmem>>, vector<16xf32>,
      %broadcast_in_dim3A_145 = arith.constant 0.000000e+00 : f32
      %broadcast_in_dim3A_146 = vector.broadcast %broadcast_in_dim3A_145 : f32 to vector<16xf32>
      %swap3A_147 = arith.index_cast %scan3A_123 : i32 to index
      %swap3A_148 = arith.constant 64 : index
      %swap3A_149 = tpu.vector_load %arg21[%swap3A_147, %swap3A_148] {strides = array<i32>} : memref<64x80xf32, #tpu.memory_space<vmem>>, vector<16xf32>,
      tpu.vector_store %arg21[%swap3A_147, %swap3A_148], %broadcast_in_dim3A_146 {strides = array<i32>} : memref<64x80xf32, #tpu.memory_space<vmem>>, vector<16xf32>,
      %scan3A_150 = arith.constant 0 : i32
      scf.yield %scan3A_150 : i32
    }
    %scan3A_8 = arith.constant 64 : i32
    %mul3A_9 = arith.constant 640 : i32
    %mul3A_10 = arith.muli %arg1, %mul3A_9 : i32
    %scan3A_11 = arith.constant 0 : i32
    %scan3A_12 = arith.constant 0 : i32
    %scan3A_13 = arith.constant 10 : i32
    %scan3A_14 = arith.addi %scan3A_12, %scan3A_13 : i32
    %scan3A_15 = arith.constant 1 : i32
    %scan3A_16 = scf.for %scan3A_123 = %scan3A_12 to %scan3A_14 step %scan3A_15 iter_args(%scan3A_124 = %scan3A_11) -> (i32)  : i32 {
      %mul3A_125 = arith.constant 64 : i32
      %mul3A_126 = arith.muli %scan3A_123, %mul3A_125 : i32
      %add3A_127 = arith.addi %mul3A_10, %mul3A_126 : i32
      "tpu.region"() ({
        %run_scoped3A = tpu.sem_alloc : memref<!tpu.dma_semaphore, #tpu.memory_space<semaphore_mem>>
        %dma_start3A_129 = arith.constant 0 : i32
        %dma_start3A_130 = tpu.memref_slice %arg22[%add3A_127, %dma_start3A_129] : memref<10240x80xf32, #tpu.memory_space<vmem_shared>> -> memref<64x80xf32, #tpu.memory_space<vmem_shared>>
        %dma_start3A_131 = arith.constant 0 : i32
        %dma_start3A_132 = tpu.memref_slice %arg22[%add3A_127, %dma_start3A_131] : memref<10240x80xf32, #tpu.memory_space<vmem_shared>> -> memref<64x80xf32, #tpu.memory_space<vmem_shared>>
        tpu.enqueue_dma source(%arg21 : memref<64x80xf32, #tpu.memory_space<vmem>>) target(%dma_start3A_132 : memref<64x80xf32, #tpu.memory_space<vmem_shared>>) target_semaphore(%run_scoped3A : memref<!tpu.dma_semaphore, #tpu.memory_space<semaphore_mem>>)
        %dma_wait3A_133 = arith.constant 0 : i32
        %dma_wait3A_134 = tpu.memref_slice %arg22[%add3A_127, %dma_wait3A_133] : memref<10240x80xf32, #tpu.memory_space<vmem_shared>> -> memref<64x80xf32, #tpu.memory_space<vmem_shared>>
        %dma_wait3A_135 = arith.constant 0 : i32
        %dma_wait3A_136 = tpu.memref_slice %arg22[%add3A_127, %dma_wait3A_135] : memref<10240x80xf32, #tpu.memory_space<vmem_shared>> -> memref<64x80xf32, #tpu.memory_space<vmem_shared>>
        tpu.wait_dma2 semaphore(%run_scoped3A : memref<!tpu.dma_semaphore, #tpu.memory_space<semaphore_mem>>) src(%arg21 : memref<64x80xf32, #tpu.memory_space<vmem>>) dst(%dma_wait3A_136 : memref<64x80xf32, #tpu.memory_space<vmem_shared>>)
        tpu.yield
      }) : () -> ()
      %scan3A_128 = arith.constant 0 : i32
      scf.yield %scan3A_128 : i32
    }
    %scan3A_17 = arith.constant 10 : i32
    "tpu.region"() ({
      %run_scoped3A = tpu.sem_alloc : memref<!tpu.dma_semaphore, #tpu.memory_space<semaphore_mem>>
      tpu.enqueue_dma source(%arg4 : memref<1x16xf32, #tpu.memory_space<hbm>>) target(%arg20 : memref<1x16xf32, #tpu.memory_space<vmem>>) target_semaphore(%run_scoped3A : memref<!tpu.dma_semaphore, #tpu.memory_space<semaphore_mem>>)
      tpu.wait_dma2 semaphore(%run_scoped3A : memref<!tpu.dma_semaphore, #tpu.memory_space<semaphore_mem>>) src(%arg4 : memref<1x16xf32, #tpu.memory_space<hbm>>) dst(%arg20 : memref<1x16xf32, #tpu.memory_space<vmem>>)
      tpu.yield
    }) : () -> ()
    %barrier3A = arith.constant 0 : index
    tpu.barrier barrier_id(%barrier3A)
    %broadcast_in_dim3A = arith.constant 0 : i32
    %broadcast_in_dim3A_18 = vector.broadcast %broadcast_in_dim3A : i32 to vector<16xi32>
    %iota3A = tpu.iota {dimensions = array<i32: 0>} : vector<16xi32>
    %jit3A = arith.constant 8 : i32
    %div3A = vector.broadcast %jit3A : i32 to vector<16xi32>
    %div3A_19 = arith.divsi %iota3A, %div3A : vector<16xi32>
    %sign3A = arith.constant 0 : i32
    %sign3A_20 = vector.broadcast %sign3A : i32 to vector<16xi32>
    %sign3A_21 = arith.cmpi sgt, %iota3A, %sign3A_20 : vector<16xi32>
    %sign3A_22 = arith.extui %sign3A_21 : vector<16xi1> to vector<16xi32>
    %sign3A_23 = arith.constant 0 : i32
    %sign3A_24 = vector.broadcast %sign3A_23 : i32 to vector<16xi32>
    %sign3A_25 = arith.cmpi slt, %iota3A, %sign3A_24 : vector<16xi32>
    %sign3A_26 = arith.extui %sign3A_25 : vector<16xi1> to vector<16xi32>
    %sign3A_27 = arith.subi %sign3A_22, %sign3A_26 : vector<16xi32>
    %sign3A_28 = arith.constant 0 : i32
    %sign3A_29 = arith.cmpi sgt, %jit3A, %sign3A_28 : i32
    %sign3A_30 = arith.extui %sign3A_29 : i1 to i32
    %sign3A_31 = arith.constant 0 : i32
    %sign3A_32 = arith.cmpi slt, %jit3A, %sign3A_31 : i32
    %sign3A_33 = arith.extui %sign3A_32 : i1 to i32
    %sign3A_34 = arith.subi %sign3A_30, %sign3A_33 : i32
    %ne3A = vector.broadcast %sign3A_34 : i32 to vector<16xi32>
    %ne3A_35 = arith.cmpi ne, %sign3A_27, %ne3A : vector<16xi32>
    %rem3A = vector.broadcast %jit3A : i32 to vector<16xi32>
    %rem3A_36 = arith.remsi %iota3A, %rem3A : vector<16xi32>
    %ne3A_37 = arith.constant 0 : i32
    %ne3A_38 = vector.broadcast %ne3A_37 : i32 to vector<16xi32>
    %ne3A_39 = arith.cmpi ne, %rem3A_36, %ne3A_38 : vector<16xi32>
    %and3A = arith.andi %ne3A_35, %ne3A_39 : vector<16xi1>
    %sub3A = arith.constant 1 : i32
    %sub3A_40 = vector.broadcast %sub3A : i32 to vector<16xi32>
    %sub3A_41 = arith.subi %div3A_19, %sub3A_40 : vector<16xi32>
    %select_n3A = arith.select %and3A, %sub3A_41, %div3A_19 : vector<16xi1>, vector<16xi32>
    %and3A_42 = arith.constant 7 : i32
    %and3A_43 = vector.broadcast %and3A_42 : i32 to vector<16xi32>
    %and3A_44 = arith.andi %iota3A, %and3A_43 : vector<16xi32>
    %add3A_45 = arith.constant 8 : i32
    %add3A_46 = vector.broadcast %add3A_45 : i32 to vector<16xi32>
    %add3A_47 = arith.addi %and3A_44, %add3A_46 : vector<16xi32>
    %gather3A = tpu.vector_load_idx %arg20[%broadcast_in_dim3A_18, %add3A_47] : memref<1x16xf32, #tpu.memory_space<vmem>>[vector<16xi32>, vector<16xi32>], vector<16xf32>,
    %add3A_48 = arith.constant 0 : i32
    %add3A_49 = arith.addi %mul3A_2, %add3A_48 : i32
    %dma_start3A = tpu.memref_slice %arg5[%add3A_49] : memref<320000xi32, #tpu.memory_space<hbm>> -> memref<80xi32, #tpu.memory_space<hbm>>
    %dma_start3A_50 = tpu.memref_slice %arg5[%add3A_49] : memref<320000xi32, #tpu.memory_space<hbm>> -> memref<80xi32, #tpu.memory_space<hbm>>
    tpu.enqueue_dma source(%dma_start3A_50 : memref<80xi32, #tpu.memory_space<hbm>>) target(%arg8 : memref<80xi32, #tpu.memory_space<vmem>>) target_semaphore(%arg23 : memref<!tpu.dma_semaphore, #tpu.memory_space<semaphore_mem>>)
    %dma_start3A_51 = tpu.memref_slice %arg6[%add3A_49] : memref<320000xi32, #tpu.memory_space<hbm>> -> memref<80xi32, #tpu.memory_space<hbm>>
    %dma_start3A_52 = tpu.memref_slice %arg6[%add3A_49] : memref<320000xi32, #tpu.memory_space<hbm>> -> memref<80xi32, #tpu.memory_space<hbm>>
    tpu.enqueue_dma source(%dma_start3A_52 : memref<80xi32, #tpu.memory_space<hbm>>) target(%arg10 : memref<80xi32, #tpu.memory_space<vmem>>) target_semaphore(%arg23 : memref<!tpu.dma_semaphore, #tpu.memory_space<semaphore_mem>>)
    %add3A_53 = arith.constant 80 : i32
    %add3A_54 = arith.addi %mul3A_2, %add3A_53 : i32
    %dma_start3A_55 = tpu.memref_slice %arg5[%add3A_54] : memref<320000xi32, #tpu.memory_space<hbm>> -> memref<80xi32, #tpu.memory_space<hbm>>
    %dma_start3A_56 = tpu.memref_slice %arg5[%add3A_54] : memref<320000xi32, #tpu.memory_space<hbm>> -> memref<80xi32, #tpu.memory_space<hbm>>
    tpu.enqueue_dma source(%dma_start3A_56 : memref<80xi32, #tpu.memory_space<hbm>>) target(%arg9 : memref<80xi32, #tpu.memory_space<vmem>>) target_semaphore(%arg24 : memref<!tpu.dma_semaphore, #tpu.memory_space<semaphore_mem>>)
    %dma_start3A_57 = tpu.memref_slice %arg6[%add3A_54] : memref<320000xi32, #tpu.memory_space<hbm>> -> memref<80xi32, #tpu.memory_space<hbm>>
    %dma_start3A_58 = tpu.memref_slice %arg6[%add3A_54] : memref<320000xi32, #tpu.memory_space<hbm>> -> memref<80xi32, #tpu.memory_space<hbm>>
    tpu.enqueue_dma source(%dma_start3A_58 : memref<80xi32, #tpu.memory_space<hbm>>) target(%arg11 : memref<80xi32, #tpu.memory_space<vmem>>) target_semaphore(%arg24 : memref<!tpu.dma_semaphore, #tpu.memory_space<semaphore_mem>>)
    %dma_wait3A = arith.constant 0 : i32
    %dma_wait3A_59 = tpu.memref_slice %arg5[%dma_wait3A] : memref<320000xi32, #tpu.memory_space<hbm>> -> memref<80xi32, #tpu.memory_space<hbm>>
    %dma_wait3A_60 = arith.constant 0 : i32
    %dma_wait3A_61 = tpu.memref_slice %arg5[%dma_wait3A_60] : memref<320000xi32, #tpu.memory_space<hbm>> -> memref<80xi32, #tpu.memory_space<hbm>>
    tpu.wait_dma2 semaphore(%arg23 : memref<!tpu.dma_semaphore, #tpu.memory_space<semaphore_mem>>) src(%dma_wait3A_61 : memref<80xi32, #tpu.memory_space<hbm>>) dst(%arg8 : memref<80xi32, #tpu.memory_space<vmem>>)
    %dma_wait3A_62 = arith.constant 0 : i32
    %dma_wait3A_63 = tpu.memref_slice %arg6[%dma_wait3A_62] : memref<320000xi32, #tpu.memory_space<hbm>> -> memref<80xi32, #tpu.memory_space<hbm>>
    %dma_wait3A_64 = arith.constant 0 : i32
    %dma_wait3A_65 = tpu.memref_slice %arg6[%dma_wait3A_64] : memref<320000xi32, #tpu.memory_space<hbm>> -> memref<80xi32, #tpu.memory_space<hbm>>
    tpu.wait_dma2 semaphore(%arg23 : memref<!tpu.dma_semaphore, #tpu.memory_space<semaphore_mem>>) src(%dma_wait3A_65 : memref<80xi32, #tpu.memory_space<hbm>>) dst(%arg10 : memref<80xi32, #tpu.memory_space<vmem>>)
    %dma_start3A_66 = arith.constant 0 : i32
    %dma_start3A_67 = arith.constant 0 : i32
    %dma_start3A_68 = tpu.memref_slice %arg2[%dma_start3A_66, %dma_start3A_67] : memref<10000x80xf32, #tpu.memory_space<hbm>> -> memref<10000x80xf32, #tpu.memory_space<hbm>>
    tpu.enqueue_indirect_dma source(%dma_start3A_68 : memref<10000x80xf32, #tpu.memory_space<hbm>>) target(%arg14 : memref<80x80xf32, #tpu.memory_space<vmem>>) offsets(%arg8 : memref<80xi32, #tpu.memory_space<vmem>>) semaphore(%arg25 : memref<!tpu.dma_semaphore, #tpu.memory_space<semaphore_mem>>)
    %dma_start3A_69 = arith.constant 0 : i32
    %dma_start3A_70 = arith.constant 0 : i32
    %dma_start3A_71 = tpu.memref_slice %arg3[%dma_start3A_69, %dma_start3A_70] : memref<10000x16xf32, #tpu.memory_space<hbm>> -> memref<10000x16xf32, #tpu.memory_space<hbm>>
    tpu.enqueue_indirect_dma source(%dma_start3A_71 : memref<10000x16xf32, #tpu.memory_space<hbm>>) target(%arg16 : memref<80x16xf32, #tpu.memory_space<vmem>>) offsets(%arg10 : memref<80xi32, #tpu.memory_space<vmem>>) semaphore(%arg25 : memref<!tpu.dma_semaphore, #tpu.memory_space<semaphore_mem>>)
    %scan3A_72 = arith.constant 0 : i32
    %scan3A_73 = arith.constant 0 : i32
    %scan3A_74 = arith.constant 62 : i32
    %scan3A_75 = arith.addi %scan3A_73, %scan3A_74 : i32
    %scan3A_76 = arith.constant 1 : i32
    %scan3A_77 = scf.for %scan3A_123 = %scan3A_73 to %scan3A_75 step %scan3A_76 iter_args(%scan3A_124 = %scan3A_72) -> (i32)  : i32 {
      %mul3A_125 = arith.constant 2 : i32
      %mul3A_126 = arith.muli %mul3A_125, %scan3A_123 : i32
      %dma_wait3A_127 = arith.constant 0 : i32
      %dma_wait3A_128 = arith.constant 0 : i32
      %dma_wait3A_129 = tpu.memref_slice %arg2[%dma_wait3A_127, %dma_wait3A_128] : memref<10000x80xf32, #tpu.memory_space<hbm>> -> memref<10000x80xf32, #tpu.memory_space<hbm>>
      tpu.wait_indirect_dma semaphore(%arg25 : memref<!tpu.dma_semaphore, #tpu.memory_space<semaphore_mem>>) src(%dma_wait3A_129 : memref<10000x80xf32, #tpu.memory_space<hbm>>) dst(%arg14 : memref<80x80xf32, #tpu.memory_space<vmem>>)
      %dma_wait3A_130 = arith.constant 0 : i32
      %dma_wait3A_131 = arith.constant 0 : i32
      %dma_wait3A_132 = tpu.memref_slice %arg3[%dma_wait3A_130, %dma_wait3A_131] : memref<10000x16xf32, #tpu.memory_space<hbm>> -> memref<10000x16xf32, #tpu.memory_space<hbm>>
      tpu.wait_indirect_dma semaphore(%arg25 : memref<!tpu.dma_semaphore, #tpu.memory_space<semaphore_mem>>) src(%dma_wait3A_132 : memref<10000x16xf32, #tpu.memory_space<hbm>>) dst(%arg16 : memref<80x16xf32, #tpu.memory_space<vmem>>)
      %dma_wait3A_133 = arith.constant 0 : i32
      %dma_wait3A_134 = tpu.memref_slice %arg5[%dma_wait3A_133] : memref<320000xi32, #tpu.memory_space<hbm>> -> memref<80xi32, #tpu.memory_space<hbm>>
      %dma_wait3A_135 = arith.constant 0 : i32
      %dma_wait3A_136 = tpu.memref_slice %arg5[%dma_wait3A_135] : memref<320000xi32, #tpu.memory_space<hbm>> -> memref<80xi32, #tpu.memory_space<hbm>>
      tpu.wait_dma2 semaphore(%arg24 : memref<!tpu.dma_semaphore, #tpu.memory_space<semaphore_mem>>) src(%dma_wait3A_136 : memref<80xi32, #tpu.memory_space<hbm>>) dst(%arg9 : memref<80xi32, #tpu.memory_space<vmem>>)
      %dma_wait3A_137 = arith.constant 0 : i32
      %dma_wait3A_138 = tpu.memref_slice %arg6[%dma_wait3A_137] : memref<320000xi32, #tpu.memory_space<hbm>> -> memref<80xi32, #tpu.memory_space<hbm>>
      %dma_wait3A_139 = arith.constant 0 : i32
      %dma_wait3A_140 = tpu.memref_slice %arg6[%dma_wait3A_139] : memref<320000xi32, #tpu.memory_space<hbm>> -> memref<80xi32, #tpu.memory_space<hbm>>
      tpu.wait_dma2 semaphore(%arg24 : memref<!tpu.dma_semaphore, #tpu.memory_space<semaphore_mem>>) src(%dma_wait3A_140 : memref<80xi32, #tpu.memory_space<hbm>>) dst(%arg11 : memref<80xi32, #tpu.memory_space<vmem>>)
      %dma_start3A_141 = arith.constant 0 : i32
      %dma_start3A_142 = arith.constant 0 : i32
      %dma_start3A_143 = tpu.memref_slice %arg2[%dma_start3A_141, %dma_start3A_142] : memref<10000x80xf32, #tpu.memory_space<hbm>> -> memref<10000x80xf32, #tpu.memory_space<hbm>>
      tpu.enqueue_indirect_dma source(%dma_start3A_143 : memref<10000x80xf32, #tpu.memory_space<hbm>>) target(%arg15 : memref<80x80xf32, #tpu.memory_space<vmem>>) offsets(%arg9 : memref<80xi32, #tpu.memory_space<vmem>>) semaphore(%arg26 : memref<!tpu.dma_semaphore, #tpu.memory_space<semaphore_mem>>)
      %dma_start3A_144 = arith.constant 0 : i32
      %dma_start3A_145 = arith.constant 0 : i32
      %dma_start3A_146 = tpu.memref_slice %arg3[%dma_start3A_144, %dma_start3A_145] : memref<10000x16xf32, #tpu.memory_space<hbm>> -> memref<10000x16xf32, #tpu.memory_space<hbm>>
      tpu.enqueue_indirect_dma source(%dma_start3A_146 : memref<10000x16xf32, #tpu.memory_space<hbm>>) target(%arg17 : memref<80x16xf32, #tpu.memory_space<vmem>>) offsets(%arg11 : memref<80xi32, #tpu.memory_space<vmem>>) semaphore(%arg26 : memref<!tpu.dma_semaphore, #tpu.memory_space<semaphore_mem>>)
      %ge3A = arith.constant 2 : i32
      %ge3A_147 = arith.cmpi sge, %mul3A_126, %ge3A : i32
      %convert_element_type3A = arith.extui %ge3A_147 : i1 to i32
      %cond3A = arith.constant 0 : i32
      %cond3A_148 = arith.cmpi ne, %convert_element_type3A, %cond3A : i32
      scf.if %cond3A_148 {
        %dma_wait3A_252 = arith.constant 0 : i32
        %dma_wait3A_253 = arith.constant 0 : i32
        %dma_wait3A_254 = tpu.memref_slice %arg22[%dma_wait3A_252, %dma_wait3A_253] : memref<10240x80xf32, #tpu.memory_space<vmem_shared>> -> memref<10240x80xf32, #tpu.memory_space<vmem_shared>>
        tpu.wait_indirect_dma semaphore(%arg27 : memref<!tpu.dma_semaphore, #tpu.memory_space<semaphore_mem>>) src(%arg18 : memref<80x80xf32, #tpu.memory_space<vmem>>) dst(%dma_wait3A_254 : memref<10240x80xf32, #tpu.memory_space<vmem_shared>>)
      } else {
      }
      %get3A_149 = arith.constant 0 : index
      %get3A_150 = tpu.vector_load %arg10[%get3A_149] {strides = array<i32>} : memref<80xi32, #tpu.memory_space<vmem>>, vector<16xi32>,
      %swap3A_151 = arith.constant 0 : index
      %swap3A_152 = tpu.vector_load %arg12[%swap3A_151] {strides = array<i32>} : memref<80xi32, #tpu.memory_space<vmem>>, vector<16xi32>,
      tpu.vector_store %arg12[%swap3A_151], %get3A_150 {strides = array<i32>} : memref<80xi32, #tpu.memory_space<vmem>>, vector<16xi32>,
      %get3A_153 = arith.constant 16 : index
      %get3A_154 = tpu.vector_load %arg10[%get3A_153] {strides = array<i32>} : memref<80xi32, #tpu.memory_space<vmem>>, vector<16xi32>,
      %swap3A_155 = arith.constant 16 : index
      %swap3A_156 = tpu.vector_load %arg12[%swap3A_155] {strides = array<i32>} : memref<80xi32, #tpu.memory_space<vmem>>, vector<16xi32>,
      tpu.vector_store %arg12[%swap3A_155], %get3A_154 {strides = array<i32>} : memref<80xi32, #tpu.memory_space<vmem>>, vector<16xi32>,
      %get3A_157 = arith.constant 32 : index
      %get3A_158 = tpu.vector_load %arg10[%get3A_157] {strides = array<i32>} : memref<80xi32, #tpu.memory_space<vmem>>, vector<16xi32>,
      %swap3A_159 = arith.constant 32 : index
      %swap3A_160 = tpu.vector_load %arg12[%swap3A_159] {strides = array<i32>} : memref<80xi32, #tpu.memory_space<vmem>>, vector<16xi32>,
      tpu.vector_store %arg12[%swap3A_159], %get3A_158 {strides = array<i32>} : memref<80xi32, #tpu.memory_space<vmem>>, vector<16xi32>,
      %get3A_161 = arith.constant 48 : index
      %get3A_162 = tpu.vector_load %arg10[%get3A_161] {strides = array<i32>} : memref<80xi32, #tpu.memory_space<vmem>>, vector<16xi32>,
      %swap3A_163 = arith.constant 48 : index
      %swap3A_164 = tpu.vector_load %arg12[%swap3A_163] {strides = array<i32>} : memref<80xi32, #tpu.memory_space<vmem>>, vector<16xi32>,
      tpu.vector_store %arg12[%swap3A_163], %get3A_162 {strides = array<i32>} : memref<80xi32, #tpu.memory_space<vmem>>, vector<16xi32>,
      %get3A_165 = arith.constant 64 : index
      %get3A_166 = tpu.vector_load %arg10[%get3A_165] {strides = array<i32>} : memref<80xi32, #tpu.memory_space<vmem>>, vector<16xi32>,
      %swap3A_167 = arith.constant 64 : index
      %swap3A_168 = tpu.vector_load %arg12[%swap3A_167] {strides = array<i32>} : memref<80xi32, #tpu.memory_space<vmem>>, vector<16xi32>,
      tpu.vector_store %arg12[%swap3A_167], %get3A_166 {strides = array<i32>} : memref<80xi32, #tpu.memory_space<vmem>>, vector<16xi32>,
      %add3A_169 = arith.constant 2 : i32
      %add3A_170 = arith.addi %mul3A_126, %add3A_169 : i32
      %lt3A = arith.constant 125 : i32
      %lt3A_171 = arith.cmpi slt, %add3A_170, %lt3A : i32
      %convert_element_type3A_172 = arith.extui %lt3A_171 : i1 to i32
      %cond3A_173 = arith.constant 0 : i32
      %cond3A_174 = arith.cmpi ne, %convert_element_type3A_172, %cond3A_173 : i32
      scf.if %cond3A_174 {
        %add3A_252 = arith.constant 2 : i32
        %add3A_253 = arith.addi %mul3A_126, %add3A_252 : i32
        %mul3A_254 = arith.constant 80 : i32
        %mul3A_255 = arith.muli %add3A_253, %mul3A_254 : i32
        %add3A_256 = arith.addi %mul3A_2, %mul3A_255 : i32
        %dma_start3A_257 = tpu.memref_slice %arg5[%add3A_256] : memref<320000xi32, #tpu.memory_space<hbm>> -> memref<80xi32, #tpu.memory_space<hbm>>
        %dma_start3A_258 = tpu.memref_slice %arg5[%add3A_256] : memref<320000xi32, #tpu.memory_space<hbm>> -> memref<80xi32, #tpu.memory_space<hbm>>
        tpu.enqueue_dma source(%dma_start3A_258 : memref<80xi32, #tpu.memory_space<hbm>>) target(%arg8 : memref<80xi32, #tpu.memory_space<vmem>>) target_semaphore(%arg23 : memref<!tpu.dma_semaphore, #tpu.memory_space<semaphore_mem>>)
        %dma_start3A_259 = tpu.memref_slice %arg6[%add3A_256] : memref<320000xi32, #tpu.memory_space<hbm>> -> memref<80xi32, #tpu.memory_space<hbm>>
        %dma_start3A_260 = tpu.memref_slice %arg6[%add3A_256] : memref<320000xi32, #tpu.memory_space<hbm>> -> memref<80xi32, #tpu.memory_space<hbm>>
        tpu.enqueue_dma source(%dma_start3A_260 : memref<80xi32, #tpu.memory_space<hbm>>) target(%arg10 : memref<80xi32, #tpu.memory_space<vmem>>) target_semaphore(%arg23 : memref<!tpu.dma_semaphore, #tpu.memory_space<semaphore_mem>>)
      } else {
      }
      %scan3A_175 = arith.constant 0 : i32
      %scan3A_176 = arith.constant 0 : i32
      %scan3A_177 = arith.constant 20 : i32
      %scan3A_178 = arith.addi %scan3A_176, %scan3A_177 : i32
      %scan3A_179 = arith.constant 1 : i32
      %scan3A_180 = scf.for %scan3A_252 = %scan3A_176 to %scan3A_178 step %scan3A_179 iter_args(%scan3A_253 = %scan3A_175) -> (i32)  : i32 {
        %mul3A_254 = arith.constant 4 : i32
        %mul3A_255 = arith.muli %scan3A_252, %mul3A_254 : i32
        %add3A_256 = arith.constant 0 : i32
        %add3A_257 = arith.addi %mul3A_255, %add3A_256 : i32
        %add3A_258 = vector.broadcast %add3A_257 : i32 to vector<16xi32>
        %add3A_259 = arith.addi %add3A_258, %select_n3A : vector<16xi32>
        %add3A_260 = arith.constant 64 : i32
        %add3A_261 = vector.broadcast %add3A_260 : i32 to vector<16xi32>
        %add3A_262 = arith.addi %and3A_44, %add3A_261 : vector<16xi32>
        %gather3A_263 = tpu.vector_load_idx %arg14[%add3A_259, %add3A_262] : memref<80x80xf32, #tpu.memory_space<vmem>>[vector<16xi32>, vector<16xi32>], vector<16xf32>,
        %gather3A_264 = tpu.vector_load_idx %arg16[%add3A_259, %and3A_44] : memref<80x16xf32, #tpu.memory_space<vmem>>[vector<16xi32>, vector<16xi32>], vector<16xf32>,
        %add3A_265 = arith.addf %gather3A_263, %gather3A_264 : vector<16xf32>
        %mul3A_266 = arith.constant 2.000000e-01 : f32
        %mul3A_267 = vector.broadcast %mul3A_266 : f32 to vector<16xf32>
        %mul3A_268 = arith.mulf %mul3A_267, %add3A_265 : vector<16xf32>
        %max3A = arith.maximumf %add3A_265, %mul3A_268 : vector<16xf32>
        %add3A_269 = arith.addf %gather3A_264, %gather3A : vector<16xf32>
        %mul3A_270 = arith.constant 2.000000e-01 : f32
        %mul3A_271 = vector.broadcast %mul3A_270 : f32 to vector<16xf32>
        %mul3A_272 = arith.mulf %mul3A_271, %add3A_269 : vector<16xf32>
        %max3A_273 = arith.maximumf %add3A_269, %mul3A_272 : vector<16xf32>
        %sub3A_274 = arith.subf %max3A, %max3A_273 : vector<16xf32>
        %exp3A = math.exp %sub3A_274 : vector<16xf32>
        %add3A_275 = arith.constant 64 : i32
        %add3A_276 = vector.broadcast %add3A_275 : i32 to vector<16xi32>
        %add3A_277 = arith.addi %and3A_44, %add3A_276 : vector<16xi32>
        tpu.vector_store_idx %arg18[%add3A_259, %add3A_277], %exp3A : memref<80x80xf32, #tpu.memory_space<vmem>>[vector<16xi32>, vector<16xi32>], vector<16xf32>,
        %mul3A_278 = arith.constant 4 : i32
        %mul3A_279 = arith.muli %scan3A_252, %mul3A_278 : i32
        %add3A_280 = arith.constant 2 : i32
        %add3A_281 = arith.addi %mul3A_279, %add3A_280 : i32
        %add3A_282 = vector.broadcast %add3A_281 : i32 to vector<16xi32>
        %add3A_283 = arith.addi %add3A_282, %select_n3A : vector<16xi32>
        %add3A_284 = arith.constant 64 : i32
        %add3A_285 = vector.broadcast %add3A_284 : i32 to vector<16xi32>
        %add3A_286 = arith.addi %and3A_44, %add3A_285 : vector<16xi32>
        %gather3A_287 = tpu.vector_load_idx %arg14[%add3A_283, %add3A_286] : memref<80x80xf32, #tpu.memory_space<vmem>>[vector<16xi32>, vector<16xi32>], vector<16xf32>,
        %gather3A_288 = tpu.vector_load_idx %arg16[%add3A_283, %and3A_44] : memref<80x16xf32, #tpu.memory_space<vmem>>[vector<16xi32>, vector<16xi32>], vector<16xf32>,
        %add3A_289 = arith.addf %gather3A_287, %gather3A_288 : vector<16xf32>
        %mul3A_290 = arith.constant 2.000000e-01 : f32
        %mul3A_291 = vector.broadcast %mul3A_290 : f32 to vector<16xf32>
        %mul3A_292 = arith.mulf %mul3A_291, %add3A_289 : vector<16xf32>
        %max3A_293 = arith.maximumf %add3A_289, %mul3A_292 : vector<16xf32>
        %add3A_294 = arith.addf %gather3A_288, %gather3A : vector<16xf32>
        %mul3A_295 = arith.constant 2.000000e-01 : f32
        %mul3A_296 = vector.broadcast %mul3A_295 : f32 to vector<16xf32>
        %mul3A_297 = arith.mulf %mul3A_296, %add3A_294 : vector<16xf32>
        %max3A_298 = arith.maximumf %add3A_294, %mul3A_297 : vector<16xf32>
        %sub3A_299 = arith.subf %max3A_293, %max3A_298 : vector<16xf32>
        %exp3A_300 = math.exp %sub3A_299 : vector<16xf32>
        %add3A_301 = arith.constant 64 : i32
        %add3A_302 = vector.broadcast %add3A_301 : i32 to vector<16xi32>
        %add3A_303 = arith.addi %and3A_44, %add3A_302 : vector<16xi32>
        tpu.vector_store_idx %arg18[%add3A_283, %add3A_303], %exp3A_300 : memref<80x80xf32, #tpu.memory_space<vmem>>[vector<16xi32>, vector<16xi32>], vector<16xf32>,
        %mul3A_304 = arith.constant 4 : i32
        %mul3A_305 = arith.muli %scan3A_252, %mul3A_304 : i32
        %add3A_306 = arith.constant 0 : i32
        %add3A_307 = arith.addi %mul3A_305, %add3A_306 : i32
        %broadcast_in_dim3A_308 = vector.broadcast %add3A_307 : i32 to vector<16xi32>
        %add3A_309 = arith.constant 64 : i32
        %add3A_310 = vector.broadcast %add3A_309 : i32 to vector<16xi32>
        %add3A_311 = arith.addi %add3A_310, %select_n3A : vector<16xi32>
        %add3A_312 = arith.constant 0 : i32
        %add3A_313 = vector.broadcast %add3A_312 : i32 to vector<16xi32>
        %add3A_314 = arith.addi %add3A_311, %add3A_313 : vector<16xi32>
        %gather3A_315 = tpu.vector_load_idx %arg18[%broadcast_in_dim3A_308, %add3A_314] : memref<80x80xf32, #tpu.memory_space<vmem>>[vector<16xi32>, vector<16xi32>], vector<16xf32>,
        %get3A_316 = arith.index_cast %add3A_307 : i32 to index
        %get3A_317 = arith.constant 0 : index
        %get3A_318 = tpu.vector_load %arg14[%get3A_316, %get3A_317] {strides = array<i32>} : memref<80x80xf32, #tpu.memory_space<vmem>>, vector<16xf32>,
        %mul3A_319 = arith.mulf %get3A_318, %gather3A_315 : vector<16xf32>
        %swap3A_320 = arith.index_cast %add3A_307 : i32 to index
        %swap3A_321 = arith.constant 0 : index
        %swap3A_322 = tpu.vector_load %arg18[%swap3A_320, %swap3A_321] {strides = array<i32>} : memref<80x80xf32, #tpu.memory_space<vmem>>, vector<16xf32>,
        tpu.vector_store %arg18[%swap3A_320, %swap3A_321], %mul3A_319 {strides = array<i32>} : memref<80x80xf32, #tpu.memory_space<vmem>>, vector<16xf32>,
        %add3A_323 = arith.constant 64 : i32
        %add3A_324 = vector.broadcast %add3A_323 : i32 to vector<16xi32>
        %add3A_325 = arith.addi %add3A_324, %select_n3A : vector<16xi32>
        %add3A_326 = arith.constant 2 : i32
        %add3A_327 = vector.broadcast %add3A_326 : i32 to vector<16xi32>
        %add3A_328 = arith.addi %add3A_325, %add3A_327 : vector<16xi32>
        %gather3A_329 = tpu.vector_load_idx %arg18[%broadcast_in_dim3A_308, %add3A_328] : memref<80x80xf32, #tpu.memory_space<vmem>>[vector<16xi32>, vector<16xi32>], vector<16xf32>,
        %get3A_330 = arith.index_cast %add3A_307 : i32 to index
        %get3A_331 = arith.constant 16 : index
        %get3A_332 = tpu.vector_load %arg14[%get3A_330, %get3A_331] {strides = array<i32>} : memref<80x80xf32, #tpu.memory_space<vmem>>, vector<16xf32>,
        %mul3A_333 = arith.mulf %get3A_332, %gather3A_329 : vector<16xf32>
        %swap3A_334 = arith.index_cast %add3A_307 : i32 to index
        %swap3A_335 = arith.constant 16 : index
        %swap3A_336 = tpu.vector_load %arg18[%swap3A_334, %swap3A_335] {strides = array<i32>} : memref<80x80xf32, #tpu.memory_space<vmem>>, vector<16xf32>,
        tpu.vector_store %arg18[%swap3A_334, %swap3A_335], %mul3A_333 {strides = array<i32>} : memref<80x80xf32, #tpu.memory_space<vmem>>, vector<16xf32>,
        %add3A_337 = arith.constant 64 : i32
        %add3A_338 = vector.broadcast %add3A_337 : i32 to vector<16xi32>
        %add3A_339 = arith.addi %add3A_338, %select_n3A : vector<16xi32>
        %add3A_340 = arith.constant 4 : i32
        %add3A_341 = vector.broadcast %add3A_340 : i32 to vector<16xi32>
        %add3A_342 = arith.addi %add3A_339, %add3A_341 : vector<16xi32>
        %gather3A_343 = tpu.vector_load_idx %arg18[%broadcast_in_dim3A_308, %add3A_342] : memref<80x80xf32, #tpu.memory_space<vmem>>[vector<16xi32>, vector<16xi32>], vector<16xf32>,
        %get3A_344 = arith.index_cast %add3A_307 : i32 to index
        %get3A_345 = arith.constant 32 : index
        %get3A_346 = tpu.vector_load %arg14[%get3A_344, %get3A_345] {strides = array<i32>} : memref<80x80xf32, #tpu.memory_space<vmem>>, vector<16xf32>,
        %mul3A_347 = arith.mulf %get3A_346, %gather3A_343 : vector<16xf32>
        %swap3A_348 = arith.index_cast %add3A_307 : i32 to index
        %swap3A_349 = arith.constant 32 : index
        %swap3A_350 = tpu.vector_load %arg18[%swap3A_348, %swap3A_349] {strides = array<i32>} : memref<80x80xf32, #tpu.memory_space<vmem>>, vector<16xf32>,
        tpu.vector_store %arg18[%swap3A_348, %swap3A_349], %mul3A_347 {strides = array<i32>} : memref<80x80xf32, #tpu.memory_space<vmem>>, vector<16xf32>,
        %add3A_351 = arith.constant 64 : i32
        %add3A_352 = vector.broadcast %add3A_351 : i32 to vector<16xi32>
        %add3A_353 = arith.addi %add3A_352, %select_n3A : vector<16xi32>
        %add3A_354 = arith.constant 6 : i32
        %add3A_355 = vector.broadcast %add3A_354 : i32 to vector<16xi32>
        %add3A_356 = arith.addi %add3A_353, %add3A_355 : vector<16xi32>
        %gather3A_357 = tpu.vector_load_idx %arg18[%broadcast_in_dim3A_308, %add3A_356] : memref<80x80xf32, #tpu.memory_space<vmem>>[vector<16xi32>, vector<16xi32>], vector<16xf32>,
        %get3A_358 = arith.index_cast %add3A_307 : i32 to index
        %get3A_359 = arith.constant 48 : index
        %get3A_360 = tpu.vector_load %arg14[%get3A_358, %get3A_359] {strides = array<i32>} : memref<80x80xf32, #tpu.memory_space<vmem>>, vector<16xf32>,
        %mul3A_361 = arith.mulf %get3A_360, %gather3A_357 : vector<16xf32>
        %swap3A_362 = arith.index_cast %add3A_307 : i32 to index
        %swap3A_363 = arith.constant 48 : index
        %swap3A_364 = tpu.vector_load %arg18[%swap3A_362, %swap3A_363] {strides = array<i32>} : memref<80x80xf32, #tpu.memory_space<vmem>>, vector<16xf32>,
        tpu.vector_store %arg18[%swap3A_362, %swap3A_363], %mul3A_361 {strides = array<i32>} : memref<80x80xf32, #tpu.memory_space<vmem>>, vector<16xf32>,
        %mul3A_365 = arith.constant 4 : i32
        %mul3A_366 = arith.muli %scan3A_252, %mul3A_365 : i32
        %add3A_367 = arith.constant 1 : i32
        %add3A_368 = arith.addi %mul3A_366, %add3A_367 : i32
        %broadcast_in_dim3A_369 = vector.broadcast %add3A_368 : i32 to vector<16xi32>
        %add3A_370 = arith.constant 64 : i32
        %add3A_371 = vector.broadcast %add3A_370 : i32 to vector<16xi32>
        %add3A_372 = arith.addi %add3A_371, %select_n3A : vector<16xi32>
        %add3A_373 = arith.constant 0 : i32
        %add3A_374 = vector.broadcast %add3A_373 : i32 to vector<16xi32>
        %add3A_375 = arith.addi %add3A_372, %add3A_374 : vector<16xi32>
        %gather3A_376 = tpu.vector_load_idx %arg18[%broadcast_in_dim3A_369, %add3A_375] : memref<80x80xf32, #tpu.memory_space<vmem>>[vector<16xi32>, vector<16xi32>], vector<16xf32>,
        %get3A_377 = arith.index_cast %add3A_368 : i32 to index
        %get3A_378 = arith.constant 0 : index
        %get3A_379 = tpu.vector_load %arg14[%get3A_377, %get3A_378] {strides = array<i32>} : memref<80x80xf32, #tpu.memory_space<vmem>>, vector<16xf32>,
        %mul3A_380 = arith.mulf %get3A_379, %gather3A_376 : vector<16xf32>
        %swap3A_381 = arith.index_cast %add3A_368 : i32 to index
        %swap3A_382 = arith.constant 0 : index
        %swap3A_383 = tpu.vector_load %arg18[%swap3A_381, %swap3A_382] {strides = array<i32>} : memref<80x80xf32, #tpu.memory_space<vmem>>, vector<16xf32>,
        tpu.vector_store %arg18[%swap3A_381, %swap3A_382], %mul3A_380 {strides = array<i32>} : memref<80x80xf32, #tpu.memory_space<vmem>>, vector<16xf32>,
        %add3A_384 = arith.constant 64 : i32
        %add3A_385 = vector.broadcast %add3A_384 : i32 to vector<16xi32>
        %add3A_386 = arith.addi %add3A_385, %select_n3A : vector<16xi32>
        %add3A_387 = arith.constant 2 : i32
        %add3A_388 = vector.broadcast %add3A_387 : i32 to vector<16xi32>
        %add3A_389 = arith.addi %add3A_386, %add3A_388 : vector<16xi32>
        %gather3A_390 = tpu.vector_load_idx %arg18[%broadcast_in_dim3A_369, %add3A_389] : memref<80x80xf32, #tpu.memory_space<vmem>>[vector<16xi32>, vector<16xi32>], vector<16xf32>,
        %get3A_391 = arith.index_cast %add3A_368 : i32 to index
        %get3A_392 = arith.constant 16 : index
        %get3A_393 = tpu.vector_load %arg14[%get3A_391, %get3A_392] {strides = array<i32>} : memref<80x80xf32, #tpu.memory_space<vmem>>, vector<16xf32>,
        %mul3A_394 = arith.mulf %get3A_393, %gather3A_390 : vector<16xf32>
        %swap3A_395 = arith.index_cast %add3A_368 : i32 to index
        %swap3A_396 = arith.constant 16 : index
        %swap3A_397 = tpu.vector_load %arg18[%swap3A_395, %swap3A_396] {strides = array<i32>} : memref<80x80xf32, #tpu.memory_space<vmem>>, vector<16xf32>,
        tpu.vector_store %arg18[%swap3A_395, %swap3A_396], %mul3A_394 {strides = array<i32>} : memref<80x80xf32, #tpu.memory_space<vmem>>, vector<16xf32>,
        %add3A_398 = arith.constant 64 : i32
        %add3A_399 = vector.broadcast %add3A_398 : i32 to vector<16xi32>
        %add3A_400 = arith.addi %add3A_399, %select_n3A : vector<16xi32>
        %add3A_401 = arith.constant 4 : i32
        %add3A_402 = vector.broadcast %add3A_401 : i32 to vector<16xi32>
        %add3A_403 = arith.addi %add3A_400, %add3A_402 : vector<16xi32>
        %gather3A_404 = tpu.vector_load_idx %arg18[%broadcast_in_dim3A_369, %add3A_403] : memref<80x80xf32, #tpu.memory_space<vmem>>[vector<16xi32>, vector<16xi32>], vector<16xf32>,
        %get3A_405 = arith.index_cast %add3A_368 : i32 to index
        %get3A_406 = arith.constant 32 : index
        %get3A_407 = tpu.vector_load %arg14[%get3A_405, %get3A_406] {strides = array<i32>} : memref<80x80xf32, #tpu.memory_space<vmem>>, vector<16xf32>,
        %mul3A_408 = arith.mulf %get3A_407, %gather3A_404 : vector<16xf32>
        %swap3A_409 = arith.index_cast %add3A_368 : i32 to index
        %swap3A_410 = arith.constant 32 : index
        %swap3A_411 = tpu.vector_load %arg18[%swap3A_409, %swap3A_410] {strides = array<i32>} : memref<80x80xf32, #tpu.memory_space<vmem>>, vector<16xf32>,
        tpu.vector_store %arg18[%swap3A_409, %swap3A_410], %mul3A_408 {strides = array<i32>} : memref<80x80xf32, #tpu.memory_space<vmem>>, vector<16xf32>,
        %add3A_412 = arith.constant 64 : i32
        %add3A_413 = vector.broadcast %add3A_412 : i32 to vector<16xi32>
        %add3A_414 = arith.addi %add3A_413, %select_n3A : vector<16xi32>
        %add3A_415 = arith.constant 6 : i32
        %add3A_416 = vector.broadcast %add3A_415 : i32 to vector<16xi32>
        %add3A_417 = arith.addi %add3A_414, %add3A_416 : vector<16xi32>
        %gather3A_418 = tpu.vector_load_idx %arg18[%broadcast_in_dim3A_369, %add3A_417] : memref<80x80xf32, #tpu.memory_space<vmem>>[vector<16xi32>, vector<16xi32>], vector<16xf32>,
        %get3A_419 = arith.index_cast %add3A_368 : i32 to index
        %get3A_420 = arith.constant 48 : index
        %get3A_421 = tpu.vector_load %arg14[%get3A_419, %get3A_420] {strides = array<i32>} : memref<80x80xf32, #tpu.memory_space<vmem>>, vector<16xf32>,
        %mul3A_422 = arith.mulf %get3A_421, %gather3A_418 : vector<16xf32>
        %swap3A_423 = arith.index_cast %add3A_368 : i32 to index
        %swap3A_424 = arith.constant 48 : index
        %swap3A_425 = tpu.vector_load %arg18[%swap3A_423, %swap3A_424] {strides = array<i32>} : memref<80x80xf32, #tpu.memory_space<vmem>>, vector<16xf32>,
        tpu.vector_store %arg18[%swap3A_423, %swap3A_424], %mul3A_422 {strides = array<i32>} : memref<80x80xf32, #tpu.memory_space<vmem>>, vector<16xf32>,
        %mul3A_426 = arith.constant 4 : i32
        %mul3A_427 = arith.muli %scan3A_252, %mul3A_426 : i32
        %add3A_428 = arith.constant 2 : i32
        %add3A_429 = arith.addi %mul3A_427, %add3A_428 : i32
        %broadcast_in_dim3A_430 = vector.broadcast %add3A_429 : i32 to vector<16xi32>
        %add3A_431 = arith.constant 64 : i32
        %add3A_432 = vector.broadcast %add3A_431 : i32 to vector<16xi32>
        %add3A_433 = arith.addi %add3A_432, %select_n3A : vector<16xi32>
        %add3A_434 = arith.constant 0 : i32
        %add3A_435 = vector.broadcast %add3A_434 : i32 to vector<16xi32>
        %add3A_436 = arith.addi %add3A_433, %add3A_435 : vector<16xi32>
        %gather3A_437 = tpu.vector_load_idx %arg18[%broadcast_in_dim3A_430, %add3A_436] : memref<80x80xf32, #tpu.memory_space<vmem>>[vector<16xi32>, vector<16xi32>], vector<16xf32>,
        %get3A_438 = arith.index_cast %add3A_429 : i32 to index
        %get3A_439 = arith.constant 0 : index
        %get3A_440 = tpu.vector_load %arg14[%get3A_438, %get3A_439] {strides = array<i32>} : memref<80x80xf32, #tpu.memory_space<vmem>>, vector<16xf32>,
        %mul3A_441 = arith.mulf %get3A_440, %gather3A_437 : vector<16xf32>
        %swap3A_442 = arith.index_cast %add3A_429 : i32 to index
        %swap3A_443 = arith.constant 0 : index
        %swap3A_444 = tpu.vector_load %arg18[%swap3A_442, %swap3A_443] {strides = array<i32>} : memref<80x80xf32, #tpu.memory_space<vmem>>, vector<16xf32>,
        tpu.vector_store %arg18[%swap3A_442, %swap3A_443], %mul3A_441 {strides = array<i32>} : memref<80x80xf32, #tpu.memory_space<vmem>>, vector<16xf32>,
        %add3A_445 = arith.constant 64 : i32
        %add3A_446 = vector.broadcast %add3A_445 : i32 to vector<16xi32>
        %add3A_447 = arith.addi %add3A_446, %select_n3A : vector<16xi32>
        %add3A_448 = arith.constant 2 : i32
        %add3A_449 = vector.broadcast %add3A_448 : i32 to vector<16xi32>
        %add3A_450 = arith.addi %add3A_447, %add3A_449 : vector<16xi32>
        %gather3A_451 = tpu.vector_load_idx %arg18[%broadcast_in_dim3A_430, %add3A_450] : memref<80x80xf32, #tpu.memory_space<vmem>>[vector<16xi32>, vector<16xi32>], vector<16xf32>,
        %get3A_452 = arith.index_cast %add3A_429 : i32 to index
        %get3A_453 = arith.constant 16 : index
        %get3A_454 = tpu.vector_load %arg14[%get3A_452, %get3A_453] {strides = array<i32>} : memref<80x80xf32, #tpu.memory_space<vmem>>, vector<16xf32>,
        %mul3A_455 = arith.mulf %get3A_454, %gather3A_451 : vector<16xf32>
        %swap3A_456 = arith.index_cast %add3A_429 : i32 to index
        %swap3A_457 = arith.constant 16 : index
        %swap3A_458 = tpu.vector_load %arg18[%swap3A_456, %swap3A_457] {strides = array<i32>} : memref<80x80xf32, #tpu.memory_space<vmem>>, vector<16xf32>,
        tpu.vector_store %arg18[%swap3A_456, %swap3A_457], %mul3A_455 {strides = array<i32>} : memref<80x80xf32, #tpu.memory_space<vmem>>, vector<16xf32>,
        %add3A_459 = arith.constant 64 : i32
        %add3A_460 = vector.broadcast %add3A_459 : i32 to vector<16xi32>
        %add3A_461 = arith.addi %add3A_460, %select_n3A : vector<16xi32>
        %add3A_462 = arith.constant 4 : i32
        %add3A_463 = vector.broadcast %add3A_462 : i32 to vector<16xi32>
        %add3A_464 = arith.addi %add3A_461, %add3A_463 : vector<16xi32>
        %gather3A_465 = tpu.vector_load_idx %arg18[%broadcast_in_dim3A_430, %add3A_464] : memref<80x80xf32, #tpu.memory_space<vmem>>[vector<16xi32>, vector<16xi32>], vector<16xf32>,
        %get3A_466 = arith.index_cast %add3A_429 : i32 to index
        %get3A_467 = arith.constant 32 : index
        %get3A_468 = tpu.vector_load %arg14[%get3A_466, %get3A_467] {strides = array<i32>} : memref<80x80xf32, #tpu.memory_space<vmem>>, vector<16xf32>,
        %mul3A_469 = arith.mulf %get3A_468, %gather3A_465 : vector<16xf32>
        %swap3A_470 = arith.index_cast %add3A_429 : i32 to index
        %swap3A_471 = arith.constant 32 : index
        %swap3A_472 = tpu.vector_load %arg18[%swap3A_470, %swap3A_471] {strides = array<i32>} : memref<80x80xf32, #tpu.memory_space<vmem>>, vector<16xf32>,
        tpu.vector_store %arg18[%swap3A_470, %swap3A_471], %mul3A_469 {strides = array<i32>} : memref<80x80xf32, #tpu.memory_space<vmem>>, vector<16xf32>,
        %add3A_473 = arith.constant 64 : i32
        %add3A_474 = vector.broadcast %add3A_473 : i32 to vector<16xi32>
        %add3A_475 = arith.addi %add3A_474, %select_n3A : vector<16xi32>
        %add3A_476 = arith.constant 6 : i32
        %add3A_477 = vector.broadcast %add3A_476 : i32 to vector<16xi32>
        %add3A_478 = arith.addi %add3A_475, %add3A_477 : vector<16xi32>
        %gather3A_479 = tpu.vector_load_idx %arg18[%broadcast_in_dim3A_430, %add3A_478] : memref<80x80xf32, #tpu.memory_space<vmem>>[vector<16xi32>, vector<16xi32>], vector<16xf32>,
        %get3A_480 = arith.index_cast %add3A_429 : i32 to index
        %get3A_481 = arith.constant 48 : index
        %get3A_482 = tpu.vector_load %arg14[%get3A_480, %get3A_481] {strides = array<i32>} : memref<80x80xf32, #tpu.memory_space<vmem>>, vector<16xf32>,
        %mul3A_483 = arith.mulf %get3A_482, %gather3A_479 : vector<16xf32>
        %swap3A_484 = arith.index_cast %add3A_429 : i32 to index
        %swap3A_485 = arith.constant 48 : index
        %swap3A_486 = tpu.vector_load %arg18[%swap3A_484, %swap3A_485] {strides = array<i32>} : memref<80x80xf32, #tpu.memory_space<vmem>>, vector<16xf32>,
        tpu.vector_store %arg18[%swap3A_484, %swap3A_485], %mul3A_483 {strides = array<i32>} : memref<80x80xf32, #tpu.memory_space<vmem>>, vector<16xf32>,
        %mul3A_487 = arith.constant 4 : i32
        %mul3A_488 = arith.muli %scan3A_252, %mul3A_487 : i32
        %add3A_489 = arith.constant 3 : i32
        %add3A_490 = arith.addi %mul3A_488, %add3A_489 : i32
        %broadcast_in_dim3A_491 = vector.broadcast %add3A_490 : i32 to vector<16xi32>
        %add3A_492 = arith.constant 64 : i32
        %add3A_493 = vector.broadcast %add3A_492 : i32 to vector<16xi32>
        %add3A_494 = arith.addi %add3A_493, %select_n3A : vector<16xi32>
        %add3A_495 = arith.constant 0 : i32
        %add3A_496 = vector.broadcast %add3A_495 : i32 to vector<16xi32>
        %add3A_497 = arith.addi %add3A_494, %add3A_496 : vector<16xi32>
        %gather3A_498 = tpu.vector_load_idx %arg18[%broadcast_in_dim3A_491, %add3A_497] : memref<80x80xf32, #tpu.memory_space<vmem>>[vector<16xi32>, vector<16xi32>], vector<16xf32>,
        %get3A_499 = arith.index_cast %add3A_490 : i32 to index
        %get3A_500 = arith.constant 0 : index
        %get3A_501 = tpu.vector_load %arg14[%get3A_499, %get3A_500] {strides = array<i32>} : memref<80x80xf32, #tpu.memory_space<vmem>>, vector<16xf32>,
        %mul3A_502 = arith.mulf %get3A_501, %gather3A_498 : vector<16xf32>
        %swap3A_503 = arith.index_cast %add3A_490 : i32 to index
        %swap3A_504 = arith.constant 0 : index
        %swap3A_505 = tpu.vector_load %arg18[%swap3A_503, %swap3A_504] {strides = array<i32>} : memref<80x80xf32, #tpu.memory_space<vmem>>, vector<16xf32>,
        tpu.vector_store %arg18[%swap3A_503, %swap3A_504], %mul3A_502 {strides = array<i32>} : memref<80x80xf32, #tpu.memory_space<vmem>>, vector<16xf32>,
        %add3A_506 = arith.constant 64 : i32
        %add3A_507 = vector.broadcast %add3A_506 : i32 to vector<16xi32>
        %add3A_508 = arith.addi %add3A_507, %select_n3A : vector<16xi32>
        %add3A_509 = arith.constant 2 : i32
        %add3A_510 = vector.broadcast %add3A_509 : i32 to vector<16xi32>
        %add3A_511 = arith.addi %add3A_508, %add3A_510 : vector<16xi32>
        %gather3A_512 = tpu.vector_load_idx %arg18[%broadcast_in_dim3A_491, %add3A_511] : memref<80x80xf32, #tpu.memory_space<vmem>>[vector<16xi32>, vector<16xi32>], vector<16xf32>,
        %get3A_513 = arith.index_cast %add3A_490 : i32 to index
        %get3A_514 = arith.constant 16 : index
        %get3A_515 = tpu.vector_load %arg14[%get3A_513, %get3A_514] {strides = array<i32>} : memref<80x80xf32, #tpu.memory_space<vmem>>, vector<16xf32>,
        %mul3A_516 = arith.mulf %get3A_515, %gather3A_512 : vector<16xf32>
        %swap3A_517 = arith.index_cast %add3A_490 : i32 to index
        %swap3A_518 = arith.constant 16 : index
        %swap3A_519 = tpu.vector_load %arg18[%swap3A_517, %swap3A_518] {strides = array<i32>} : memref<80x80xf32, #tpu.memory_space<vmem>>, vector<16xf32>,
        tpu.vector_store %arg18[%swap3A_517, %swap3A_518], %mul3A_516 {strides = array<i32>} : memref<80x80xf32, #tpu.memory_space<vmem>>, vector<16xf32>,
        %add3A_520 = arith.constant 64 : i32
        %add3A_521 = vector.broadcast %add3A_520 : i32 to vector<16xi32>
        %add3A_522 = arith.addi %add3A_521, %select_n3A : vector<16xi32>
        %add3A_523 = arith.constant 4 : i32
        %add3A_524 = vector.broadcast %add3A_523 : i32 to vector<16xi32>
        %add3A_525 = arith.addi %add3A_522, %add3A_524 : vector<16xi32>
        %gather3A_526 = tpu.vector_load_idx %arg18[%broadcast_in_dim3A_491, %add3A_525] : memref<80x80xf32, #tpu.memory_space<vmem>>[vector<16xi32>, vector<16xi32>], vector<16xf32>,
        %get3A_527 = arith.index_cast %add3A_490 : i32 to index
        %get3A_528 = arith.constant 32 : index
        %get3A_529 = tpu.vector_load %arg14[%get3A_527, %get3A_528] {strides = array<i32>} : memref<80x80xf32, #tpu.memory_space<vmem>>, vector<16xf32>,
        %mul3A_530 = arith.mulf %get3A_529, %gather3A_526 : vector<16xf32>
        %swap3A_531 = arith.index_cast %add3A_490 : i32 to index
        %swap3A_532 = arith.constant 32 : index
        %swap3A_533 = tpu.vector_load %arg18[%swap3A_531, %swap3A_532] {strides = array<i32>} : memref<80x80xf32, #tpu.memory_space<vmem>>, vector<16xf32>,
        tpu.vector_store %arg18[%swap3A_531, %swap3A_532], %mul3A_530 {strides = array<i32>} : memref<80x80xf32, #tpu.memory_space<vmem>>, vector<16xf32>,
        %add3A_534 = arith.constant 64 : i32
        %add3A_535 = vector.broadcast %add3A_534 : i32 to vector<16xi32>
        %add3A_536 = arith.addi %add3A_535, %select_n3A : vector<16xi32>
        %add3A_537 = arith.constant 6 : i32
        %add3A_538 = vector.broadcast %add3A_537 : i32 to vector<16xi32>
        %add3A_539 = arith.addi %add3A_536, %add3A_538 : vector<16xi32>
        %gather3A_540 = tpu.vector_load_idx %arg18[%broadcast_in_dim3A_491, %add3A_539] : memref<80x80xf32, #tpu.memory_space<vmem>>[vector<16xi32>, vector<16xi32>], vector<16xf32>,
        %get3A_541 = arith.index_cast %add3A_490 : i32 to index
        %get3A_542 = arith.constant 48 : index
        %get3A_543 = tpu.vector_load %arg14[%get3A_541, %get3A_542] {strides = array<i32>} : memref<80x80xf32, #tpu.memory_space<vmem>>, vector<16xf32>,
        %mul3A_544 = arith.mulf %get3A_543, %gather3A_540 : vector<16xf32>
        %swap3A_545 = arith.index_cast %add3A_490 : i32 to index
        %swap3A_546 = arith.constant 48 : index
        %swap3A_547 = tpu.vector_load %arg18[%swap3A_545, %swap3A_546] {strides = array<i32>} : memref<80x80xf32, #tpu.memory_space<vmem>>, vector<16xf32>,
        tpu.vector_store %arg18[%swap3A_545, %swap3A_546], %mul3A_544 {strides = array<i32>} : memref<80x80xf32, #tpu.memory_space<vmem>>, vector<16xf32>,
        %scan3A_548 = arith.constant 0 : i32
        scf.yield %scan3A_548 : i32
      }
      %scan3A_181 = arith.constant 20 : i32
      %dma_start3A_182 = arith.constant 0 : i32
      %dma_start3A_183 = arith.constant 0 : i32
      %dma_start3A_184 = tpu.memref_slice %arg22[%dma_start3A_182, %dma_start3A_183] : memref<10240x80xf32, #tpu.memory_space<vmem_shared>> -> memref<10240x80xf32, #tpu.memory_space<vmem_shared>>
      tpu.enqueue_indirect_dma source(%arg18 : memref<80x80xf32, #tpu.memory_space<vmem>>) target(%dma_start3A_184 : memref<10240x80xf32, #tpu.memory_space<vmem_shared>>) offsets(%arg12 : memref<80xi32, #tpu.memory_space<vmem>>) semaphore(%arg27 : memref<!tpu.dma_semaphore, #tpu.memory_space<semaphore_mem>>) {add = true}
      %mul3A_185 = arith.constant 2 : i32
      %mul3A_186 = arith.muli %mul3A_185, %scan3A_123 : i32
      %add3A_187 = arith.constant 1 : i32
      %add3A_188 = arith.addi %mul3A_186, %add3A_187 : i32
      %dma_wait3A_189 = arith.constant 0 : i32
      %dma_wait3A_190 = arith.constant 0 : i32
      %dma_wait3A_191 = tpu.memref_slice %arg2[%dma_wait3A_189, %dma_wait3A_190] : memref<10000x80xf32, #tpu.memory_space<hbm>> -> memref<10000x80xf32, #tpu.memory_space<hbm>>
      tpu.wait_indirect_dma semaphore(%arg26 : memref<!tpu.dma_semaphore, #tpu.memory_space<semaphore_mem>>) src(%dma_wait3A_191 : memref<10000x80xf32, #tpu.memory_space<hbm>>) dst(%arg15 : memref<80x80xf32, #tpu.memory_space<vmem>>)
      %dma_wait3A_192 = arith.constant 0 : i32
      %dma_wait3A_193 = arith.constant 0 : i32
      %dma_wait3A_194 = tpu.memref_slice %arg3[%dma_wait3A_192, %dma_wait3A_193] : memref<10000x16xf32, #tpu.memory_space<hbm>> -> memref<10000x16xf32, #tpu.memory_space<hbm>>
      tpu.wait_indirect_dma semaphore(%arg26 : memref<!tpu.dma_semaphore, #tpu.memory_space<semaphore_mem>>) src(%dma_wait3A_194 : memref<10000x16xf32, #tpu.memory_space<hbm>>) dst(%arg17 : memref<80x16xf32, #tpu.memory_space<vmem>>)
      %dma_wait3A_195 = arith.constant 0 : i32
      %dma_wait3A_196 = tpu.memref_slice %arg5[%dma_wait3A_195] : memref<320000xi32, #tpu.memory_space<hbm>> -> memref<80xi32, #tpu.memory_space<hbm>>
      %dma_wait3A_197 = arith.constant 0 : i32
      %dma_wait3A_198 = tpu.memref_slice %arg5[%dma_wait3A_197] : memref<320000xi32, #tpu.memory_space<hbm>> -> memref<80xi32, #tpu.memory_space<hbm>>
      tpu.wait_dma2 semaphore(%arg23 : memref<!tpu.dma_semaphore, #tpu.memory_space<semaphore_mem>>) src(%dma_wait3A_198 : memref<80xi32, #tpu.memory_space<hbm>>) dst(%arg8 : memref<80xi32, #tpu.memory_space<vmem>>)
      %dma_wait3A_199 = arith.constant 0 : i32
      %dma_wait3A_200 = tpu.memref_slice %arg6[%dma_wait3A_199] : memref<320000xi32, #tpu.memory_space<hbm>> -> memref<80xi32, #tpu.memory_space<hbm>>
      %dma_wait3A_201 = arith.constant 0 : i32
      %dma_wait3A_202 = tpu.memref_slice %arg6[%dma_wait3A_201] : memref<320000xi32, #tpu.memory_space<hbm>> -> memref<80xi32, #tpu.memory_space<hbm>>
      tpu.wait_dma2 semaphore(%arg23 : memref<!tpu.dma_semaphore, #tpu.memory_space<semaphore_mem>>) src(%dma_wait3A_202 : memref<80xi32, #tpu.memory_space<hbm>>) dst(%arg10 : memref<80xi32, #tpu.memory_space<vmem>>)
      %dma_start3A_203 = arith.constant 0 : i32
      %dma_start3A_204 = arith.constant 0 : i32
      %dma_start3A_205 = tpu.memref_slice %arg2[%dma_start3A_203, %dma_start3A_204] : memref<10000x80xf32, #tpu.memory_space<hbm>> -> memref<10000x80xf32, #tpu.memory_space<hbm>>
      tpu.enqueue_indirect_dma source(%dma_start3A_205 : memref<10000x80xf32, #tpu.memory_space<hbm>>) target(%arg14 : memref<80x80xf32, #tpu.memory_space<vmem>>) offsets(%arg8 : memref<80xi32, #tpu.memory_space<vmem>>) semaphore(%arg25 : memref<!tpu.dma_semaphore, #tpu.memory_space<semaphore_mem>>)
      %dma_start3A_206 = arith.constant 0 : i32
      %dma_start3A_207 = arith.constant 0 : i32
      %dma_start3A_208 = tpu.memref_slice %arg3[%dma_start3A_206, %dma_start3A_207] : memref<10000x16xf32, #tpu.memory_space<hbm>> -> memref<10000x16xf32, #tpu.memory_space<hbm>>
      tpu.enqueue_indirect_dma source(%dma_start3A_208 : memref<10000x16xf32, #tpu.memory_space<hbm>>) target(%arg16 : memref<80x16xf32, #tpu.memory_space<vmem>>) offsets(%arg10 : memref<80xi32, #tpu.memory_space<vmem>>) semaphore(%arg25 : memref<!tpu.dma_semaphore, #tpu.memory_space<semaphore_mem>>)
      %ge3A_209 = arith.constant 2 : i32
      %ge3A_210 = arith.cmpi sge, %add3A_188, %ge3A_209 : i32
      %convert_element_type3A_211 = arith.extui %ge3A_210 : i1 to i32
      %cond3A_212 = arith.constant 0 : i32
      %cond3A_213 = arith.cmpi ne, %convert_element_type3A_211, %cond3A_212 : i32
      scf.if %cond3A_213 {
        %dma_wait3A_252 = arith.constant 0 : i32
        %dma_wait3A_253 = arith.constant 0 : i32
        %dma_wait3A_254 = tpu.memref_slice %arg22[%dma_wait3A_252, %dma_wait3A_253] : memref<10240x80xf32, #tpu.memory_space<vmem_shared>> -> memref<10240x80xf32, #tpu.memory_space<vmem_shared>>
        tpu.wait_indirect_dma semaphore(%arg28 : memref<!tpu.dma_semaphore, #tpu.memory_space<semaphore_mem>>) src(%arg19 : memref<80x80xf32, #tpu.memory_space<vmem>>) dst(%dma_wait3A_254 : memref<10240x80xf32, #tpu.memory_space<vmem_shared>>)
      } else {
      }
      %get3A_214 = arith.constant 0 : index
      %get3A_215 = tpu.vector_load %arg11[%get3A_214] {strides = array<i32>} : memref<80xi32, #tpu.memory_space<vmem>>, vector<16xi32>,
      %swap3A_216 = arith.constant 0 : index
      %swap3A_217 = tpu.vector_load %arg13[%swap3A_216] {strides = array<i32>} : memref<80xi32, #tpu.memory_space<vmem>>, vector<16xi32>,
      tpu.vector_store %arg13[%swap3A_216], %get3A_215 {strides = array<i32>} : memref<80xi32, #tpu.memory_space<vmem>>, vector<16xi32>,
      %get3A_218 = arith.constant 16 : index
      %get3A_219 = tpu.vector_load %arg11[%get3A_218] {strides = array<i32>} : memref<80xi32, #tpu.memory_space<vmem>>, vector<16xi32>,
      %swap3A_220 = arith.constant 16 : index
      %swap3A_221 = tpu.vector_load %arg13[%swap3A_220] {strides = array<i32>} : memref<80xi32, #tpu.memory_space<vmem>>, vector<16xi32>,
      tpu.vector_store %arg13[%swap3A_220], %get3A_219 {strides = array<i32>} : memref<80xi32, #tpu.memory_space<vmem>>, vector<16xi32>,
      %get3A_222 = arith.constant 32 : index
      %get3A_223 = tpu.vector_load %arg11[%get3A_222] {strides = array<i32>} : memref<80xi32, #tpu.memory_space<vmem>>, vector<16xi32>,
      %swap3A_224 = arith.constant 32 : index
      %swap3A_225 = tpu.vector_load %arg13[%swap3A_224] {strides = array<i32>} : memref<80xi32, #tpu.memory_space<vmem>>, vector<16xi32>,
      tpu.vector_store %arg13[%swap3A_224], %get3A_223 {strides = array<i32>} : memref<80xi32, #tpu.memory_space<vmem>>, vector<16xi32>,
      %get3A_226 = arith.constant 48 : index
      %get3A_227 = tpu.vector_load %arg11[%get3A_226] {strides = array<i32>} : memref<80xi32, #tpu.memory_space<vmem>>, vector<16xi32>,
      %swap3A_228 = arith.constant 48 : index
      %swap3A_229 = tpu.vector_load %arg13[%swap3A_228] {strides = array<i32>} : memref<80xi32, #tpu.memory_space<vmem>>, vector<16xi32>,
      tpu.vector_store %arg13[%swap3A_228], %get3A_227 {strides = array<i32>} : memref<80xi32, #tpu.memory_space<vmem>>, vector<16xi32>,
      %get3A_230 = arith.constant 64 : index
      %get3A_231 = tpu.vector_load %arg11[%get3A_230] {strides = array<i32>} : memref<80xi32, #tpu.memory_space<vmem>>, vector<16xi32>,
      %swap3A_232 = arith.constant 64 : index
      %swap3A_233 = tpu.vector_load %arg13[%swap3A_232] {strides = array<i32>} : memref<80xi32, #tpu.memory_space<vmem>>, vector<16xi32>,
      tpu.vector_store %arg13[%swap3A_232], %get3A_231 {strides = array<i32>} : memref<80xi32, #tpu.memory_space<vmem>>, vector<16xi32>,
      %add3A_234 = arith.constant 2 : i32
      %add3A_235 = arith.addi %add3A_188, %add3A_234 : i32
      %lt3A_236 = arith.constant 125 : i32
      %lt3A_237 = arith.cmpi slt, %add3A_235, %lt3A_236 : i32
      %convert_element_type3A_238 = arith.extui %lt3A_237 : i1 to i32
      %cond3A_239 = arith.constant 0 : i32
      %cond3A_240 = arith.cmpi ne, %convert_element_type3A_238, %cond3A_239 : i32
      scf.if %cond3A_240 {
        %add3A_252 = arith.constant 2 : i32
        %add3A_253 = arith.addi %add3A_188, %add3A_252 : i32
        %mul3A_254 = arith.constant 80 : i32
        %mul3A_255 = arith.muli %add3A_253, %mul3A_254 : i32
        %add3A_256 = arith.addi %mul3A_2, %mul3A_255 : i32
        %dma_start3A_257 = tpu.memref_slice %arg5[%add3A_256] : memref<320000xi32, #tpu.memory_space<hbm>> -> memref<80xi32, #tpu.memory_space<hbm>>
        %dma_start3A_258 = tpu.memref_slice %arg5[%add3A_256] : memref<320000xi32, #tpu.memory_space<hbm>> -> memref<80xi32, #tpu.memory_space<hbm>>
        tpu.enqueue_dma source(%dma_start3A_258 : memref<80xi32, #tpu.memory_space<hbm>>) target(%arg9 : memref<80xi32, #tpu.memory_space<vmem>>) target_semaphore(%arg24 : memref<!tpu.dma_semaphore, #tpu.memory_space<semaphore_mem>>)
        %dma_start3A_259 = tpu.memref_slice %arg6[%add3A_256] : memref<320000xi32, #tpu.memory_space<hbm>> -> memref<80xi32, #tpu.memory_space<hbm>>
        %dma_start3A_260 = tpu.memref_slice %arg6[%add3A_256] : memref<320000xi32, #tpu.memory_space<hbm>> -> memref<80xi32, #tpu.memory_space<hbm>>
        tpu.enqueue_dma source(%dma_start3A_260 : memref<80xi32, #tpu.memory_space<hbm>>) target(%arg11 : memref<80xi32, #tpu.memory_space<vmem>>) target_semaphore(%arg24 : memref<!tpu.dma_semaphore, #tpu.memory_space<semaphore_mem>>)
      } else {
      }
      %scan3A_241 = arith.constant 0 : i32
      %scan3A_242 = arith.constant 0 : i32
      %scan3A_243 = arith.constant 20 : i32
      %scan3A_244 = arith.addi %scan3A_242, %scan3A_243 : i32
      %scan3A_245 = arith.constant 1 : i32
      %scan3A_246 = scf.for %scan3A_252 = %scan3A_242 to %scan3A_244 step %scan3A_245 iter_args(%scan3A_253 = %scan3A_241) -> (i32)  : i32 {
        %mul3A_254 = arith.constant 4 : i32
        %mul3A_255 = arith.muli %scan3A_252, %mul3A_254 : i32
        %add3A_256 = arith.constant 0 : i32
        %add3A_257 = arith.addi %mul3A_255, %add3A_256 : i32
        %add3A_258 = vector.broadcast %add3A_257 : i32 to vector<16xi32>
        %add3A_259 = arith.addi %add3A_258, %select_n3A : vector<16xi32>
        %add3A_260 = arith.constant 64 : i32
        %add3A_261 = vector.broadcast %add3A_260 : i32 to vector<16xi32>
        %add3A_262 = arith.addi %and3A_44, %add3A_261 : vector<16xi32>
        %gather3A_263 = tpu.vector_load_idx %arg15[%add3A_259, %add3A_262] : memref<80x80xf32, #tpu.memory_space<vmem>>[vector<16xi32>, vector<16xi32>], vector<16xf32>,
        %gather3A_264 = tpu.vector_load_idx %arg17[%add3A_259, %and3A_44] : memref<80x16xf32, #tpu.memory_space<vmem>>[vector<16xi32>, vector<16xi32>], vector<16xf32>,
        %add3A_265 = arith.addf %gather3A_263, %gather3A_264 : vector<16xf32>
        %mul3A_266 = arith.constant 2.000000e-01 : f32
        %mul3A_267 = vector.broadcast %mul3A_266 : f32 to vector<16xf32>
        %mul3A_268 = arith.mulf %mul3A_267, %add3A_265 : vector<16xf32>
        %max3A = arith.maximumf %add3A_265, %mul3A_268 : vector<16xf32>
        %add3A_269 = arith.addf %gather3A_264, %gather3A : vector<16xf32>
        %mul3A_270 = arith.constant 2.000000e-01 : f32
        %mul3A_271 = vector.broadcast %mul3A_270 : f32 to vector<16xf32>
        %mul3A_272 = arith.mulf %mul3A_271, %add3A_269 : vector<16xf32>
        %max3A_273 = arith.maximumf %add3A_269, %mul3A_272 : vector<16xf32>
        %sub3A_274 = arith.subf %max3A, %max3A_273 : vector<16xf32>
        %exp3A = math.exp %sub3A_274 : vector<16xf32>
        %add3A_275 = arith.constant 64 : i32
        %add3A_276 = vector.broadcast %add3A_275 : i32 to vector<16xi32>
        %add3A_277 = arith.addi %and3A_44, %add3A_276 : vector<16xi32>
        tpu.vector_store_idx %arg19[%add3A_259, %add3A_277], %exp3A : memref<80x80xf32, #tpu.memory_space<vmem>>[vector<16xi32>, vector<16xi32>], vector<16xf32>,
        %mul3A_278 = arith.constant 4 : i32
        %mul3A_279 = arith.muli %scan3A_252, %mul3A_278 : i32
        %add3A_280 = arith.constant 2 : i32
        %add3A_281 = arith.addi %mul3A_279, %add3A_280 : i32
        %add3A_282 = vector.broadcast %add3A_281 : i32 to vector<16xi32>
        %add3A_283 = arith.addi %add3A_282, %select_n3A : vector<16xi32>
        %add3A_284 = arith.constant 64 : i32
        %add3A_285 = vector.broadcast %add3A_284 : i32 to vector<16xi32>
        %add3A_286 = arith.addi %and3A_44, %add3A_285 : vector<16xi32>
        %gather3A_287 = tpu.vector_load_idx %arg15[%add3A_283, %add3A_286] : memref<80x80xf32, #tpu.memory_space<vmem>>[vector<16xi32>, vector<16xi32>], vector<16xf32>,
        %gather3A_288 = tpu.vector_load_idx %arg17[%add3A_283, %and3A_44] : memref<80x16xf32, #tpu.memory_space<vmem>>[vector<16xi32>, vector<16xi32>], vector<16xf32>,
        %add3A_289 = arith.addf %gather3A_287, %gather3A_288 : vector<16xf32>
        %mul3A_290 = arith.constant 2.000000e-01 : f32
        %mul3A_291 = vector.broadcast %mul3A_290 : f32 to vector<16xf32>
        %mul3A_292 = arith.mulf %mul3A_291, %add3A_289 : vector<16xf32>
        %max3A_293 = arith.maximumf %add3A_289, %mul3A_292 : vector<16xf32>
        %add3A_294 = arith.addf %gather3A_288, %gather3A : vector<16xf32>
        %mul3A_295 = arith.constant 2.000000e-01 : f32
        %mul3A_296 = vector.broadcast %mul3A_295 : f32 to vector<16xf32>
        %mul3A_297 = arith.mulf %mul3A_296, %add3A_294 : vector<16xf32>
        %max3A_298 = arith.maximumf %add3A_294, %mul3A_297 : vector<16xf32>
        %sub3A_299 = arith.subf %max3A_293, %max3A_298 : vector<16xf32>
        %exp3A_300 = math.exp %sub3A_299 : vector<16xf32>
        %add3A_301 = arith.constant 64 : i32
        %add3A_302 = vector.broadcast %add3A_301 : i32 to vector<16xi32>
        %add3A_303 = arith.addi %and3A_44, %add3A_302 : vector<16xi32>
        tpu.vector_store_idx %arg19[%add3A_283, %add3A_303], %exp3A_300 : memref<80x80xf32, #tpu.memory_space<vmem>>[vector<16xi32>, vector<16xi32>], vector<16xf32>,
        %mul3A_304 = arith.constant 4 : i32
        %mul3A_305 = arith.muli %scan3A_252, %mul3A_304 : i32
        %add3A_306 = arith.constant 0 : i32
        %add3A_307 = arith.addi %mul3A_305, %add3A_306 : i32
        %broadcast_in_dim3A_308 = vector.broadcast %add3A_307 : i32 to vector<16xi32>
        %add3A_309 = arith.constant 64 : i32
        %add3A_310 = vector.broadcast %add3A_309 : i32 to vector<16xi32>
        %add3A_311 = arith.addi %add3A_310, %select_n3A : vector<16xi32>
        %add3A_312 = arith.constant 0 : i32
        %add3A_313 = vector.broadcast %add3A_312 : i32 to vector<16xi32>
        %add3A_314 = arith.addi %add3A_311, %add3A_313 : vector<16xi32>
        %gather3A_315 = tpu.vector_load_idx %arg19[%broadcast_in_dim3A_308, %add3A_314] : memref<80x80xf32, #tpu.memory_space<vmem>>[vector<16xi32>, vector<16xi32>], vector<16xf32>,
        %get3A_316 = arith.index_cast %add3A_307 : i32 to index
        %get3A_317 = arith.constant 0 : index
        %get3A_318 = tpu.vector_load %arg15[%get3A_316, %get3A_317] {strides = array<i32>} : memref<80x80xf32, #tpu.memory_space<vmem>>, vector<16xf32>,
        %mul3A_319 = arith.mulf %get3A_318, %gather3A_315 : vector<16xf32>
        %swap3A_320 = arith.index_cast %add3A_307 : i32 to index
        %swap3A_321 = arith.constant 0 : index
        %swap3A_322 = tpu.vector_load %arg19[%swap3A_320, %swap3A_321] {strides = array<i32>} : memref<80x80xf32, #tpu.memory_space<vmem>>, vector<16xf32>,
        tpu.vector_store %arg19[%swap3A_320, %swap3A_321], %mul3A_319 {strides = array<i32>} : memref<80x80xf32, #tpu.memory_space<vmem>>, vector<16xf32>,
        %add3A_323 = arith.constant 64 : i32
        %add3A_324 = vector.broadcast %add3A_323 : i32 to vector<16xi32>
        %add3A_325 = arith.addi %add3A_324, %select_n3A : vector<16xi32>
        %add3A_326 = arith.constant 2 : i32
        %add3A_327 = vector.broadcast %add3A_326 : i32 to vector<16xi32>
        %add3A_328 = arith.addi %add3A_325, %add3A_327 : vector<16xi32>
        %gather3A_329 = tpu.vector_load_idx %arg19[%broadcast_in_dim3A_308, %add3A_328] : memref<80x80xf32, #tpu.memory_space<vmem>>[vector<16xi32>, vector<16xi32>], vector<16xf32>,
        %get3A_330 = arith.index_cast %add3A_307 : i32 to index
        %get3A_331 = arith.constant 16 : index
        %get3A_332 = tpu.vector_load %arg15[%get3A_330, %get3A_331] {strides = array<i32>} : memref<80x80xf32, #tpu.memory_space<vmem>>, vector<16xf32>,
        %mul3A_333 = arith.mulf %get3A_332, %gather3A_329 : vector<16xf32>
        %swap3A_334 = arith.index_cast %add3A_307 : i32 to index
        %swap3A_335 = arith.constant 16 : index
        %swap3A_336 = tpu.vector_load %arg19[%swap3A_334, %swap3A_335] {strides = array<i32>} : memref<80x80xf32, #tpu.memory_space<vmem>>, vector<16xf32>,
        tpu.vector_store %arg19[%swap3A_334, %swap3A_335], %mul3A_333 {strides = array<i32>} : memref<80x80xf32, #tpu.memory_space<vmem>>, vector<16xf32>,
        %add3A_337 = arith.constant 64 : i32
        %add3A_338 = vector.broadcast %add3A_337 : i32 to vector<16xi32>
        %add3A_339 = arith.addi %add3A_338, %select_n3A : vector<16xi32>
        %add3A_340 = arith.constant 4 : i32
        %add3A_341 = vector.broadcast %add3A_340 : i32 to vector<16xi32>
        %add3A_342 = arith.addi %add3A_339, %add3A_341 : vector<16xi32>
        %gather3A_343 = tpu.vector_load_idx %arg19[%broadcast_in_dim3A_308, %add3A_342] : memref<80x80xf32, #tpu.memory_space<vmem>>[vector<16xi32>, vector<16xi32>], vector<16xf32>,
        %get3A_344 = arith.index_cast %add3A_307 : i32 to index
        %get3A_345 = arith.constant 32 : index
        %get3A_346 = tpu.vector_load %arg15[%get3A_344, %get3A_345] {strides = array<i32>} : memref<80x80xf32, #tpu.memory_space<vmem>>, vector<16xf32>,
        %mul3A_347 = arith.mulf %get3A_346, %gather3A_343 : vector<16xf32>
        %swap3A_348 = arith.index_cast %add3A_307 : i32 to index
        %swap3A_349 = arith.constant 32 : index
        %swap3A_350 = tpu.vector_load %arg19[%swap3A_348, %swap3A_349] {strides = array<i32>} : memref<80x80xf32, #tpu.memory_space<vmem>>, vector<16xf32>,
        tpu.vector_store %arg19[%swap3A_348, %swap3A_349], %mul3A_347 {strides = array<i32>} : memref<80x80xf32, #tpu.memory_space<vmem>>, vector<16xf32>,
        %add3A_351 = arith.constant 64 : i32
        %add3A_352 = vector.broadcast %add3A_351 : i32 to vector<16xi32>
        %add3A_353 = arith.addi %add3A_352, %select_n3A : vector<16xi32>
        %add3A_354 = arith.constant 6 : i32
        %add3A_355 = vector.broadcast %add3A_354 : i32 to vector<16xi32>
        %add3A_356 = arith.addi %add3A_353, %add3A_355 : vector<16xi32>
        %gather3A_357 = tpu.vector_load_idx %arg19[%broadcast_in_dim3A_308, %add3A_356] : memref<80x80xf32, #tpu.memory_space<vmem>>[vector<16xi32>, vector<16xi32>], vector<16xf32>,
        %get3A_358 = arith.index_cast %add3A_307 : i32 to index
        %get3A_359 = arith.constant 48 : index
        %get3A_360 = tpu.vector_load %arg15[%get3A_358, %get3A_359] {strides = array<i32>} : memref<80x80xf32, #tpu.memory_space<vmem>>, vector<16xf32>,
        %mul3A_361 = arith.mulf %get3A_360, %gather3A_357 : vector<16xf32>
        %swap3A_362 = arith.index_cast %add3A_307 : i32 to index
        %swap3A_363 = arith.constant 48 : index
        %swap3A_364 = tpu.vector_load %arg19[%swap3A_362, %swap3A_363] {strides = array<i32>} : memref<80x80xf32, #tpu.memory_space<vmem>>, vector<16xf32>,
        tpu.vector_store %arg19[%swap3A_362, %swap3A_363], %mul3A_361 {strides = array<i32>} : memref<80x80xf32, #tpu.memory_space<vmem>>, vector<16xf32>,
        %mul3A_365 = arith.constant 4 : i32
        %mul3A_366 = arith.muli %scan3A_252, %mul3A_365 : i32
        %add3A_367 = arith.constant 1 : i32
        %add3A_368 = arith.addi %mul3A_366, %add3A_367 : i32
        %broadcast_in_dim3A_369 = vector.broadcast %add3A_368 : i32 to vector<16xi32>
        %add3A_370 = arith.constant 64 : i32
        %add3A_371 = vector.broadcast %add3A_370 : i32 to vector<16xi32>
        %add3A_372 = arith.addi %add3A_371, %select_n3A : vector<16xi32>
        %add3A_373 = arith.constant 0 : i32
        %add3A_374 = vector.broadcast %add3A_373 : i32 to vector<16xi32>
        %add3A_375 = arith.addi %add3A_372, %add3A_374 : vector<16xi32>
        %gather3A_376 = tpu.vector_load_idx %arg19[%broadcast_in_dim3A_369, %add3A_375] : memref<80x80xf32, #tpu.memory_space<vmem>>[vector<16xi32>, vector<16xi32>], vector<16xf32>,
        %get3A_377 = arith.index_cast %add3A_368 : i32 to index
        %get3A_378 = arith.constant 0 : index
        %get3A_379 = tpu.vector_load %arg15[%get3A_377, %get3A_378] {strides = array<i32>} : memref<80x80xf32, #tpu.memory_space<vmem>>, vector<16xf32>,
        %mul3A_380 = arith.mulf %get3A_379, %gather3A_376 : vector<16xf32>
        %swap3A_381 = arith.index_cast %add3A_368 : i32 to index
        %swap3A_382 = arith.constant 0 : index
        %swap3A_383 = tpu.vector_load %arg19[%swap3A_381, %swap3A_382] {strides = array<i32>} : memref<80x80xf32, #tpu.memory_space<vmem>>, vector<16xf32>,
        tpu.vector_store %arg19[%swap3A_381, %swap3A_382], %mul3A_380 {strides = array<i32>} : memref<80x80xf32, #tpu.memory_space<vmem>>, vector<16xf32>,
        %add3A_384 = arith.constant 64 : i32
        %add3A_385 = vector.broadcast %add3A_384 : i32 to vector<16xi32>
        %add3A_386 = arith.addi %add3A_385, %select_n3A : vector<16xi32>
        %add3A_387 = arith.constant 2 : i32
        %add3A_388 = vector.broadcast %add3A_387 : i32 to vector<16xi32>
        %add3A_389 = arith.addi %add3A_386, %add3A_388 : vector<16xi32>
        %gather3A_390 = tpu.vector_load_idx %arg19[%broadcast_in_dim3A_369, %add3A_389] : memref<80x80xf32, #tpu.memory_space<vmem>>[vector<16xi32>, vector<16xi32>], vector<16xf32>,
        %get3A_391 = arith.index_cast %add3A_368 : i32 to index
        %get3A_392 = arith.constant 16 : index
        %get3A_393 = tpu.vector_load %arg15[%get3A_391, %get3A_392] {strides = array<i32>} : memref<80x80xf32, #tpu.memory_space<vmem>>, vector<16xf32>,
        %mul3A_394 = arith.mulf %get3A_393, %gather3A_390 : vector<16xf32>
        %swap3A_395 = arith.index_cast %add3A_368 : i32 to index
        %swap3A_396 = arith.constant 16 : index
        %swap3A_397 = tpu.vector_load %arg19[%swap3A_395, %swap3A_396] {strides = array<i32>} : memref<80x80xf32, #tpu.memory_space<vmem>>, vector<16xf32>,
        tpu.vector_store %arg19[%swap3A_395, %swap3A_396], %mul3A_394 {strides = array<i32>} : memref<80x80xf32, #tpu.memory_space<vmem>>, vector<16xf32>,
        %add3A_398 = arith.constant 64 : i32
        %add3A_399 = vector.broadcast %add3A_398 : i32 to vector<16xi32>
        %add3A_400 = arith.addi %add3A_399, %select_n3A : vector<16xi32>
        %add3A_401 = arith.constant 4 : i32
        %add3A_402 = vector.broadcast %add3A_401 : i32 to vector<16xi32>
        %add3A_403 = arith.addi %add3A_400, %add3A_402 : vector<16xi32>
        %gather3A_404 = tpu.vector_load_idx %arg19[%broadcast_in_dim3A_369, %add3A_403] : memref<80x80xf32, #tpu.memory_space<vmem>>[vector<16xi32>, vector<16xi32>], vector<16xf32>,
        %get3A_405 = arith.index_cast %add3A_368 : i32 to index
        %get3A_406 = arith.constant 32 : index
        %get3A_407 = tpu.vector_load %arg15[%get3A_405, %get3A_406] {strides = array<i32>} : memref<80x80xf32, #tpu.memory_space<vmem>>, vector<16xf32>,
        %mul3A_408 = arith.mulf %get3A_407, %gather3A_404 : vector<16xf32>
        %swap3A_409 = arith.index_cast %add3A_368 : i32 to index
        %swap3A_410 = arith.constant 32 : index
        %swap3A_411 = tpu.vector_load %arg19[%swap3A_409, %swap3A_410] {strides = array<i32>} : memref<80x80xf32, #tpu.memory_space<vmem>>, vector<16xf32>,
        tpu.vector_store %arg19[%swap3A_409, %swap3A_410], %mul3A_408 {strides = array<i32>} : memref<80x80xf32, #tpu.memory_space<vmem>>, vector<16xf32>,
        %add3A_412 = arith.constant 64 : i32
        %add3A_413 = vector.broadcast %add3A_412 : i32 to vector<16xi32>
        %add3A_414 = arith.addi %add3A_413, %select_n3A : vector<16xi32>
        %add3A_415 = arith.constant 6 : i32
        %add3A_416 = vector.broadcast %add3A_415 : i32 to vector<16xi32>
        %add3A_417 = arith.addi %add3A_414, %add3A_416 : vector<16xi32>
        %gather3A_418 = tpu.vector_load_idx %arg19[%broadcast_in_dim3A_369, %add3A_417] : memref<80x80xf32, #tpu.memory_space<vmem>>[vector<16xi32>, vector<16xi32>], vector<16xf32>,
        %get3A_419 = arith.index_cast %add3A_368 : i32 to index
        %get3A_420 = arith.constant 48 : index
        %get3A_421 = tpu.vector_load %arg15[%get3A_419, %get3A_420] {strides = array<i32>} : memref<80x80xf32, #tpu.memory_space<vmem>>, vector<16xf32>,
        %mul3A_422 = arith.mulf %get3A_421, %gather3A_418 : vector<16xf32>
        %swap3A_423 = arith.index_cast %add3A_368 : i32 to index
        %swap3A_424 = arith.constant 48 : index
        %swap3A_425 = tpu.vector_load %arg19[%swap3A_423, %swap3A_424] {strides = array<i32>} : memref<80x80xf32, #tpu.memory_space<vmem>>, vector<16xf32>,
        tpu.vector_store %arg19[%swap3A_423, %swap3A_424], %mul3A_422 {strides = array<i32>} : memref<80x80xf32, #tpu.memory_space<vmem>>, vector<16xf32>,
        %mul3A_426 = arith.constant 4 : i32
        %mul3A_427 = arith.muli %scan3A_252, %mul3A_426 : i32
        %add3A_428 = arith.constant 2 : i32
        %add3A_429 = arith.addi %mul3A_427, %add3A_428 : i32
        %broadcast_in_dim3A_430 = vector.broadcast %add3A_429 : i32 to vector<16xi32>
        %add3A_431 = arith.constant 64 : i32
        %add3A_432 = vector.broadcast %add3A_431 : i32 to vector<16xi32>
        %add3A_433 = arith.addi %add3A_432, %select_n3A : vector<16xi32>
        %add3A_434 = arith.constant 0 : i32
        %add3A_435 = vector.broadcast %add3A_434 : i32 to vector<16xi32>
        %add3A_436 = arith.addi %add3A_433, %add3A_435 : vector<16xi32>
        %gather3A_437 = tpu.vector_load_idx %arg19[%broadcast_in_dim3A_430, %add3A_436] : memref<80x80xf32, #tpu.memory_space<vmem>>[vector<16xi32>, vector<16xi32>], vector<16xf32>,
        %get3A_438 = arith.index_cast %add3A_429 : i32 to index
        %get3A_439 = arith.constant 0 : index
        %get3A_440 = tpu.vector_load %arg15[%get3A_438, %get3A_439] {strides = array<i32>} : memref<80x80xf32, #tpu.memory_space<vmem>>, vector<16xf32>,
        %mul3A_441 = arith.mulf %get3A_440, %gather3A_437 : vector<16xf32>
        %swap3A_442 = arith.index_cast %add3A_429 : i32 to index
        %swap3A_443 = arith.constant 0 : index
        %swap3A_444 = tpu.vector_load %arg19[%swap3A_442, %swap3A_443] {strides = array<i32>} : memref<80x80xf32, #tpu.memory_space<vmem>>, vector<16xf32>,
        tpu.vector_store %arg19[%swap3A_442, %swap3A_443], %mul3A_441 {strides = array<i32>} : memref<80x80xf32, #tpu.memory_space<vmem>>, vector<16xf32>,
        %add3A_445 = arith.constant 64 : i32
        %add3A_446 = vector.broadcast %add3A_445 : i32 to vector<16xi32>
        %add3A_447 = arith.addi %add3A_446, %select_n3A : vector<16xi32>
        %add3A_448 = arith.constant 2 : i32
        %add3A_449 = vector.broadcast %add3A_448 : i32 to vector<16xi32>
        %add3A_450 = arith.addi %add3A_447, %add3A_449 : vector<16xi32>
        %gather3A_451 = tpu.vector_load_idx %arg19[%broadcast_in_dim3A_430, %add3A_450] : memref<80x80xf32, #tpu.memory_space<vmem>>[vector<16xi32>, vector<16xi32>], vector<16xf32>,
        %get3A_452 = arith.index_cast %add3A_429 : i32 to index
        %get3A_453 = arith.constant 16 : index
        %get3A_454 = tpu.vector_load %arg15[%get3A_452, %get3A_453] {strides = array<i32>} : memref<80x80xf32, #tpu.memory_space<vmem>>, vector<16xf32>,
        %mul3A_455 = arith.mulf %get3A_454, %gather3A_451 : vector<16xf32>
        %swap3A_456 = arith.index_cast %add3A_429 : i32 to index
        %swap3A_457 = arith.constant 16 : index
        %swap3A_458 = tpu.vector_load %arg19[%swap3A_456, %swap3A_457] {strides = array<i32>} : memref<80x80xf32, #tpu.memory_space<vmem>>, vector<16xf32>,
        tpu.vector_store %arg19[%swap3A_456, %swap3A_457], %mul3A_455 {strides = array<i32>} : memref<80x80xf32, #tpu.memory_space<vmem>>, vector<16xf32>,
        %add3A_459 = arith.constant 64 : i32
        %add3A_460 = vector.broadcast %add3A_459 : i32 to vector<16xi32>
        %add3A_461 = arith.addi %add3A_460, %select_n3A : vector<16xi32>
        %add3A_462 = arith.constant 4 : i32
        %add3A_463 = vector.broadcast %add3A_462 : i32 to vector<16xi32>
        %add3A_464 = arith.addi %add3A_461, %add3A_463 : vector<16xi32>
        %gather3A_465 = tpu.vector_load_idx %arg19[%broadcast_in_dim3A_430, %add3A_464] : memref<80x80xf32, #tpu.memory_space<vmem>>[vector<16xi32>, vector<16xi32>], vector<16xf32>,
        %get3A_466 = arith.index_cast %add3A_429 : i32 to index
        %get3A_467 = arith.constant 32 : index
        %get3A_468 = tpu.vector_load %arg15[%get3A_466, %get3A_467] {strides = array<i32>} : memref<80x80xf32, #tpu.memory_space<vmem>>, vector<16xf32>,
        %mul3A_469 = arith.mulf %get3A_468, %gather3A_465 : vector<16xf32>
        %swap3A_470 = arith.index_cast %add3A_429 : i32 to index
        %swap3A_471 = arith.constant 32 : index
        %swap3A_472 = tpu.vector_load %arg19[%swap3A_470, %swap3A_471] {strides = array<i32>} : memref<80x80xf32, #tpu.memory_space<vmem>>, vector<16xf32>,
        tpu.vector_store %arg19[%swap3A_470, %swap3A_471], %mul3A_469 {strides = array<i32>} : memref<80x80xf32, #tpu.memory_space<vmem>>, vector<16xf32>,
        %add3A_473 = arith.constant 64 : i32
        %add3A_474 = vector.broadcast %add3A_473 : i32 to vector<16xi32>
        %add3A_475 = arith.addi %add3A_474, %select_n3A : vector<16xi32>
        %add3A_476 = arith.constant 6 : i32
        %add3A_477 = vector.broadcast %add3A_476 : i32 to vector<16xi32>
        %add3A_478 = arith.addi %add3A_475, %add3A_477 : vector<16xi32>
        %gather3A_479 = tpu.vector_load_idx %arg19[%broadcast_in_dim3A_430, %add3A_478] : memref<80x80xf32, #tpu.memory_space<vmem>>[vector<16xi32>, vector<16xi32>], vector<16xf32>,
        %get3A_480 = arith.index_cast %add3A_429 : i32 to index
        %get3A_481 = arith.constant 48 : index
        %get3A_482 = tpu.vector_load %arg15[%get3A_480, %get3A_481] {strides = array<i32>} : memref<80x80xf32, #tpu.memory_space<vmem>>, vector<16xf32>,
        %mul3A_483 = arith.mulf %get3A_482, %gather3A_479 : vector<16xf32>
        %swap3A_484 = arith.index_cast %add3A_429 : i32 to index
        %swap3A_485 = arith.constant 48 : index
        %swap3A_486 = tpu.vector_load %arg19[%swap3A_484, %swap3A_485] {strides = array<i32>} : memref<80x80xf32, #tpu.memory_space<vmem>>, vector<16xf32>,
        tpu.vector_store %arg19[%swap3A_484, %swap3A_485], %mul3A_483 {strides = array<i32>} : memref<80x80xf32, #tpu.memory_space<vmem>>, vector<16xf32>,
        %mul3A_487 = arith.constant 4 : i32
        %mul3A_488 = arith.muli %scan3A_252, %mul3A_487 : i32
        %add3A_489 = arith.constant 3 : i32
        %add3A_490 = arith.addi %mul3A_488, %add3A_489 : i32
        %broadcast_in_dim3A_491 = vector.broadcast %add3A_490 : i32 to vector<16xi32>
        %add3A_492 = arith.constant 64 : i32
        %add3A_493 = vector.broadcast %add3A_492 : i32 to vector<16xi32>
        %add3A_494 = arith.addi %add3A_493, %select_n3A : vector<16xi32>
        %add3A_495 = arith.constant 0 : i32
        %add3A_496 = vector.broadcast %add3A_495 : i32 to vector<16xi32>
        %add3A_497 = arith.addi %add3A_494, %add3A_496 : vector<16xi32>
        %gather3A_498 = tpu.vector_load_idx %arg19[%broadcast_in_dim3A_491, %add3A_497] : memref<80x80xf32, #tpu.memory_space<vmem>>[vector<16xi32>, vector<16xi32>], vector<16xf32>,
        %get3A_499 = arith.index_cast %add3A_490 : i32 to index
        %get3A_500 = arith.constant 0 : index
        %get3A_501 = tpu.vector_load %arg15[%get3A_499, %get3A_500] {strides = array<i32>} : memref<80x80xf32, #tpu.memory_space<vmem>>, vector<16xf32>,
        %mul3A_502 = arith.mulf %get3A_501, %gather3A_498 : vector<16xf32>
        %swap3A_503 = arith.index_cast %add3A_490 : i32 to index
        %swap3A_504 = arith.constant 0 : index
        %swap3A_505 = tpu.vector_load %arg19[%swap3A_503, %swap3A_504] {strides = array<i32>} : memref<80x80xf32, #tpu.memory_space<vmem>>, vector<16xf32>,
        tpu.vector_store %arg19[%swap3A_503, %swap3A_504], %mul3A_502 {strides = array<i32>} : memref<80x80xf32, #tpu.memory_space<vmem>>, vector<16xf32>,
        %add3A_506 = arith.constant 64 : i32
        %add3A_507 = vector.broadcast %add3A_506 : i32 to vector<16xi32>
        %add3A_508 = arith.addi %add3A_507, %select_n3A : vector<16xi32>
        %add3A_509 = arith.constant 2 : i32
        %add3A_510 = vector.broadcast %add3A_509 : i32 to vector<16xi32>
        %add3A_511 = arith.addi %add3A_508, %add3A_510 : vector<16xi32>
        %gather3A_512 = tpu.vector_load_idx %arg19[%broadcast_in_dim3A_491, %add3A_511] : memref<80x80xf32, #tpu.memory_space<vmem>>[vector<16xi32>, vector<16xi32>], vector<16xf32>,
        %get3A_513 = arith.index_cast %add3A_490 : i32 to index
        %get3A_514 = arith.constant 16 : index
        %get3A_515 = tpu.vector_load %arg15[%get3A_513, %get3A_514] {strides = array<i32>} : memref<80x80xf32, #tpu.memory_space<vmem>>, vector<16xf32>,
        %mul3A_516 = arith.mulf %get3A_515, %gather3A_512 : vector<16xf32>
        %swap3A_517 = arith.index_cast %add3A_490 : i32 to index
        %swap3A_518 = arith.constant 16 : index
        %swap3A_519 = tpu.vector_load %arg19[%swap3A_517, %swap3A_518] {strides = array<i32>} : memref<80x80xf32, #tpu.memory_space<vmem>>, vector<16xf32>,
        tpu.vector_store %arg19[%swap3A_517, %swap3A_518], %mul3A_516 {strides = array<i32>} : memref<80x80xf32, #tpu.memory_space<vmem>>, vector<16xf32>,
        %add3A_520 = arith.constant 64 : i32
        %add3A_521 = vector.broadcast %add3A_520 : i32 to vector<16xi32>
        %add3A_522 = arith.addi %add3A_521, %select_n3A : vector<16xi32>
        %add3A_523 = arith.constant 4 : i32
        %add3A_524 = vector.broadcast %add3A_523 : i32 to vector<16xi32>
        %add3A_525 = arith.addi %add3A_522, %add3A_524 : vector<16xi32>
        %gather3A_526 = tpu.vector_load_idx %arg19[%broadcast_in_dim3A_491, %add3A_525] : memref<80x80xf32, #tpu.memory_space<vmem>>[vector<16xi32>, vector<16xi32>], vector<16xf32>,
        %get3A_527 = arith.index_cast %add3A_490 : i32 to index
        %get3A_528 = arith.constant 32 : index
        %get3A_529 = tpu.vector_load %arg15[%get3A_527, %get3A_528] {strides = array<i32>} : memref<80x80xf32, #tpu.memory_space<vmem>>, vector<16xf32>,
        %mul3A_530 = arith.mulf %get3A_529, %gather3A_526 : vector<16xf32>
        %swap3A_531 = arith.index_cast %add3A_490 : i32 to index
        %swap3A_532 = arith.constant 32 : index
        %swap3A_533 = tpu.vector_load %arg19[%swap3A_531, %swap3A_532] {strides = array<i32>} : memref<80x80xf32, #tpu.memory_space<vmem>>, vector<16xf32>,
        tpu.vector_store %arg19[%swap3A_531, %swap3A_532], %mul3A_530 {strides = array<i32>} : memref<80x80xf32, #tpu.memory_space<vmem>>, vector<16xf32>,
        %add3A_534 = arith.constant 64 : i32
        %add3A_535 = vector.broadcast %add3A_534 : i32 to vector<16xi32>
        %add3A_536 = arith.addi %add3A_535, %select_n3A : vector<16xi32>
        %add3A_537 = arith.constant 6 : i32
        %add3A_538 = vector.broadcast %add3A_537 : i32 to vector<16xi32>
        %add3A_539 = arith.addi %add3A_536, %add3A_538 : vector<16xi32>
        %gather3A_540 = tpu.vector_load_idx %arg19[%broadcast_in_dim3A_491, %add3A_539] : memref<80x80xf32, #tpu.memory_space<vmem>>[vector<16xi32>, vector<16xi32>], vector<16xf32>,
        %get3A_541 = arith.index_cast %add3A_490 : i32 to index
        %get3A_542 = arith.constant 48 : index
        %get3A_543 = tpu.vector_load %arg15[%get3A_541, %get3A_542] {strides = array<i32>} : memref<80x80xf32, #tpu.memory_space<vmem>>, vector<16xf32>,
        %mul3A_544 = arith.mulf %get3A_543, %gather3A_540 : vector<16xf32>
        %swap3A_545 = arith.index_cast %add3A_490 : i32 to index
        %swap3A_546 = arith.constant 48 : index
        %swap3A_547 = tpu.vector_load %arg19[%swap3A_545, %swap3A_546] {strides = array<i32>} : memref<80x80xf32, #tpu.memory_space<vmem>>, vector<16xf32>,
        tpu.vector_store %arg19[%swap3A_545, %swap3A_546], %mul3A_544 {strides = array<i32>} : memref<80x80xf32, #tpu.memory_space<vmem>>, vector<16xf32>,
        %scan3A_548 = arith.constant 0 : i32
        scf.yield %scan3A_548 : i32
      }
      %scan3A_247 = arith.constant 20 : i32
      %dma_start3A_248 = arith.constant 0 : i32
      %dma_start3A_249 = arith.constant 0 : i32
      %dma_start3A_250 = tpu.memref_slice %arg22[%dma_start3A_248, %dma_start3A_249] : memref<10240x80xf32, #tpu.memory_space<vmem_shared>> -> memref<10240x80xf32, #tpu.memory_space<vmem_shared>>
      tpu.enqueue_indirect_dma source(%arg19 : memref<80x80xf32, #tpu.memory_space<vmem>>) target(%dma_start3A_250 : memref<10240x80xf32, #tpu.memory_space<vmem_shared>>) offsets(%arg13 : memref<80xi32, #tpu.memory_space<vmem>>) semaphore(%arg28 : memref<!tpu.dma_semaphore, #tpu.memory_space<semaphore_mem>>) {add = true}
      %scan3A_251 = arith.constant 0 : i32
      scf.yield %scan3A_251 : i32
    }
    %scan3A_78 = arith.constant 62 : i32
    %dma_wait3A_79 = arith.constant 0 : i32
    %dma_wait3A_80 = arith.constant 0 : i32
    %dma_wait3A_81 = tpu.memref_slice %arg2[%dma_wait3A_79, %dma_wait3A_80] : memref<10000x80xf32, #tpu.memory_space<hbm>> -> memref<10000x80xf32, #tpu.memory_space<hbm>>
    tpu.wait_indirect_dma semaphore(%arg25 : memref<!tpu.dma_semaphore, #tpu.memory_space<semaphore_mem>>) src(%dma_wait3A_81 : memref<10000x80xf32, #tpu.memory_space<hbm>>) dst(%arg14 : memref<80x80xf32, #tpu.memory_space<vmem>>)
    %dma_wait3A_82 = arith.constant 0 : i32
    %dma_wait3A_83 = arith.constant 0 : i32
    %dma_wait3A_84 = tpu.memref_slice %arg3[%dma_wait3A_82, %dma_wait3A_83] : memref<10000x16xf32, #tpu.memory_space<hbm>> -> memref<10000x16xf32, #tpu.memory_space<hbm>>
    tpu.wait_indirect_dma semaphore(%arg25 : memref<!tpu.dma_semaphore, #tpu.memory_space<semaphore_mem>>) src(%dma_wait3A_84 : memref<10000x16xf32, #tpu.memory_space<hbm>>) dst(%arg16 : memref<80x16xf32, #tpu.memory_space<vmem>>)
    %dma_wait3A_85 = arith.constant 0 : i32
    %dma_wait3A_86 = arith.constant 0 : i32
    %dma_wait3A_87 = tpu.memref_slice %arg22[%dma_wait3A_85, %dma_wait3A_86] : memref<10240x80xf32, #tpu.memory_space<vmem_shared>> -> memref<10240x80xf32, #tpu.memory_space<vmem_shared>>
    tpu.wait_indirect_dma semaphore(%arg27 : memref<!tpu.dma_semaphore, #tpu.memory_space<semaphore_mem>>) src(%arg18 : memref<80x80xf32, #tpu.memory_space<vmem>>) dst(%dma_wait3A_87 : memref<10240x80xf32, #tpu.memory_space<vmem_shared>>)
    %get3A = arith.constant 0 : index
    %get3A_88 = tpu.vector_load %arg10[%get3A] {strides = array<i32>} : memref<80xi32, #tpu.memory_space<vmem>>, vector<16xi32>,
    %swap3A = arith.constant 0 : index
    %swap3A_89 = tpu.vector_load %arg12[%swap3A] {strides = array<i32>} : memref<80xi32, #tpu.memory_space<vmem>>, vector<16xi32>,
    tpu.vector_store %arg12[%swap3A], %get3A_88 {strides = array<i32>} : memref<80xi32, #tpu.memory_space<vmem>>, vector<16xi32>,
    %get3A_90 = arith.constant 16 : index
    %get3A_91 = tpu.vector_load %arg10[%get3A_90] {strides = array<i32>} : memref<80xi32, #tpu.memory_space<vmem>>, vector<16xi32>,
    %swap3A_92 = arith.constant 16 : index
    %swap3A_93 = tpu.vector_load %arg12[%swap3A_92] {strides = array<i32>} : memref<80xi32, #tpu.memory_space<vmem>>, vector<16xi32>,
    tpu.vector_store %arg12[%swap3A_92], %get3A_91 {strides = array<i32>} : memref<80xi32, #tpu.memory_space<vmem>>, vector<16xi32>,
    %get3A_94 = arith.constant 32 : index
    %get3A_95 = tpu.vector_load %arg10[%get3A_94] {strides = array<i32>} : memref<80xi32, #tpu.memory_space<vmem>>, vector<16xi32>,
    %swap3A_96 = arith.constant 32 : index
    %swap3A_97 = tpu.vector_load %arg12[%swap3A_96] {strides = array<i32>} : memref<80xi32, #tpu.memory_space<vmem>>, vector<16xi32>,
    tpu.vector_store %arg12[%swap3A_96], %get3A_95 {strides = array<i32>} : memref<80xi32, #tpu.memory_space<vmem>>, vector<16xi32>,
    %get3A_98 = arith.constant 48 : index
    %get3A_99 = tpu.vector_load %arg10[%get3A_98] {strides = array<i32>} : memref<80xi32, #tpu.memory_space<vmem>>, vector<16xi32>,
    %swap3A_100 = arith.constant 48 : index
    %swap3A_101 = tpu.vector_load %arg12[%swap3A_100] {strides = array<i32>} : memref<80xi32, #tpu.memory_space<vmem>>, vector<16xi32>,
    tpu.vector_store %arg12[%swap3A_100], %get3A_99 {strides = array<i32>} : memref<80xi32, #tpu.memory_space<vmem>>, vector<16xi32>,
    %get3A_102 = arith.constant 64 : index
    %get3A_103 = tpu.vector_load %arg10[%get3A_102] {strides = array<i32>} : memref<80xi32, #tpu.memory_space<vmem>>, vector<16xi32>,
    %swap3A_104 = arith.constant 64 : index
    %swap3A_105 = tpu.vector_load %arg12[%swap3A_104] {strides = array<i32>} : memref<80xi32, #tpu.memory_space<vmem>>, vector<16xi32>,
    tpu.vector_store %arg12[%swap3A_104], %get3A_103 {strides = array<i32>} : memref<80xi32, #tpu.memory_space<vmem>>, vector<16xi32>,
    %scan3A_106 = arith.constant 0 : i32
    %scan3A_107 = arith.constant 0 : i32
    %scan3A_108 = arith.constant 20 : i32
    %scan3A_109 = arith.addi %scan3A_107, %scan3A_108 : i32
    %scan3A_110 = arith.constant 1 : i32
    %scan3A_111 = scf.for %scan3A_123 = %scan3A_107 to %scan3A_109 step %scan3A_110 iter_args(%scan3A_124 = %scan3A_106) -> (i32)  : i32 {
      %mul3A_125 = arith.constant 4 : i32
      %mul3A_126 = arith.muli %scan3A_123, %mul3A_125 : i32
      %add3A_127 = arith.constant 0 : i32
      %add3A_128 = arith.addi %mul3A_126, %add3A_127 : i32
      %add3A_129 = vector.broadcast %add3A_128 : i32 to vector<16xi32>
      %add3A_130 = arith.addi %add3A_129, %select_n3A : vector<16xi32>
      %add3A_131 = arith.constant 64 : i32
      %add3A_132 = vector.broadcast %add3A_131 : i32 to vector<16xi32>
      %add3A_133 = arith.addi %and3A_44, %add3A_132 : vector<16xi32>
      %gather3A_134 = tpu.vector_load_idx %arg14[%add3A_130, %add3A_133] : memref<80x80xf32, #tpu.memory_space<vmem>>[vector<16xi32>, vector<16xi32>], vector<16xf32>,
      %gather3A_135 = tpu.vector_load_idx %arg16[%add3A_130, %and3A_44] : memref<80x16xf32, #tpu.memory_space<vmem>>[vector<16xi32>, vector<16xi32>], vector<16xf32>,
      %add3A_136 = arith.addf %gather3A_134, %gather3A_135 : vector<16xf32>
      %mul3A_137 = arith.constant 2.000000e-01 : f32
      %mul3A_138 = vector.broadcast %mul3A_137 : f32 to vector<16xf32>
      %mul3A_139 = arith.mulf %mul3A_138, %add3A_136 : vector<16xf32>
      %max3A = arith.maximumf %add3A_136, %mul3A_139 : vector<16xf32>
      %add3A_140 = arith.addf %gather3A_135, %gather3A : vector<16xf32>
      %mul3A_141 = arith.constant 2.000000e-01 : f32
      %mul3A_142 = vector.broadcast %mul3A_141 : f32 to vector<16xf32>
      %mul3A_143 = arith.mulf %mul3A_142, %add3A_140 : vector<16xf32>
      %max3A_144 = arith.maximumf %add3A_140, %mul3A_143 : vector<16xf32>
      %sub3A_145 = arith.subf %max3A, %max3A_144 : vector<16xf32>
      %exp3A = math.exp %sub3A_145 : vector<16xf32>
      %add3A_146 = arith.constant 64 : i32
      %add3A_147 = vector.broadcast %add3A_146 : i32 to vector<16xi32>
      %add3A_148 = arith.addi %and3A_44, %add3A_147 : vector<16xi32>
      tpu.vector_store_idx %arg18[%add3A_130, %add3A_148], %exp3A : memref<80x80xf32, #tpu.memory_space<vmem>>[vector<16xi32>, vector<16xi32>], vector<16xf32>,
      %mul3A_149 = arith.constant 4 : i32
      %mul3A_150 = arith.muli %scan3A_123, %mul3A_149 : i32
      %add3A_151 = arith.constant 2 : i32
      %add3A_152 = arith.addi %mul3A_150, %add3A_151 : i32
      %add3A_153 = vector.broadcast %add3A_152 : i32 to vector<16xi32>
      %add3A_154 = arith.addi %add3A_153, %select_n3A : vector<16xi32>
      %add3A_155 = arith.constant 64 : i32
      %add3A_156 = vector.broadcast %add3A_155 : i32 to vector<16xi32>
      %add3A_157 = arith.addi %and3A_44, %add3A_156 : vector<16xi32>
      %gather3A_158 = tpu.vector_load_idx %arg14[%add3A_154, %add3A_157] : memref<80x80xf32, #tpu.memory_space<vmem>>[vector<16xi32>, vector<16xi32>], vector<16xf32>,
      %gather3A_159 = tpu.vector_load_idx %arg16[%add3A_154, %and3A_44] : memref<80x16xf32, #tpu.memory_space<vmem>>[vector<16xi32>, vector<16xi32>], vector<16xf32>,
      %add3A_160 = arith.addf %gather3A_158, %gather3A_159 : vector<16xf32>
      %mul3A_161 = arith.constant 2.000000e-01 : f32
      %mul3A_162 = vector.broadcast %mul3A_161 : f32 to vector<16xf32>
      %mul3A_163 = arith.mulf %mul3A_162, %add3A_160 : vector<16xf32>
      %max3A_164 = arith.maximumf %add3A_160, %mul3A_163 : vector<16xf32>
      %add3A_165 = arith.addf %gather3A_159, %gather3A : vector<16xf32>
      %mul3A_166 = arith.constant 2.000000e-01 : f32
      %mul3A_167 = vector.broadcast %mul3A_166 : f32 to vector<16xf32>
      %mul3A_168 = arith.mulf %mul3A_167, %add3A_165 : vector<16xf32>
      %max3A_169 = arith.maximumf %add3A_165, %mul3A_168 : vector<16xf32>
      %sub3A_170 = arith.subf %max3A_164, %max3A_169 : vector<16xf32>
      %exp3A_171 = math.exp %sub3A_170 : vector<16xf32>
      %add3A_172 = arith.constant 64 : i32
      %add3A_173 = vector.broadcast %add3A_172 : i32 to vector<16xi32>
      %add3A_174 = arith.addi %and3A_44, %add3A_173 : vector<16xi32>
      tpu.vector_store_idx %arg18[%add3A_154, %add3A_174], %exp3A_171 : memref<80x80xf32, #tpu.memory_space<vmem>>[vector<16xi32>, vector<16xi32>], vector<16xf32>,
      %mul3A_175 = arith.constant 4 : i32
      %mul3A_176 = arith.muli %scan3A_123, %mul3A_175 : i32
      %add3A_177 = arith.constant 0 : i32
      %add3A_178 = arith.addi %mul3A_176, %add3A_177 : i32
      %broadcast_in_dim3A_179 = vector.broadcast %add3A_178 : i32 to vector<16xi32>
      %add3A_180 = arith.constant 64 : i32
      %add3A_181 = vector.broadcast %add3A_180 : i32 to vector<16xi32>
      %add3A_182 = arith.addi %add3A_181, %select_n3A : vector<16xi32>
      %add3A_183 = arith.constant 0 : i32
      %add3A_184 = vector.broadcast %add3A_183 : i32 to vector<16xi32>
      %add3A_185 = arith.addi %add3A_182, %add3A_184 : vector<16xi32>
      %gather3A_186 = tpu.vector_load_idx %arg18[%broadcast_in_dim3A_179, %add3A_185] : memref<80x80xf32, #tpu.memory_space<vmem>>[vector<16xi32>, vector<16xi32>], vector<16xf32>,
      %get3A_187 = arith.index_cast %add3A_178 : i32 to index
      %get3A_188 = arith.constant 0 : index
      %get3A_189 = tpu.vector_load %arg14[%get3A_187, %get3A_188] {strides = array<i32>} : memref<80x80xf32, #tpu.memory_space<vmem>>, vector<16xf32>,
      %mul3A_190 = arith.mulf %get3A_189, %gather3A_186 : vector<16xf32>
      %swap3A_191 = arith.index_cast %add3A_178 : i32 to index
      %swap3A_192 = arith.constant 0 : index
      %swap3A_193 = tpu.vector_load %arg18[%swap3A_191, %swap3A_192] {strides = array<i32>} : memref<80x80xf32, #tpu.memory_space<vmem>>, vector<16xf32>,
      tpu.vector_store %arg18[%swap3A_191, %swap3A_192], %mul3A_190 {strides = array<i32>} : memref<80x80xf32, #tpu.memory_space<vmem>>, vector<16xf32>,
      %add3A_194 = arith.constant 64 : i32
      %add3A_195 = vector.broadcast %add3A_194 : i32 to vector<16xi32>
      %add3A_196 = arith.addi %add3A_195, %select_n3A : vector<16xi32>
      %add3A_197 = arith.constant 2 : i32
      %add3A_198 = vector.broadcast %add3A_197 : i32 to vector<16xi32>
      %add3A_199 = arith.addi %add3A_196, %add3A_198 : vector<16xi32>
      %gather3A_200 = tpu.vector_load_idx %arg18[%broadcast_in_dim3A_179, %add3A_199] : memref<80x80xf32, #tpu.memory_space<vmem>>[vector<16xi32>, vector<16xi32>], vector<16xf32>,
      %get3A_201 = arith.index_cast %add3A_178 : i32 to index
      %get3A_202 = arith.constant 16 : index
      %get3A_203 = tpu.vector_load %arg14[%get3A_201, %get3A_202] {strides = array<i32>} : memref<80x80xf32, #tpu.memory_space<vmem>>, vector<16xf32>,
      %mul3A_204 = arith.mulf %get3A_203, %gather3A_200 : vector<16xf32>
      %swap3A_205 = arith.index_cast %add3A_178 : i32 to index
      %swap3A_206 = arith.constant 16 : index
      %swap3A_207 = tpu.vector_load %arg18[%swap3A_205, %swap3A_206] {strides = array<i32>} : memref<80x80xf32, #tpu.memory_space<vmem>>, vector<16xf32>,
      tpu.vector_store %arg18[%swap3A_205, %swap3A_206], %mul3A_204 {strides = array<i32>} : memref<80x80xf32, #tpu.memory_space<vmem>>, vector<16xf32>,
      %add3A_208 = arith.constant 64 : i32
      %add3A_209 = vector.broadcast %add3A_208 : i32 to vector<16xi32>
      %add3A_210 = arith.addi %add3A_209, %select_n3A : vector<16xi32>
      %add3A_211 = arith.constant 4 : i32
      %add3A_212 = vector.broadcast %add3A_211 : i32 to vector<16xi32>
      %add3A_213 = arith.addi %add3A_210, %add3A_212 : vector<16xi32>
      %gather3A_214 = tpu.vector_load_idx %arg18[%broadcast_in_dim3A_179, %add3A_213] : memref<80x80xf32, #tpu.memory_space<vmem>>[vector<16xi32>, vector<16xi32>], vector<16xf32>,
      %get3A_215 = arith.index_cast %add3A_178 : i32 to index
      %get3A_216 = arith.constant 32 : index
      %get3A_217 = tpu.vector_load %arg14[%get3A_215, %get3A_216] {strides = array<i32>} : memref<80x80xf32, #tpu.memory_space<vmem>>, vector<16xf32>,
      %mul3A_218 = arith.mulf %get3A_217, %gather3A_214 : vector<16xf32>
      %swap3A_219 = arith.index_cast %add3A_178 : i32 to index
      %swap3A_220 = arith.constant 32 : index
      %swap3A_221 = tpu.vector_load %arg18[%swap3A_219, %swap3A_220] {strides = array<i32>} : memref<80x80xf32, #tpu.memory_space<vmem>>, vector<16xf32>,
      tpu.vector_store %arg18[%swap3A_219, %swap3A_220], %mul3A_218 {strides = array<i32>} : memref<80x80xf32, #tpu.memory_space<vmem>>, vector<16xf32>,
      %add3A_222 = arith.constant 64 : i32
      %add3A_223 = vector.broadcast %add3A_222 : i32 to vector<16xi32>
      %add3A_224 = arith.addi %add3A_223, %select_n3A : vector<16xi32>
      %add3A_225 = arith.constant 6 : i32
      %add3A_226 = vector.broadcast %add3A_225 : i32 to vector<16xi32>
      %add3A_227 = arith.addi %add3A_224, %add3A_226 : vector<16xi32>
      %gather3A_228 = tpu.vector_load_idx %arg18[%broadcast_in_dim3A_179, %add3A_227] : memref<80x80xf32, #tpu.memory_space<vmem>>[vector<16xi32>, vector<16xi32>], vector<16xf32>,
      %get3A_229 = arith.index_cast %add3A_178 : i32 to index
      %get3A_230 = arith.constant 48 : index
      %get3A_231 = tpu.vector_load %arg14[%get3A_229, %get3A_230] {strides = array<i32>} : memref<80x80xf32, #tpu.memory_space<vmem>>, vector<16xf32>,
      %mul3A_232 = arith.mulf %get3A_231, %gather3A_228 : vector<16xf32>
      %swap3A_233 = arith.index_cast %add3A_178 : i32 to index
      %swap3A_234 = arith.constant 48 : index
      %swap3A_235 = tpu.vector_load %arg18[%swap3A_233, %swap3A_234] {strides = array<i32>} : memref<80x80xf32, #tpu.memory_space<vmem>>, vector<16xf32>,
      tpu.vector_store %arg18[%swap3A_233, %swap3A_234], %mul3A_232 {strides = array<i32>} : memref<80x80xf32, #tpu.memory_space<vmem>>, vector<16xf32>,
      %mul3A_236 = arith.constant 4 : i32
      %mul3A_237 = arith.muli %scan3A_123, %mul3A_236 : i32
      %add3A_238 = arith.constant 1 : i32
      %add3A_239 = arith.addi %mul3A_237, %add3A_238 : i32
      %broadcast_in_dim3A_240 = vector.broadcast %add3A_239 : i32 to vector<16xi32>
      %add3A_241 = arith.constant 64 : i32
      %add3A_242 = vector.broadcast %add3A_241 : i32 to vector<16xi32>
      %add3A_243 = arith.addi %add3A_242, %select_n3A : vector<16xi32>
      %add3A_244 = arith.constant 0 : i32
      %add3A_245 = vector.broadcast %add3A_244 : i32 to vector<16xi32>
      %add3A_246 = arith.addi %add3A_243, %add3A_245 : vector<16xi32>
      %gather3A_247 = tpu.vector_load_idx %arg18[%broadcast_in_dim3A_240, %add3A_246] : memref<80x80xf32, #tpu.memory_space<vmem>>[vector<16xi32>, vector<16xi32>], vector<16xf32>,
      %get3A_248 = arith.index_cast %add3A_239 : i32 to index
      %get3A_249 = arith.constant 0 : index
      %get3A_250 = tpu.vector_load %arg14[%get3A_248, %get3A_249] {strides = array<i32>} : memref<80x80xf32, #tpu.memory_space<vmem>>, vector<16xf32>,
      %mul3A_251 = arith.mulf %get3A_250, %gather3A_247 : vector<16xf32>
      %swap3A_252 = arith.index_cast %add3A_239 : i32 to index
      %swap3A_253 = arith.constant 0 : index
      %swap3A_254 = tpu.vector_load %arg18[%swap3A_252, %swap3A_253] {strides = array<i32>} : memref<80x80xf32, #tpu.memory_space<vmem>>, vector<16xf32>,
      tpu.vector_store %arg18[%swap3A_252, %swap3A_253], %mul3A_251 {strides = array<i32>} : memref<80x80xf32, #tpu.memory_space<vmem>>, vector<16xf32>,
      %add3A_255 = arith.constant 64 : i32
      %add3A_256 = vector.broadcast %add3A_255 : i32 to vector<16xi32>
      %add3A_257 = arith.addi %add3A_256, %select_n3A : vector<16xi32>
      %add3A_258 = arith.constant 2 : i32
      %add3A_259 = vector.broadcast %add3A_258 : i32 to vector<16xi32>
      %add3A_260 = arith.addi %add3A_257, %add3A_259 : vector<16xi32>
      %gather3A_261 = tpu.vector_load_idx %arg18[%broadcast_in_dim3A_240, %add3A_260] : memref<80x80xf32, #tpu.memory_space<vmem>>[vector<16xi32>, vector<16xi32>], vector<16xf32>,
      %get3A_262 = arith.index_cast %add3A_239 : i32 to index
      %get3A_263 = arith.constant 16 : index
      %get3A_264 = tpu.vector_load %arg14[%get3A_262, %get3A_263] {strides = array<i32>} : memref<80x80xf32, #tpu.memory_space<vmem>>, vector<16xf32>,
      %mul3A_265 = arith.mulf %get3A_264, %gather3A_261 : vector<16xf32>
      %swap3A_266 = arith.index_cast %add3A_239 : i32 to index
      %swap3A_267 = arith.constant 16 : index
      %swap3A_268 = tpu.vector_load %arg18[%swap3A_266, %swap3A_267] {strides = array<i32>} : memref<80x80xf32, #tpu.memory_space<vmem>>, vector<16xf32>,
      tpu.vector_store %arg18[%swap3A_266, %swap3A_267], %mul3A_265 {strides = array<i32>} : memref<80x80xf32, #tpu.memory_space<vmem>>, vector<16xf32>,
      %add3A_269 = arith.constant 64 : i32
      %add3A_270 = vector.broadcast %add3A_269 : i32 to vector<16xi32>
      %add3A_271 = arith.addi %add3A_270, %select_n3A : vector<16xi32>
      %add3A_272 = arith.constant 4 : i32
      %add3A_273 = vector.broadcast %add3A_272 : i32 to vector<16xi32>
      %add3A_274 = arith.addi %add3A_271, %add3A_273 : vector<16xi32>
      %gather3A_275 = tpu.vector_load_idx %arg18[%broadcast_in_dim3A_240, %add3A_274] : memref<80x80xf32, #tpu.memory_space<vmem>>[vector<16xi32>, vector<16xi32>], vector<16xf32>,
      %get3A_276 = arith.index_cast %add3A_239 : i32 to index
      %get3A_277 = arith.constant 32 : index
      %get3A_278 = tpu.vector_load %arg14[%get3A_276, %get3A_277] {strides = array<i32>} : memref<80x80xf32, #tpu.memory_space<vmem>>, vector<16xf32>,
      %mul3A_279 = arith.mulf %get3A_278, %gather3A_275 : vector<16xf32>
      %swap3A_280 = arith.index_cast %add3A_239 : i32 to index
      %swap3A_281 = arith.constant 32 : index
      %swap3A_282 = tpu.vector_load %arg18[%swap3A_280, %swap3A_281] {strides = array<i32>} : memref<80x80xf32, #tpu.memory_space<vmem>>, vector<16xf32>,
      tpu.vector_store %arg18[%swap3A_280, %swap3A_281], %mul3A_279 {strides = array<i32>} : memref<80x80xf32, #tpu.memory_space<vmem>>, vector<16xf32>,
      %add3A_283 = arith.constant 64 : i32
      %add3A_284 = vector.broadcast %add3A_283 : i32 to vector<16xi32>
      %add3A_285 = arith.addi %add3A_284, %select_n3A : vector<16xi32>
      %add3A_286 = arith.constant 6 : i32
      %add3A_287 = vector.broadcast %add3A_286 : i32 to vector<16xi32>
      %add3A_288 = arith.addi %add3A_285, %add3A_287 : vector<16xi32>
      %gather3A_289 = tpu.vector_load_idx %arg18[%broadcast_in_dim3A_240, %add3A_288] : memref<80x80xf32, #tpu.memory_space<vmem>>[vector<16xi32>, vector<16xi32>], vector<16xf32>,
      %get3A_290 = arith.index_cast %add3A_239 : i32 to index
      %get3A_291 = arith.constant 48 : index
      %get3A_292 = tpu.vector_load %arg14[%get3A_290, %get3A_291] {strides = array<i32>} : memref<80x80xf32, #tpu.memory_space<vmem>>, vector<16xf32>,
      %mul3A_293 = arith.mulf %get3A_292, %gather3A_289 : vector<16xf32>
      %swap3A_294 = arith.index_cast %add3A_239 : i32 to index
      %swap3A_295 = arith.constant 48 : index
      %swap3A_296 = tpu.vector_load %arg18[%swap3A_294, %swap3A_295] {strides = array<i32>} : memref<80x80xf32, #tpu.memory_space<vmem>>, vector<16xf32>,
      tpu.vector_store %arg18[%swap3A_294, %swap3A_295], %mul3A_293 {strides = array<i32>} : memref<80x80xf32, #tpu.memory_space<vmem>>, vector<16xf32>,
      %mul3A_297 = arith.constant 4 : i32
      %mul3A_298 = arith.muli %scan3A_123, %mul3A_297 : i32
      %add3A_299 = arith.constant 2 : i32
      %add3A_300 = arith.addi %mul3A_298, %add3A_299 : i32
      %broadcast_in_dim3A_301 = vector.broadcast %add3A_300 : i32 to vector<16xi32>
      %add3A_302 = arith.constant 64 : i32
      %add3A_303 = vector.broadcast %add3A_302 : i32 to vector<16xi32>
      %add3A_304 = arith.addi %add3A_303, %select_n3A : vector<16xi32>
      %add3A_305 = arith.constant 0 : i32
      %add3A_306 = vector.broadcast %add3A_305 : i32 to vector<16xi32>
      %add3A_307 = arith.addi %add3A_304, %add3A_306 : vector<16xi32>
      %gather3A_308 = tpu.vector_load_idx %arg18[%broadcast_in_dim3A_301, %add3A_307] : memref<80x80xf32, #tpu.memory_space<vmem>>[vector<16xi32>, vector<16xi32>], vector<16xf32>,
      %get3A_309 = arith.index_cast %add3A_300 : i32 to index
      %get3A_310 = arith.constant 0 : index
      %get3A_311 = tpu.vector_load %arg14[%get3A_309, %get3A_310] {strides = array<i32>} : memref<80x80xf32, #tpu.memory_space<vmem>>, vector<16xf32>,
      %mul3A_312 = arith.mulf %get3A_311, %gather3A_308 : vector<16xf32>
      %swap3A_313 = arith.index_cast %add3A_300 : i32 to index
      %swap3A_314 = arith.constant 0 : index
      %swap3A_315 = tpu.vector_load %arg18[%swap3A_313, %swap3A_314] {strides = array<i32>} : memref<80x80xf32, #tpu.memory_space<vmem>>, vector<16xf32>,
      tpu.vector_store %arg18[%swap3A_313, %swap3A_314], %mul3A_312 {strides = array<i32>} : memref<80x80xf32, #tpu.memory_space<vmem>>, vector<16xf32>,
      %add3A_316 = arith.constant 64 : i32
      %add3A_317 = vector.broadcast %add3A_316 : i32 to vector<16xi32>
      %add3A_318 = arith.addi %add3A_317, %select_n3A : vector<16xi32>
      %add3A_319 = arith.constant 2 : i32
      %add3A_320 = vector.broadcast %add3A_319 : i32 to vector<16xi32>
      %add3A_321 = arith.addi %add3A_318, %add3A_320 : vector<16xi32>
      %gather3A_322 = tpu.vector_load_idx %arg18[%broadcast_in_dim3A_301, %add3A_321] : memref<80x80xf32, #tpu.memory_space<vmem>>[vector<16xi32>, vector<16xi32>], vector<16xf32>,
      %get3A_323 = arith.index_cast %add3A_300 : i32 to index
      %get3A_324 = arith.constant 16 : index
      %get3A_325 = tpu.vector_load %arg14[%get3A_323, %get3A_324] {strides = array<i32>} : memref<80x80xf32, #tpu.memory_space<vmem>>, vector<16xf32>,
      %mul3A_326 = arith.mulf %get3A_325, %gather3A_322 : vector<16xf32>
      %swap3A_327 = arith.index_cast %add3A_300 : i32 to index
      %swap3A_328 = arith.constant 16 : index
      %swap3A_329 = tpu.vector_load %arg18[%swap3A_327, %swap3A_328] {strides = array<i32>} : memref<80x80xf32, #tpu.memory_space<vmem>>, vector<16xf32>,
      tpu.vector_store %arg18[%swap3A_327, %swap3A_328], %mul3A_326 {strides = array<i32>} : memref<80x80xf32, #tpu.memory_space<vmem>>, vector<16xf32>,
      %add3A_330 = arith.constant 64 : i32
      %add3A_331 = vector.broadcast %add3A_330 : i32 to vector<16xi32>
      %add3A_332 = arith.addi %add3A_331, %select_n3A : vector<16xi32>
      %add3A_333 = arith.constant 4 : i32
      %add3A_334 = vector.broadcast %add3A_333 : i32 to vector<16xi32>
      %add3A_335 = arith.addi %add3A_332, %add3A_334 : vector<16xi32>
      %gather3A_336 = tpu.vector_load_idx %arg18[%broadcast_in_dim3A_301, %add3A_335] : memref<80x80xf32, #tpu.memory_space<vmem>>[vector<16xi32>, vector<16xi32>], vector<16xf32>,
      %get3A_337 = arith.index_cast %add3A_300 : i32 to index
      %get3A_338 = arith.constant 32 : index
      %get3A_339 = tpu.vector_load %arg14[%get3A_337, %get3A_338] {strides = array<i32>} : memref<80x80xf32, #tpu.memory_space<vmem>>, vector<16xf32>,
      %mul3A_340 = arith.mulf %get3A_339, %gather3A_336 : vector<16xf32>
      %swap3A_341 = arith.index_cast %add3A_300 : i32 to index
      %swap3A_342 = arith.constant 32 : index
      %swap3A_343 = tpu.vector_load %arg18[%swap3A_341, %swap3A_342] {strides = array<i32>} : memref<80x80xf32, #tpu.memory_space<vmem>>, vector<16xf32>,
      tpu.vector_store %arg18[%swap3A_341, %swap3A_342], %mul3A_340 {strides = array<i32>} : memref<80x80xf32, #tpu.memory_space<vmem>>, vector<16xf32>,
      %add3A_344 = arith.constant 64 : i32
      %add3A_345 = vector.broadcast %add3A_344 : i32 to vector<16xi32>
      %add3A_346 = arith.addi %add3A_345, %select_n3A : vector<16xi32>
      %add3A_347 = arith.constant 6 : i32
      %add3A_348 = vector.broadcast %add3A_347 : i32 to vector<16xi32>
      %add3A_349 = arith.addi %add3A_346, %add3A_348 : vector<16xi32>
      %gather3A_350 = tpu.vector_load_idx %arg18[%broadcast_in_dim3A_301, %add3A_349] : memref<80x80xf32, #tpu.memory_space<vmem>>[vector<16xi32>, vector<16xi32>], vector<16xf32>,
      %get3A_351 = arith.index_cast %add3A_300 : i32 to index
      %get3A_352 = arith.constant 48 : index
      %get3A_353 = tpu.vector_load %arg14[%get3A_351, %get3A_352] {strides = array<i32>} : memref<80x80xf32, #tpu.memory_space<vmem>>, vector<16xf32>,
      %mul3A_354 = arith.mulf %get3A_353, %gather3A_350 : vector<16xf32>
      %swap3A_355 = arith.index_cast %add3A_300 : i32 to index
      %swap3A_356 = arith.constant 48 : index
      %swap3A_357 = tpu.vector_load %arg18[%swap3A_355, %swap3A_356] {strides = array<i32>} : memref<80x80xf32, #tpu.memory_space<vmem>>, vector<16xf32>,
      tpu.vector_store %arg18[%swap3A_355, %swap3A_356], %mul3A_354 {strides = array<i32>} : memref<80x80xf32, #tpu.memory_space<vmem>>, vector<16xf32>,
      %mul3A_358 = arith.constant 4 : i32
      %mul3A_359 = arith.muli %scan3A_123, %mul3A_358 : i32
      %add3A_360 = arith.constant 3 : i32
      %add3A_361 = arith.addi %mul3A_359, %add3A_360 : i32
      %broadcast_in_dim3A_362 = vector.broadcast %add3A_361 : i32 to vector<16xi32>
      %add3A_363 = arith.constant 64 : i32
      %add3A_364 = vector.broadcast %add3A_363 : i32 to vector<16xi32>
      %add3A_365 = arith.addi %add3A_364, %select_n3A : vector<16xi32>
      %add3A_366 = arith.constant 0 : i32
      %add3A_367 = vector.broadcast %add3A_366 : i32 to vector<16xi32>
      %add3A_368 = arith.addi %add3A_365, %add3A_367 : vector<16xi32>
      %gather3A_369 = tpu.vector_load_idx %arg18[%broadcast_in_dim3A_362, %add3A_368] : memref<80x80xf32, #tpu.memory_space<vmem>>[vector<16xi32>, vector<16xi32>], vector<16xf32>,
      %get3A_370 = arith.index_cast %add3A_361 : i32 to index
      %get3A_371 = arith.constant 0 : index
      %get3A_372 = tpu.vector_load %arg14[%get3A_370, %get3A_371] {strides = array<i32>} : memref<80x80xf32, #tpu.memory_space<vmem>>, vector<16xf32>,
      %mul3A_373 = arith.mulf %get3A_372, %gather3A_369 : vector<16xf32>
      %swap3A_374 = arith.index_cast %add3A_361 : i32 to index
      %swap3A_375 = arith.constant 0 : index
      %swap3A_376 = tpu.vector_load %arg18[%swap3A_374, %swap3A_375] {strides = array<i32>} : memref<80x80xf32, #tpu.memory_space<vmem>>, vector<16xf32>,
      tpu.vector_store %arg18[%swap3A_374, %swap3A_375], %mul3A_373 {strides = array<i32>} : memref<80x80xf32, #tpu.memory_space<vmem>>, vector<16xf32>,
      %add3A_377 = arith.constant 64 : i32
      %add3A_378 = vector.broadcast %add3A_377 : i32 to vector<16xi32>
      %add3A_379 = arith.addi %add3A_378, %select_n3A : vector<16xi32>
      %add3A_380 = arith.constant 2 : i32
      %add3A_381 = vector.broadcast %add3A_380 : i32 to vector<16xi32>
      %add3A_382 = arith.addi %add3A_379, %add3A_381 : vector<16xi32>
      %gather3A_383 = tpu.vector_load_idx %arg18[%broadcast_in_dim3A_362, %add3A_382] : memref<80x80xf32, #tpu.memory_space<vmem>>[vector<16xi32>, vector<16xi32>], vector<16xf32>,
      %get3A_384 = arith.index_cast %add3A_361 : i32 to index
      %get3A_385 = arith.constant 16 : index
      %get3A_386 = tpu.vector_load %arg14[%get3A_384, %get3A_385] {strides = array<i32>} : memref<80x80xf32, #tpu.memory_space<vmem>>, vector<16xf32>,
      %mul3A_387 = arith.mulf %get3A_386, %gather3A_383 : vector<16xf32>
      %swap3A_388 = arith.index_cast %add3A_361 : i32 to index
      %swap3A_389 = arith.constant 16 : index
      %swap3A_390 = tpu.vector_load %arg18[%swap3A_388, %swap3A_389] {strides = array<i32>} : memref<80x80xf32, #tpu.memory_space<vmem>>, vector<16xf32>,
      tpu.vector_store %arg18[%swap3A_388, %swap3A_389], %mul3A_387 {strides = array<i32>} : memref<80x80xf32, #tpu.memory_space<vmem>>, vector<16xf32>,
      %add3A_391 = arith.constant 64 : i32
      %add3A_392 = vector.broadcast %add3A_391 : i32 to vector<16xi32>
      %add3A_393 = arith.addi %add3A_392, %select_n3A : vector<16xi32>
      %add3A_394 = arith.constant 4 : i32
      %add3A_395 = vector.broadcast %add3A_394 : i32 to vector<16xi32>
      %add3A_396 = arith.addi %add3A_393, %add3A_395 : vector<16xi32>
      %gather3A_397 = tpu.vector_load_idx %arg18[%broadcast_in_dim3A_362, %add3A_396] : memref<80x80xf32, #tpu.memory_space<vmem>>[vector<16xi32>, vector<16xi32>], vector<16xf32>,
      %get3A_398 = arith.index_cast %add3A_361 : i32 to index
      %get3A_399 = arith.constant 32 : index
      %get3A_400 = tpu.vector_load %arg14[%get3A_398, %get3A_399] {strides = array<i32>} : memref<80x80xf32, #tpu.memory_space<vmem>>, vector<16xf32>,
      %mul3A_401 = arith.mulf %get3A_400, %gather3A_397 : vector<16xf32>
      %swap3A_402 = arith.index_cast %add3A_361 : i32 to index
      %swap3A_403 = arith.constant 32 : index
      %swap3A_404 = tpu.vector_load %arg18[%swap3A_402, %swap3A_403] {strides = array<i32>} : memref<80x80xf32, #tpu.memory_space<vmem>>, vector<16xf32>,
      tpu.vector_store %arg18[%swap3A_402, %swap3A_403], %mul3A_401 {strides = array<i32>} : memref<80x80xf32, #tpu.memory_space<vmem>>, vector<16xf32>,
      %add3A_405 = arith.constant 64 : i32
      %add3A_406 = vector.broadcast %add3A_405 : i32 to vector<16xi32>
      %add3A_407 = arith.addi %add3A_406, %select_n3A : vector<16xi32>
      %add3A_408 = arith.constant 6 : i32
      %add3A_409 = vector.broadcast %add3A_408 : i32 to vector<16xi32>
      %add3A_410 = arith.addi %add3A_407, %add3A_409 : vector<16xi32>
      %gather3A_411 = tpu.vector_load_idx %arg18[%broadcast_in_dim3A_362, %add3A_410] : memref<80x80xf32, #tpu.memory_space<vmem>>[vector<16xi32>, vector<16xi32>], vector<16xf32>,
      %get3A_412 = arith.index_cast %add3A_361 : i32 to index
      %get3A_413 = arith.constant 48 : index
      %get3A_414 = tpu.vector_load %arg14[%get3A_412, %get3A_413] {strides = array<i32>} : memref<80x80xf32, #tpu.memory_space<vmem>>, vector<16xf32>,
      %mul3A_415 = arith.mulf %get3A_414, %gather3A_411 : vector<16xf32>
      %swap3A_416 = arith.index_cast %add3A_361 : i32 to index
      %swap3A_417 = arith.constant 48 : index
      %swap3A_418 = tpu.vector_load %arg18[%swap3A_416, %swap3A_417] {strides = array<i32>} : memref<80x80xf32, #tpu.memory_space<vmem>>, vector<16xf32>,
      tpu.vector_store %arg18[%swap3A_416, %swap3A_417], %mul3A_415 {strides = array<i32>} : memref<80x80xf32, #tpu.memory_space<vmem>>, vector<16xf32>,
      %scan3A_419 = arith.constant 0 : i32
      scf.yield %scan3A_419 : i32
    }
    %scan3A_112 = arith.constant 20 : i32
    %dma_start3A_113 = arith.constant 0 : i32
    %dma_start3A_114 = arith.constant 0 : i32
    %dma_start3A_115 = tpu.memref_slice %arg22[%dma_start3A_113, %dma_start3A_114] : memref<10240x80xf32, #tpu.memory_space<vmem_shared>> -> memref<10240x80xf32, #tpu.memory_space<vmem_shared>>
    tpu.enqueue_indirect_dma source(%arg18 : memref<80x80xf32, #tpu.memory_space<vmem>>) target(%dma_start3A_115 : memref<10240x80xf32, #tpu.memory_space<vmem_shared>>) offsets(%arg12 : memref<80xi32, #tpu.memory_space<vmem>>) semaphore(%arg27 : memref<!tpu.dma_semaphore, #tpu.memory_space<semaphore_mem>>) {add = true}
    %dma_wait3A_116 = arith.constant 0 : i32
    %dma_wait3A_117 = arith.constant 0 : i32
    %dma_wait3A_118 = tpu.memref_slice %arg22[%dma_wait3A_116, %dma_wait3A_117] : memref<10240x80xf32, #tpu.memory_space<vmem_shared>> -> memref<10240x80xf32, #tpu.memory_space<vmem_shared>>
    tpu.wait_indirect_dma semaphore(%arg27 : memref<!tpu.dma_semaphore, #tpu.memory_space<semaphore_mem>>) src(%arg18 : memref<80x80xf32, #tpu.memory_space<vmem>>) dst(%dma_wait3A_118 : memref<10240x80xf32, #tpu.memory_space<vmem_shared>>)
    %dma_wait3A_119 = arith.constant 0 : i32
    %dma_wait3A_120 = arith.constant 0 : i32
    %dma_wait3A_121 = tpu.memref_slice %arg22[%dma_wait3A_119, %dma_wait3A_120] : memref<10240x80xf32, #tpu.memory_space<vmem_shared>> -> memref<10240x80xf32, #tpu.memory_space<vmem_shared>>
    tpu.wait_indirect_dma semaphore(%arg28 : memref<!tpu.dma_semaphore, #tpu.memory_space<semaphore_mem>>) src(%arg19 : memref<80x80xf32, #tpu.memory_space<vmem>>) dst(%dma_wait3A_121 : memref<10240x80xf32, #tpu.memory_space<vmem_shared>>)
    %barrier3A_122 = arith.constant 0 : index
    tpu.barrier barrier_id(%barrier3A_122)
    "tpu.region"() ({
      %run_scoped3A = tpu.sem_alloc : memref<!tpu.dma_semaphore, #tpu.memory_space<semaphore_mem>>
      %dma_start3A_123 = arith.constant 0 : i32
      %dma_start3A_124 = tpu.memref_slice %arg7[%arg0, %mul3A_10, %dma_start3A_123] : memref<2x10240x80xf32, #tpu.memory_space<hbm>> -> memref<1x640x80xf32, #tpu.memory_space<hbm>>
      %dma_start3A_125 = tpu.memref_squeeze %dma_start3A_124 : memref<1x640x80xf32, #tpu.memory_space<hbm>> -> memref<640x80xf32, #tpu.memory_space<hbm>>
      %dma_start3A_126 = arith.constant 0 : i32
      %dma_start3A_127 = tpu.memref_slice %arg22[%mul3A_10, %dma_start3A_126] : memref<10240x80xf32, #tpu.memory_space<vmem_shared>> -> memref<640x80xf32, #tpu.memory_space<vmem_shared>>
      tpu.enqueue_dma source(%dma_start3A_127 : memref<640x80xf32, #tpu.memory_space<vmem_shared>>) target(%dma_start3A_125 : memref<640x80xf32, #tpu.memory_space<hbm>>) target_semaphore(%run_scoped3A : memref<!tpu.dma_semaphore, #tpu.memory_space<semaphore_mem>>)
      %dma_wait3A_128 = arith.constant 0 : i32
      %dma_wait3A_129 = tpu.memref_slice %arg7[%arg0, %mul3A_10, %dma_wait3A_128] : memref<2x10240x80xf32, #tpu.memory_space<hbm>> -> memref<1x640x80xf32, #tpu.memory_space<hbm>>
      %dma_wait3A_130 = tpu.memref_squeeze %dma_wait3A_129 : memref<1x640x80xf32, #tpu.memory_space<hbm>> -> memref<640x80xf32, #tpu.memory_space<hbm>>
      %dma_wait3A_131 = arith.constant 0 : i32
      %dma_wait3A_132 = tpu.memref_slice %arg22[%mul3A_10, %dma_wait3A_131] : memref<10240x80xf32, #tpu.memory_space<vmem_shared>> -> memref<640x80xf32, #tpu.memory_space<vmem_shared>>
      tpu.wait_dma2 semaphore(%run_scoped3A : memref<!tpu.dma_semaphore, #tpu.memory_space<semaphore_mem>>) src(%dma_wait3A_132 : memref<640x80xf32, #tpu.memory_space<vmem_shared>>) dst(%dma_wait3A_130 : memref<640x80xf32, #tpu.memory_space<hbm>>)
      tpu.yield
    }) : () -> ()
    return
  }
}

module attributes {stable_mosaic.version = 14 : i64} {
  func.func @_prologue_body(%arg0: i32, %arg1: memref<2000x128xf32, #tpu.memory_space<vmem>>, %arg2: memref<128x64xf32, #tpu.memory_space<vmem>>, %arg3: memref<8x8xf32, #tpu.memory_space<vmem>>, %arg4: memref<8x8xf32, #tpu.memory_space<vmem>>, %arg5: memref<2000x80xf32, #tpu.memory_space<vmem>>, %arg6: memref<2000x16xf32, #tpu.memory_space<vmem>>, %arg7: memref<1x16xf32, #tpu.memory_space<vmem>>, %arg8: memref<1x8xf32, #tpu.memory_space<vmem>>) attributes {dimension_semantics = [#tpu.dimension_semantics<arbitrary>], iteration_bounds = array<i64: 5>, scalar_prefetch = 0 : i64, scratch_operands = 1 : i64, tpu.core_type = #tpu.core_type<tc>, window_params = [{transform_indices = @transform_0, window_bounds = array<i64: 2000, 128>}, {pipeline_mode = #tpu.pipeline_mode<synchronous>, transform_indices = @transform_1, window_bounds = array<i64: 128, 64>}, {pipeline_mode = #tpu.pipeline_mode<synchronous>, transform_indices = @transform_2, window_bounds = array<i64: 8, 8>}, {pipeline_mode = #tpu.pipeline_mode<synchronous>, transform_indices = @transform_3, window_bounds = array<i64: 8, 8>}, {transform_indices = @transform_4, window_bounds = array<i64: 2000, 80>}, {transform_indices = @transform_5, window_bounds = array<i64: 2000, 16>}, {pipeline_mode = #tpu.pipeline_mode<synchronous>, transform_indices = @transform_6, window_bounds = array<i64: 1, 16>}]} {
    %get3A = arith.constant 0 : index
    %get3A_0 = arith.constant 0 : index
    %get3A_1 = vector.load %arg1[%get3A, %get3A_0] : memref<2000x128xf32, #tpu.memory_space<vmem>>, vector<2000x128xf32>
    %get3A_2 = arith.constant 0 : index
    %get3A_3 = arith.constant 0 : index
    %get3A_4 = vector.load %arg2[%get3A_2, %get3A_3] : memref<128x64xf32, #tpu.memory_space<vmem>>, vector<128x64xf32>
    %dot_general3A = arith.constant dense<0.000000e+00> : vector<2000x64xf32>
    %dot_general3A_5 = tpu.matmul %get3A_1, %get3A_4, %dot_general3A {dimension_numbers = #tpu.dot_dimension_numbers<[1], [0], [0], [1], [0, 0, 1, 1], [], []>, transpose_lhs_hint = false} : vector<2000x128xf32>, vector<128x64xf32>, vector<2000x64xf32> -> vector<2000x64xf32>
    %reshape3A = vector.shape_cast %dot_general3A_5 : vector<2000x64xf32> to vector<2000x8x8xf32>
    %get3A_6 = arith.constant 0 : index
    %get3A_7 = arith.constant 0 : index
    %get3A_8 = vector.load %arg3[%get3A_6, %get3A_7] : memref<8x8xf32, #tpu.memory_space<vmem>>, vector<8x8xf32>
    %broadcast_in_dim3A = vector.shape_cast %get3A_8 : vector<8x8xf32> to vector<1x8x8xf32>
    %mul3A = vector.broadcast %broadcast_in_dim3A : vector<1x8x8xf32> to vector<2000x8x8xf32>
    %mul3A_9 = arith.mulf %reshape3A, %mul3A : vector<2000x8x8xf32>
    %reduce_sum3A = arith.constant dense<0.000000e+00> : vector<2000x8xf32>
    %reduce_sum3A_10 = vector.multi_reduction <add>, %mul3A_9, %reduce_sum3A [2] : vector<2000x8x8xf32> to vector<2000x8xf32>
    %get3A_11 = arith.constant 0 : index
    %get3A_12 = arith.constant 0 : index
    %get3A_13 = vector.load %arg4[%get3A_11, %get3A_12] : memref<8x8xf32, #tpu.memory_space<vmem>>, vector<8x8xf32>
    %broadcast_in_dim3A_14 = vector.shape_cast %get3A_13 : vector<8x8xf32> to vector<1x8x8xf32>
    %mul3A_15 = vector.broadcast %broadcast_in_dim3A_14 : vector<1x8x8xf32> to vector<2000x8x8xf32>
    %mul3A_16 = arith.mulf %reshape3A, %mul3A_15 : vector<2000x8x8xf32>
    %reduce_sum3A_17 = arith.constant dense<0.000000e+00> : vector<2000x8xf32>
    %reduce_sum3A_18 = vector.multi_reduction <add>, %mul3A_16, %reduce_sum3A_17 [2] : vector<2000x8x8xf32> to vector<2000x8xf32>
    %broadcast_in_dim3A_19 = arith.constant 0.000000e+00 : f32
    %broadcast_in_dim3A_20 = vector.broadcast %broadcast_in_dim3A_19 : f32 to vector<2000x8xf32>
    %concatenate3A = tpu.concatenate %dot_general3A_5, %reduce_sum3A_10, %broadcast_in_dim3A_20 in 1 : vector<2000x64xf32>, vector<2000x8xf32>, vector<2000x8xf32> -> vector<2000x80xf32>
    %swap3A = arith.constant 0 : index
    %swap3A_21 = arith.constant 0 : index
    %swap3A_22 = vector.load %arg5[%swap3A, %swap3A_21] : memref<2000x80xf32, #tpu.memory_space<vmem>>, vector<2000x80xf32>
    tpu.vector_store %arg5[%swap3A, %swap3A_21], %concatenate3A {strides = array<i32>} : memref<2000x80xf32, #tpu.memory_space<vmem>>, vector<2000x80xf32>,
    %concatenate3A_23 = tpu.concatenate %reduce_sum3A_18, %reduce_sum3A_18 in 1 : vector<2000x8xf32>, vector<2000x8xf32> -> vector<2000x16xf32>
    %swap3A_24 = arith.constant 0 : index
    %swap3A_25 = arith.constant 0 : index
    %swap3A_26 = vector.load %arg6[%swap3A_24, %swap3A_25] : memref<2000x16xf32, #tpu.memory_space<vmem>>, vector<2000x16xf32>
    tpu.vector_store %arg6[%swap3A_24, %swap3A_25], %concatenate3A_23 {strides = array<i32>} : memref<2000x16xf32, #tpu.memory_space<vmem>>, vector<2000x16xf32>,
    %reduce_max3A = arith.constant dense<0xFF800000> : vector<8xf32>
    %reduce_max3A_27 = vector.multi_reduction <maximumf>, %reduce_sum3A_10, %reduce_max3A [0] : vector<2000x8xf32> to vector<8xf32>
    %broadcast_in_dim3A_28 = vector.shape_cast %reduce_max3A_27 : vector<8xf32> to vector<1x8xf32>
    %eq3A = arith.constant 0 : i32
    %eq3A_29 = arith.cmpi eq, %arg0, %eq3A : i32
    %convert_element_type3A = arith.extui %eq3A_29 : i1 to i32
    %cond3A = arith.constant 0 : i32
    %cond3A_30 = arith.cmpi ne, %convert_element_type3A, %cond3A : i32
    scf.if %cond3A_30 {
      %swap3A_40 = arith.constant 0 : index
      %swap3A_41 = arith.constant 0 : index
      %swap3A_42 = vector.load %arg8[%swap3A_40, %swap3A_41] : memref<1x8xf32, #tpu.memory_space<vmem>>, vector<1x8xf32>
      tpu.vector_store %arg8[%swap3A_40, %swap3A_41], %broadcast_in_dim3A_28 {strides = array<i32>} : memref<1x8xf32, #tpu.memory_space<vmem>>, vector<1x8xf32>,
    } else {
    }
    %gt3A = arith.constant 0 : i32
    %gt3A_31 = arith.cmpi sgt, %arg0, %gt3A : i32
    %convert_element_type3A_32 = arith.extui %gt3A_31 : i1 to i32
    %cond3A_33 = arith.constant 0 : i32
    %cond3A_34 = arith.cmpi ne, %convert_element_type3A_32, %cond3A_33 : i32
    scf.if %cond3A_34 {
      %get3A_40 = arith.constant 0 : index
      %get3A_41 = arith.constant 0 : index
      %get3A_42 = vector.load %arg8[%get3A_40, %get3A_41] : memref<1x8xf32, #tpu.memory_space<vmem>>, vector<1x8xf32>
      %max3A = arith.maximumf %get3A_42, %broadcast_in_dim3A_28 : vector<1x8xf32>
      %swap3A_43 = arith.constant 0 : index
      %swap3A_44 = arith.constant 0 : index
      %swap3A_45 = vector.load %arg8[%swap3A_43, %swap3A_44] : memref<1x8xf32, #tpu.memory_space<vmem>>, vector<1x8xf32>
      tpu.vector_store %arg8[%swap3A_43, %swap3A_44], %max3A {strides = array<i32>} : memref<1x8xf32, #tpu.memory_space<vmem>>, vector<1x8xf32>,
    } else {
    }
    %eq3A_35 = arith.constant 4 : i32
    %eq3A_36 = arith.cmpi eq, %arg0, %eq3A_35 : i32
    %convert_element_type3A_37 = arith.extui %eq3A_36 : i1 to i32
    %cond3A_38 = arith.constant 0 : i32
    %cond3A_39 = arith.cmpi ne, %convert_element_type3A_37, %cond3A_38 : i32
    scf.if %cond3A_39 {
      %broadcast_in_dim3A_40 = arith.constant 0.000000e+00 : f32
      %broadcast_in_dim3A_41 = vector.broadcast %broadcast_in_dim3A_40 : f32 to vector<1x8xf32>
      %get3A_42 = arith.constant 0 : index
      %get3A_43 = arith.constant 0 : index
      %get3A_44 = vector.load %arg8[%get3A_42, %get3A_43] : memref<1x8xf32, #tpu.memory_space<vmem>>, vector<1x8xf32>
      %concatenate3A_45 = tpu.concatenate %broadcast_in_dim3A_41, %get3A_44 in 1 : vector<1x8xf32>, vector<1x8xf32> -> vector<1x16xf32>
      %swap3A_46 = arith.constant 0 : index
      %swap3A_47 = arith.constant 0 : index
      %swap3A_48 = vector.load %arg7[%swap3A_46, %swap3A_47] : memref<1x16xf32, #tpu.memory_space<vmem>>, vector<1x16xf32>
      tpu.vector_store %arg7[%swap3A_46, %swap3A_47], %concatenate3A_45 {strides = array<i32>} : memref<1x16xf32, #tpu.memory_space<vmem>>, vector<1x16xf32>,
    } else {
    }
    return
  }
  func.func @transform_0(%arg0: i32) -> (i32, i32) {
    %c0_i32 = arith.constant 0 : i32
    %c0_i32_0 = arith.constant 0 : i32
    return %arg0, %c0_i32 : i32, i32
  }
  func.func @transform_1(%arg0: i32) -> (i32, i32) {
    %c0_i32 = arith.constant 0 : i32
    %c0_i32_0 = arith.constant 0 : i32
    %c0_i32_1 = arith.constant 0 : i32
    return %c0_i32, %c0_i32_0 : i32, i32
  }
  func.func @transform_2(%arg0: i32) -> (i32, i32) {
    %c0_i32 = arith.constant 0 : i32
    %c0_i32_0 = arith.constant 0 : i32
    %c0_i32_1 = arith.constant 0 : i32
    return %c0_i32, %c0_i32_0 : i32, i32
  }
  func.func @transform_3(%arg0: i32) -> (i32, i32) {
    %c0_i32 = arith.constant 0 : i32
    %c0_i32_0 = arith.constant 0 : i32
    %c0_i32_1 = arith.constant 0 : i32
    return %c0_i32, %c0_i32_0 : i32, i32
  }
  func.func @transform_4(%arg0: i32) -> (i32, i32) {
    %c0_i32 = arith.constant 0 : i32
    %c0_i32_0 = arith.constant 0 : i32
    return %arg0, %c0_i32 : i32, i32
  }
  func.func @transform_5(%arg0: i32) -> (i32, i32) {
    %c0_i32 = arith.constant 0 : i32
    %c0_i32_0 = arith.constant 0 : i32
    return %arg0, %c0_i32 : i32, i32
  }
  func.func @transform_6(%arg0: i32) -> (i32, i32) {
    %c0_i32 = arith.constant 0 : i32
    %c0_i32_0 = arith.constant 0 : i32
    %c0_i32_1 = arith.constant 0 : i32
    return %c0_i32, %c0_i32_0 : i32, i32
  }
}

module attributes {stable_mosaic.version = 14 : i64} {
  func.func @_epilogue_body(%arg0: i32, %arg1: memref<2x1280x80xf32, #tpu.memory_space<vmem>>, %arg2: memref<64xf32, #tpu.memory_space<vmem>>, %arg3: memref<1280x64xf32, #tpu.memory_space<vmem>>) attributes {dimension_semantics = [#tpu.dimension_semantics<arbitrary>], iteration_bounds = array<i64: 8>, scalar_prefetch = 0 : i64, scratch_operands = 0 : i64, tpu.core_type = #tpu.core_type<tc>, window_params = [{transform_indices = @transform_0, window_bounds = array<i64: 2, 1280, 80>}, {pipeline_mode = #tpu.pipeline_mode<synchronous>, transform_indices = @transform_1, window_bounds = array<i64: 64>}, {transform_indices = @transform_2, window_bounds = array<i64: 1280, 64>}]} {
    %get3A = arith.constant 0 : index
    %get3A_0 = arith.constant 0 : index
    %get3A_1 = arith.constant 0 : index
    %get3A_2 = vector.load %arg1[%get3A, %get3A_0, %get3A_1] : memref<2x1280x80xf32, #tpu.memory_space<vmem>>, vector<1x1280x80xf32>
    %get3A_3 = vector.shape_cast %get3A_2 : vector<1x1280x80xf32> to vector<1280x80xf32>
    %get3A_4 = arith.constant 1 : index
    %get3A_5 = arith.constant 0 : index
    %get3A_6 = arith.constant 0 : index
    %get3A_7 = vector.load %arg1[%get3A_4, %get3A_5, %get3A_6] : memref<2x1280x80xf32, #tpu.memory_space<vmem>>, vector<1x1280x80xf32>
    %get3A_8 = vector.shape_cast %get3A_7 : vector<1x1280x80xf32> to vector<1280x80xf32>
    %add3A = arith.addf %get3A_3, %get3A_8 : vector<1280x80xf32>
    %slice3A = vector.extract_strided_slice %add3A {offsets = [0, 0], sizes = [1280, 64], strides = [1, 1]} : vector<1280x80xf32> to vector<1280x64xf32>
    %slice3A_9 = vector.extract_strided_slice %add3A {offsets = [0, 64], sizes = [1280, 8], strides = [1, 1]} : vector<1280x80xf32> to vector<1280x8xf32>
    %reshape3A = vector.shape_cast %slice3A_9 : vector<1280x8xf32> to vector<1280x8x1xf32>
    %add3A_10 = arith.constant 1.000000e-16 : f32
    %add3A_11 = vector.broadcast %add3A_10 : f32 to vector<1280x8x1xf32>
    %add3A_12 = arith.addf %reshape3A, %add3A_11 : vector<1280x8x1xf32>
    %reshape3A_13 = vector.shape_cast %slice3A : vector<1280x64xf32> to vector<1280x8x8xf32>
    %div3A = vector.broadcast %add3A_12 : vector<1280x8x1xf32> to vector<1280x8x8xf32>
    %div3A_14 = arith.divf %reshape3A_13, %div3A : vector<1280x8x8xf32>
    %reshape3A_15 = vector.shape_cast %div3A_14 : vector<1280x8x8xf32> to vector<1280x64xf32>
    %get3A_16 = arith.constant 0 : index
    %get3A_17 = vector.load %arg2[%get3A_16] : memref<64xf32, #tpu.memory_space<vmem>>, vector<64xf32>
    %broadcast_in_dim3A = vector.shape_cast %get3A_17 : vector<64xf32> to vector<1x64xf32>
    %add3A_18 = vector.broadcast %broadcast_in_dim3A : vector<1x64xf32> to vector<1280x64xf32>
    %add3A_19 = arith.addf %reshape3A_15, %add3A_18 : vector<1280x64xf32>
    %max3A = arith.constant 0.000000e+00 : f32
    %max3A_20 = vector.broadcast %max3A : f32 to vector<1280x64xf32>
    %max3A_21 = arith.maximumf %add3A_19, %max3A_20 : vector<1280x64xf32>
    %swap3A = arith.constant 0 : index
    %swap3A_22 = arith.constant 0 : index
    %swap3A_23 = vector.load %arg3[%swap3A, %swap3A_22] : memref<1280x64xf32, #tpu.memory_space<vmem>>, vector<1280x64xf32>
    tpu.vector_store %arg3[%swap3A, %swap3A_22], %max3A_21 {strides = array<i32>} : memref<1280x64xf32, #tpu.memory_space<vmem>>, vector<1280x64xf32>,
    return
  }
  func.func @transform_0(%arg0: i32) -> (i32, i32, i32) {
    %c0_i32 = arith.constant 0 : i32
    %c0_i32_0 = arith.constant 0 : i32
    %c0_i32_1 = arith.constant 0 : i32
    return %c0_i32, %arg0, %c0_i32_0 : i32, i32, i32
  }
  func.func @transform_1(%arg0: i32) -> i32 {
    %c0_i32 = arith.constant 0 : i32
    %c0_i32_0 = arith.constant 0 : i32
    return %c0_i32 : i32
  }
  func.func @transform_2(%arg0: i32) -> (i32, i32) {
    %c0_i32 = arith.constant 0 : i32
    %c0_i32_0 = arith.constant 0 : i32
    return %arg0, %c0_i32 : i32, i32
  }
}

</mosaic_0001>

<sc_bundles>
// kernel: kernel.5.cloned.1.call-start
scs
__scs_entry_jumppad:
0x0: {  	(pc) =	sbr.rel $0x88, $3  }
0x1: {  	(tag) =	ssettag $0x0;
	lr =	simm.s32 $0x1  }
0x2: {  	[smem:$0x3F9B] =	sst lr;
	_ =	strace $0xD0000000  }
0x3: {  	_ = 	snop  }
0x4: {  	_ = 	snop  }
0x5: {  	_ = 	snop  }
0x6: {  	_ = 	snop  }
0x7: {  	_ = 	snop  }
__scs_overlays_trampoline_lowered:
0x8: {  	[smem:$0x3FAA] =	sst s0  }
0x9: {  	[smem:$0x3FAB] =	sst s1  }
0xa: {  	[smem:$0x3FAC] =	sst s2  }
0xb: {  	[smem:$0x3FAD] =	sst s3  }
0xc: {  	[smem:$0x3FAE] =	sst s4  }
0xd: {  	[smem:$0x3FAF] =	sst s5  }
0xe: {  	[smem:$0x3FB0] =	sst s6  }
0xf: {  	[smem:$0x3FB1] =	sst s7  }
0x10: {  	[smem:$0x3FB2] =	sst s8  }
0x11: {  	[smem:$0x3FB3] =	sst s9;
	s0 =	simm.s32 @!p0 $0x0  }
0x12: {  	s1 =	sld [smem:$0x3F99];
	s0 =	simm.s32 @p0 $0x1  }
0x13: {  	[smem:$0x3FB4] =	sst s0;
	s0 =	simm.s32 @!p1 $0x0  }
0x14: {  	s2 =	sld [smem:$0x3F98];
	s0 =	simm.s32 @p1 $0x1  }
0x15: {  	[smem:$0x3FB5] =	sst s0;
	s0 =	simm.s32 @!p2 $0x0  }
0x16: {  	s3 =	sld [smem:$0x3FDB];
	s0 =	simm.s32 @p2 $0x1  }
0x17: {  	s4 =	simm.s32 $0x1BF5;
	[smem:$0x3FB7] =	sst s0  }
0x18: {  	s0 =	sld [smem:$0x3F9A];
	_ =	swait.ge [sflag:s4], $0x0  }
0x19: {  	s7 =	sld [smem:$0x3F9B]  }
0x1a: {  	s8 =	sadd.s32 $0xFFFFE003, lr  }
0x1b: {  	s9 =	sadd.s32 $0xFFFFFEF7, lr;
	s5 =	simm.s32 $0xFFFFFFFF;
	p2 =	slt.u32 s8, $0xFFFFF086  }
0x1c: {  	p1 =	slt.u32 s9, $0xF7A;
	s5 =	simm.s32 @!p2 $0x0  }
0x1d: {  	s5 =	simm.s32 @p1 $0x1;
	p0 =	seq.s32 s7, s2  }
0x1e: {  	s7 =	smul.u32 @!p0 $0xF7A, s2;
	p2 =	seq.s32 @!p0 s5, $0x0  }
0x1f: {  	s9 =	smul.u32 $0xF7A, s1;
	s8 =	simm.s32 @!p0 $0x1BF5;
	p2 =	por !p2, p0  }
0x20: {  	[sflag:s8] =	ssyncset.s32 @!p0 $0xFFFFF086;
	s6 =	sadd.s32 @!p0 s3, s7;
	s7 =	simm.s32 @!p0 $0x108  }
0x21: {  	s3 =	sadd.s32 s3, s9;
	s6 =	sadd.s32 @!p0 $0x88, s6;
	s7 =	simm.s32 @p2 $0x1082  }
0x22: {  	[simem:s7], [sflag:s8] =	dma.local @!p0 [hbm:s6], $0xF7A  }
0x23: {  	s9 =	sor.u32 $0xD0000000, s2;
	s6 =	simm.s32 $0x108;
	_ =	swait.ge @!p0 [sflag:s8], $0x0  }
0x24: {  	s3 =	sadd.s32 $0x88, s3;
	s6 =	simm.s32 @!p1 $0x1082;
	[sflag:s4] =	ssyncset.s32 $0xFFFFF086  }
0x25: {  	[simem:s6], [sflag:s4] =	dma.local [hbm:s3], $0xF7A  }
0x26: {  	[smem:$0x3F9B] =	sst s1;
	(tag) =	ssettag s2;
	_ =	strace s9  }
0x27: {  	s1 =	sld [smem:$0x3FAB]  }
0x28: {  	s2 =	sld [smem:$0x3FAC]  }
0x29: {  	s4 =	sld [smem:$0x3FAE]  }
0x2a: {  	p0 =	seq.s32 s5, $0x0;
	s5 =	sld [smem:$0x3FAF]  }
0x2b: {  	s6 =	sld [smem:$0x3FB0]  }
0x2c: {  	s7 =	sld [smem:$0x3FB1]  }
0x2d: {  	s3 =	simm.s32 $0x108;
	s8 =	sld [smem:$0x3FB2]  }
0x2e: {  	s3 =	simm.s32 @!p0 $0x1082;
	s9 =	sld [smem:$0x3FB3]  }
0x2f: {  	lr =	sadd.s32 s0, s3;
	s0 =	sld [smem:$0x3FAA]  }
0x30: {  	s3 =	sld [smem:$0x3FAD]  }
0x31: {  	[smem:$0x3FB6] =	sst s10  }
0x32: {  	s10 =	sld [smem:$0x3FB4];
	_ =	sdelay $0x3  }
0x33: {  	p0 =	seq.s32 s10, $0x1;
	s10 =	sld [smem:$0x3FB6];
	_ =	sdelay $0x3  }
0x34: {  	[smem:$0x3FB6] =	sst s10  }
0x35: {  	s10 =	sld [smem:$0x3FB5];
	_ =	sdelay $0x3  }
0x36: {  	p1 =	seq.s32 s10, $0x1;
	s10 =	sld [smem:$0x3FB6];
	_ =	sdelay $0x3  }
0x37: {  	[smem:$0x3FB6] =	sst s10  }
0x38: {  	s10 =	sld [smem:$0x3FB7]  }
0x39: {  	_ = 	snop;
	(pc) =	sbr.ind lr, $3  }
0x3a: {  	_ = 	snop  }
0x3b: {  	_ = 	snop  }
0x3c: {  	p2 =	seq.s32 s10, $0x1;
	s10 =	sld [smem:$0x3FB6]  }
0x3d: {  	_ =	shalt  }
0x3e: {  	_ =	shalt  }
0x3f: {  	_ =	shalt  }
0x40: {  	_ =	shalt  }
0x41: {  	_ =	shalt  }
0x42: {  	_ =	shalt  }
0x43: {  	_ =	shalt  }
0x44: {  	_ =	shalt  }
0x45: {  	_ =	shalt  }
0x46: {  	_ =	shalt  }
0x47: {  	_ =	shalt  }
0x48: {  	_ =	shalt  }
0x49: {  	_ =	shalt  }
0x4a: {  	_ =	shalt  }
0x4b: {  	_ =	shalt  }
0x4c: {  	_ =	shalt  }
0x4d: {  	_ =	shalt  }
0x4e: {  	_ =	shalt  }
0x4f: {  	_ =	shalt  }
0x50: {  	_ =	shalt  }
0x51: {  	_ =	shalt  }
0x52: {  	_ =	shalt  }
0x53: {  	_ =	shalt  }
0x54: {  	_ =	shalt  }
0x55: {  	_ =	shalt  }
0x56: {  	_ =	shalt  }
0x57: {  	_ =	shalt  }
0x58: {  	_ =	shalt  }
0x59: {  	_ =	shalt  }
0x5a: {  	_ =	shalt  }
0x5b: {  	_ =	shalt  }
0x5c: {  	_ =	shalt  }
0x5d: {  	_ =	shalt  }
0x5e: {  	_ =	shalt  }
0x5f: {  	_ =	shalt  }
0x60: {  	_ =	shalt  }
0x61: {  	_ =	shalt  }
0x62: {  	_ =	shalt  }
0x63: {  	_ =	shalt  }
0x64: {  	_ =	shalt  }
0x65: {  	_ =	shalt  }
0x66: {  	_ =	shalt  }
0x67: {  	_ =	shalt  }
0x68: {  	_ =	shalt  }
0x69: {  	_ =	shalt  }
0x6a: {  	_ =	shalt  }
0x6b: {  	_ =	shalt  }
0x6c: {  	_ =	shalt  }
0x6d: {  	_ =	shalt  }
0x6e: {  	_ =	shalt  }
0x6f: {  	_ =	shalt  }
0x70: {  	_ =	shalt  }
0x71: {  	_ =	shalt  }
0x72: {  	_ =	shalt  }
0x73: {  	_ =	shalt  }
0x74: {  	_ =	shalt  }
0x75: {  	_ =	shalt  }
0x76: {  	_ =	shalt  }
0x77: {  	_ =	shalt  }
0x78: {  	_ =	shalt  }
0x79: {  	_ =	shalt  }
0x7a: {  	_ =	shalt  }
0x7b: {  	_ =	shalt  }
0x7c: {  	_ =	shalt  }
0x7d: {  	_ =	shalt  }
0x7e: {  	_ =	shalt  }
0x7f: {  	_ =	shalt  }
0x80: {  	_ =	shalt  }
0x81: {  	_ =	shalt  }
0x82: {  	_ =	shalt  }
0x83: {  	_ =	shalt  }
0x84: {  	_ =	shalt  }
0x85: {  	_ =	shalt  }
0x86: {  	_ =	shalt  }
0x87: {  	_ =	shalt  }
.Lfunc_end0:
.L_simem_size_0:
called_computation_lowered:
.L_overlay_start_0:
0x88: {  	s2 =	sld [smem:$0x3FD9]  }
0x89: {  	s3 =	sld [smem:$0x3FFE];
	_ =	sdelay $0x1  }
0x8a: {  	s1 =	srdreg.scid  }
0x8b: {  	s0 =	sand.u32 $0x1, s1  }
0x8c: {  	s17 =	sshll.u32 s0, $0xA;
	s2 =	sadd.s32 s3, s2  }
0x8d: {  	s2 =	sadd.s32 s2, s17  }
0x8e: {  	[smem:$0x3FC2] =	sst s2  }
0x8f: {  	_ = 	snop  }
0x90: {  	s2 =	sld [smem:$0x3FD0];
	(tm) =	ssettm $0x1  }
0x91: {  	s18 =	sld [smem:$0x3FFB];
	_ =	sdelay $0x3  }
0x92: {  	_ =	strace s18  }
0x93: {  	s3 =	sld [smem:$0x3FFC];
	_ =	sdelay $0x3  }
0x94: {  	_ =	strace s3  }
0x95: {  	s3 =	sld [smem:$0x3FFD];
	_ =	sdelay $0x3  }
0x96: {  	_ =	strace s3  }
0x97: {  	_ =	strace $0x8FFFFFFF  }
0x98: {  	s19 =	sld [smem:$0x3FDB];
	_ =	sdelay $0x1  }
0x99: {  	s4 =	simm.s32 $_scs_section_size  }
0x9a: {  	s5 =	simm.s32 $_size__tile_overlayer_lowered;
	s6 =	simm.s32 $_tile_overlayer_lowered  }
0x9b: {  	s22 =	simm.s32 $0x1BFF;
	s21 =	sshll.u32 s6, $0x1;
	s3 =	sadd.s32 s4, s19  }
0x9c: {  	s7 =	simm.s32 $0x0;
	s20 =	sshll.u32 s5, $0x1;
	s5 =	sadd.s32 s21, s3  }
0x9d: {  	[timem:s7], [sflag:s22] =	dma.local [hbm:s5], s20  }
0x9e: {  	_ =	swait.ge [sflag:s22], s20  }
0x9f: {  	s4 =	ssub.s32 $0x0, s20;
	[sflag:s22] =	ssyncset.done $0x0  }
0xa0: {  	[sflag:s22] =	ssyncadd.s32 s4;
	_ =	sdelay $0x1  }
0xa1: {  	s23 =	simm.s32 $0x1B8B  }
0xa2: {  	_ =	swait.ge [sflag:s23], $0x1  }
0xa3: {  	[sflag:s23] =	ssyncset.done $0x0  }
0xa4: {  	s25 =	simm.s32 $0x1B8E;
	s24 =	sld [smem:$0x3FFE];
	[sflag:s23] =	ssyncadd.s32 $0xFFFFFFFF  }
0xa5: {  	s26 =	simm.s32 $execute0_lowered;
	[smem:$0x3FD2] =	sst s25  }
0xa6: {  	s5 =	sshll.u32 s26, $0x1;
	_ =	strace $0x80000046;
	[dreg:$0x1] =	wrdreg $0xFFFFFFFF  }
0xa7: {  	s28 =	simm.s32 $_size_execute0_lowered;
	s3 =	sadd.s32 s3, s5;
	[dreg:$0x0] =	wrdreg $0x0  }
0xa8: {  	s5 =	sshll.u32 s28, $0x1;
	[dreg:$0x2] =	wrdreg s3  }
0xa9: {  	[dreg:$0x3] =	wrdreg s5  }
0xaa: {  	[dreg:$0x4] =	wrdreg $0xC0  }
0xab: {  	_ =	task [dreg:s7], $0x5FFFF  }
0xac: {  	[dreg:$0x1] =	wrdreg $0xFFFFFFFF  }
0xad: {  	[dreg:$0x0] =	wrdreg $0x60  }
0xae: {  	[dreg:$0x2] =	wrdreg s24  }
0xaf: {  	[dreg:$0x3] =	wrdreg s2  }
0xb0: {  	[dreg:$0x4] =	wrdreg $0x83F00  }
0xb1: {  	[dreg:$0x5] =	wrdreg $0x9  }
0xb2: {  	_ =	task.clear_ibuf [dreg:s7], $0x6FFFF;
	_ =	strace $0x90000046  }
0xb3: {  	s29 =	simm.s32 $0x9;
	_ =	strace $0x80000048  }
0xb4: {  	_ =	swait.ge [sflag:s29], $0x1  }
0xb5: {  	[sflag:s29] =	ssyncadd.s32 $0xFFFFFFFF  }
0xb6: {  	_ =	strace $0x90000048  }
0xb7: {  	_ =	sfence  }
0xb8: {  	s30 =	sld [smem:$0x0];
	_ =	sdelay $0x2  }
0xb9: {  	s31 =	sshll.u32 s1, $0xD;
	s1 =	sshrl.u32 s1, $0x2  }
0xba: {  	s3 =	sand.u32 $0x4000, s31;
	s1 =	sadd.s32 s1, s30  }
0xbb: {  	s0 =	sor.u32 s3, s0;
	s1 =	sshll.u32 s1, $0x11  }
0xbc: {  	s0 =	sor.u32 s1, s0  }
0xbd: {  	s0 =	sadd.s32 $0x8F2B, s0  }
0xbe: {  	[sflag:s0] =	ssyncadd.remote.s32 $0x1  }
0xbf: {  	_ =	sfence.sel $0xFFFF  }
0xc0: {  	[dreg:$0x0] =	wrdreg $0xFFFFFFFF;
	(pc) =	sbr.abs _section_cstart, $3  }
0xc1: {  	[dreg:$0x1] =	wrdreg $0xFFFFFFFF  }
0xc2: {  	_ =	task.clear_ibuf [dreg:s7], $0x2FFFF;
	_ =	strace $0x9FFFFFFF  }
0xc3: {  	(tm) =	ssettm $0x7FFFFFFF  }
tec
execute0_lowered:
.L_overlay_start_1:
0x0: {  	(tag) =	ssettag $0x1  }
0x1: {  	s0 =	rddreg [dreg:$0x0]  }
0x2: {  	s1 =	rddreg [dreg:$0x1]  }
0x3: {  	s2 =	rddreg [dreg:$0x2]  }
0x4: {  	s4 =	simm.s32 $0x0;
	s3 =	srdreg.scid;
	s12 =	stileid.u32  }
0x5: {  	s30 =	simm.s32 $0x7;
	s31 =	simm.s32 $0x1;
	[smem:$0x7FF] =	sst s4  }
0x6: {  	s3 =	sand.u32 $0x1, s3;
	s9 =	smul.u32 $0xC800, s12;
	s8 =	sshll.u32 s12, $0x1  }
0x7: {  	s5 =	sadd.s32 $0xA800, s0;
	s6 =	sadd.s32 $0x23000, s0;
	s12 =	smul.u32 $0x32000, s12  }
0x8: {  	s10 =	sadd.s32 $0xA600, s0;
	s7 =	smul.u32 $0xC8000, s3;
	_ =	strace $0x80000047  }
0x9: {  	s8 =	sor.u32 s3, s8;
	[dreg:$0x4] =	wrdreg s10;
	s3 =	ssub.s32 $0x2, s3  }
0xa: {  	s10 =	simm.s32 $0x33E0;
	s14 =	smul.u32 $0x2710, s8;
	s15 =	sshrl.u32 s3, $0x1  }
0xb: {  	s8 =	sadd.s32 $0x800, s0;
	s18 =	sshrl.u32 s12, $0x2;
	s3 =	ssub.s32 s3, s15  }
0xc: {  	s19 =	sadd.s32 s9, s2;
	s11 =	sshrl.u32 s14, $0x3;
	s3 =	smax.u32 s3, $0x1  }
0xd: {  	s7 =	sadd.s32 s9, s7;
	s13 =	sadd.s32 s8, s11;
	[dreg:$0xb] =	wrdreg s3  }
0xe: {  	s16 =	sadd.s32 $0xA, s11;
	s11 =	sadd.s32 s1, s11;
	[dreg:$0x5] =	wrdreg s13  }
0xf: {  	s7 =	sshrl.u32 s7, $0x3;
	[dreg:$0x6] =	wrdreg s11;
	s17 =	sadd.s32 s8, s16  }
0x10: {  	s0 =	sadd.s32 s7, s0;
	s7 =	sadd.s32 s1, s16;
	[dreg:$0x7] =	wrdreg s17  }
0x11: {  	s12 =	simm.s32 $0x2;
	s0 =	sadd.s32 $0x28000, s0;
	[dreg:$0x8] =	wrdreg s7  }
0x12: {  	s9 =	simm.s32 $0x1E0;
	[dreg:$0x9] =	wrdreg s0;
	s0 =	sshrl.u32 s19, $0x3  }
0x13: {  	s15 =	simm.s32 $0x1AE0;
	s7 =	sadd.s32 s18, s2;
	[dreg:$0x13] =	wrdreg s0  }
0x14: {  	s3 =	simm.s32 $0x50;
	s20 =	sadd.s32 $0x1400, s7;
	[dreg:$0xa] =	wrdreg s7  }
0x15: {  	s13 =	sadd.s32 $0xA0, s14;
	s21 =	sadd.s32 $0x2800, s7;
	[dreg:$0xc] =	wrdreg s20  }
0x16: {  	s14 =	sadd.s32 $0xF0, s14;
	s22 =	sadd.s32 $0x3C00, s7;
	[dreg:$0xd] =	wrdreg s21  }
0x17: {  	s11 =	simm.s32 $0x3;
	s23 =	sadd.s32 $0x5000, s7;
	[dreg:$0xe] =	wrdreg s22  }
0x18: {  	s16 =	simm.s32 $0x0;
	s24 =	sadd.s32 $0x6400, s7;
	[dreg:$0xf] =	wrdreg s23  }
0x19: {  	v3 =	vlaneseq.u32;
	s17 =	simm.s32 $0x38E0;
	s25 =	sadd.s32 $0x7800, s7;
	[dreg:$0x10] =	wrdreg s24  }
0x1a: {  	v0 =	vimm.f32 $0.0e+00;
	v1 =	vshrl.u32 v3, $0x3;
	v2 =	vand.u32 $0x7, v3;
	s18 =	simm.s32 $0x3DE0;
	s26 =	sadd.s32 $0x8C00, s7;
	[dreg:$0x11] =	wrdreg s25  }
0x1b: {  	v3 =	vor.u32 $0x8, v3;
	v4 =	vor.u32 $0x40, v2;
	v5 =	vor.u32 $0x40, v1;
	s19 =	simm.s32 $0x140;
	s28 =	sadd.s32 $0xA000, s7;
	[dreg:$0x12] =	wrdreg s26  }
0x1c: {  	v6 =	vor.u32 $0x42, v1;
	v7 =	vor.u32 $0x44, v1;
	v8 =	vor.u32 $0x46, v1;
	s29 =	sadd.s32 $0xB400, s7;
	s0 =	simm.s32 $0xA0;
	[dreg:$0x14] =	wrdreg s28  }
0x1d: {  	v9 =	vor.u32 $0x2, v1;
	v10 =	vor.u32 $0x4, v1;
	v11 =	vor.u32 $0x6, v1;
	[dreg:$0x15] =	wrdreg s29;
	s20 =	simm.s32 $0x4;
	s21 =	simm.s32 $0x56E0  }
.LBB2_1:
0x1e: {  	[dreg:$0x16] =	wrdreg s16;
	s22 =	simm.s32 $0x140;
	s16 =	simm.s32 $0x0  }
.LBB2_2:
0x1f: {  	p0 =	sne.s32 s22, $0x4EC0;
	[tilespmem:s16+$0x7030] =	vst v0;
	s7 =	smov.u32 s22;
	s22 =	sadd.s32 $0x140, s22  }
.Ltmp0:
0x20: {  	[tilespmem:s16+$0x7020] =	vst v0;
	(pc) =	sbr.rel @p0 .LBB2_2-.Ltmp0, $4  }
0x21: {  	[tilespmem:s16+$0x7010] =	vst v0  }
0x22: {  	[tilespmem:s16+$0x6FF0] =	vst v0  }
0x23: {  	[tilespmem:s16+$0x7000] =	vst v0  }
0x24: {  	s16 =	sshra.s32 s7, $0x2  }
0x25: {  	[tilespmem:s16+$0x7030] =	vst v0  }
0x26: {  	[tilespmem:s16+$0x7020] =	vst v0  }
0x27: {  	[tilespmem:s16+$0x7010] =	vst v0  }
0x28: {  	[tilespmem:s16+$0x6FF0] =	vst v0  }
0x29: {  	[tilespmem:s16+$0x7000] =	vst v0;
	s7 =	rddreg [dreg:$0xa];
	s16 =	simm.s32 $0x6FF0  }
0x2a: {  	[spmem:s7] =	stream.linear.scatter [tilespmem:s16], [sflag:$0x7], $0x1400, $0x38;
	[tilespmem:$0x14BF0] =	vst v63  }
0x2b: {  	_ =	swait.ge [sflag:s30], $0x1400  }
0x2c: {  	[sflag:s30] =	ssyncset.done $0x0  }
0x2d: {  	s28 =	rddreg [dreg:$0xc];
	[sflag:s30] =	ssyncadd.s32 $0xFFFFEC00  }
0x2e: {  	[spmem:s28] =	stream.linear.scatter [tilespmem:s16], [sflag:$0x7], $0x1400, $0x38;
	[tilespmem:$0x14BF0] =	vst v63  }
0x2f: {  	_ =	swait.ge [sflag:s30], $0x1400  }
0x30: {  	[sflag:s30] =	ssyncset.done $0x0  }
0x31: {  	s29 =	rddreg [dreg:$0xd];
	[sflag:s30] =	ssyncadd.s32 $0xFFFFEC00  }
0x32: {  	[spmem:s29] =	stream.linear.scatter [tilespmem:s16], [sflag:$0x7], $0x1400, $0x38;
	[tilespmem:$0x14BF0] =	vst v63  }
0x33: {  	_ =	swait.ge [sflag:s30], $0x1400  }
0x34: {  	[sflag:s30] =	ssyncset.done $0x0  }
0x35: {  	s22 =	rddreg [dreg:$0xe];
	[sflag:s30] =	ssyncadd.s32 $0xFFFFEC00  }
0x36: {  	[spmem:s22] =	stream.linear.scatter [tilespmem:s16], [sflag:$0x7], $0x1400, $0x38;
	[tilespmem:$0x14BF0] =	vst v63  }
0x37: {  	_ =	swait.ge [sflag:s30], $0x1400  }
0x38: {  	[sflag:s30] =	ssyncset.done $0x0  }
0x39: {  	s23 =	rddreg [dreg:$0xf];
	[sflag:s30] =	ssyncadd.s32 $0xFFFFEC00  }
0x3a: {  	[spmem:s23] =	stream.linear.scatter [tilespmem:s16], [sflag:$0x7], $0x1400, $0x38;
	[tilespmem:$0x14BF0] =	vst v63  }
0x3b: {  	_ =	swait.ge [sflag:s30], $0x1400  }
0x3c: {  	[sflag:s30] =	ssyncset.done $0x0  }
0x3d: {  	s24 =	rddreg [dreg:$0x10];
	[sflag:s30] =	ssyncadd.s32 $0xFFFFEC00  }
0x3e: {  	[spmem:s24] =	stream.linear.scatter [tilespmem:s16], [sflag:$0x7], $0x1400, $0x38;
	[tilespmem:$0x14BF0] =	vst v63  }
0x3f: {  	_ =	swait.ge [sflag:s30], $0x1400  }
0x40: {  	[sflag:s30] =	ssyncset.done $0x0  }
0x41: {  	s25 =	rddreg [dreg:$0x11];
	[sflag:s30] =	ssyncadd.s32 $0xFFFFEC00  }
0x42: {  	[spmem:s25] =	stream.linear.scatter [tilespmem:s16], [sflag:$0x7], $0x1400, $0x38;
	[tilespmem:$0x14BF0] =	vst v63  }
0x43: {  	_ =	swait.ge [sflag:s30], $0x1400  }
0x44: {  	[sflag:s30] =	ssyncset.done $0x0  }
0x45: {  	s26 =	rddreg [dreg:$0x12];
	[sflag:s30] =	ssyncadd.s32 $0xFFFFEC00  }
0x46: {  	[spmem:s26] =	stream.linear.scatter [tilespmem:s16], [sflag:$0x7], $0x1400, $0x38;
	[tilespmem:$0x14BF0] =	vst v63  }
0x47: {  	_ =	swait.ge [sflag:s30], $0x1400  }
0x48: {  	[sflag:s30] =	ssyncset.done $0x0  }
0x49: {  	s28 =	rddreg [dreg:$0x14];
	[sflag:s30] =	ssyncadd.s32 $0xFFFFEC00  }
0x4a: {  	[spmem:s28] =	stream.linear.scatter [tilespmem:s16], [sflag:$0x7], $0x1400, $0x38;
	[tilespmem:$0x14BF0] =	vst v63  }
0x4b: {  	_ =	swait.ge [sflag:s30], $0x1400  }
0x4c: {  	[sflag:s30] =	ssyncset.done $0x0  }
0x4d: {  	s29 =	rddreg [dreg:$0x15];
	[sflag:s30] =	ssyncadd.s32 $0xFFFFEC00  }
0x4e: {  	[spmem:s29] =	stream.linear.scatter [tilespmem:s16], [sflag:$0x7], $0x1400, $0x38;
	[tilespmem:$0x14BF0] =	vst v63  }
0x4f: {  	_ =	swait.ge [sflag:s30], $0x1400  }
0x50: {  	s22 =	simm.s32 $0x6FE0;
	[sflag:s30] =	ssyncset.done $0x0  }
0x51: {  	s26 =	simm.s32 $0x0;
	s16 =	rddreg [dreg:$0x4];
	[sflag:s30] =	ssyncadd.s32 $0xFFFFEC00  }
0x52: {  	[tilespmem:s22], [sflag:$0x7] =	stream.linear.gather [hbm4b:s16+s26], $0x10, $0x38;
	[tilespmem:$0x14BF0] =	vst v63  }
0x53: {  	_ =	swait.ge [sflag:s30], $0x10  }
0x54: {  	[sflag:s30] =	ssyncset.done $0x0  }
0x55: {  	[sflag:s30] =	ssyncadd.s32 $0xFFFFFFF0  }
0x56: {  	[bflag:$0x0] =	sbarrier.arrive $0xFFFF  }
0x57: {  	s23 =	rddreg [dreg:$0x5]  }
0x58: {  	v12 =	vld.idx.msk [tilespmem:v3+s22+$0x0], $0xffff;
	[tilespmem:s26], [sflag:$0x1] =	stream.linear.gather [hbm4b:s23+s26], $0x50, $0x38  }
0x59: {  	s24 =	rddreg [dreg:$0x6]  }
0x5a: {  	[tilespmem:s0], [sflag:$0x1] =	stream.linear.gather [hbm4b:s24+s26], $0x50, $0x38;
	[tilespmem:$0x14BF0] =	vst v63  }
0x5b: {  	s25 =	rddreg [dreg:$0x7]  }
0x5c: {  	[tilespmem:s3], [sflag:$0x2] =	stream.linear.gather [hbm4b:s25+s26], $0x50, $0x38;
	[tilespmem:$0x14BF0] =	vst v63  }
0x5d: {  	s29 =	simm.s32 $0xF0;
	s28 =	rddreg [dreg:$0x8]  }
0x5e: {  	[tilespmem:s29], [sflag:$0x2] =	stream.linear.gather [hbm4b:s28+s26], $0x50, $0x38;
	[tilespmem:$0x14BF0] =	vst v63  }
0x5f: {  	_ =	swait.ge [sflag:s31], $0x50  }
0x60: {  	[sflag:s31] =	ssyncset.done $0x0  }
0x61: {  	[sflag:s31] =	ssyncadd.s32 $0xFFFFFFB0  }
0x62: {  	_ =	swait.ge [sflag:s31], $0x50  }
0x63: {  	[sflag:s31] =	ssyncset.done $0x0  }
0x64: {  	[sflag:s31] =	ssyncadd.s32 $0xFFFFFFB0  }
0x65: {  	[tilespmem:s9], [sflag:$0x3] =	stream.indirect.gather [hbm4b:s5+s3], $0x50, s26, s3, $0xb8;
	[tilespmem:$0x14BF0] =	vst v63  }
0x66: {  	_ = 	snop  }
0x67: {  	[tilespmem:s10], [sflag:$0x3] =	stream.indirect.gather [hbm4b:s6+s3], $0x10, s0, s3, $0xb8;
	[tilespmem:$0x14BF0] =	vst v63  }
.LBB2_4:
0x68: {  	_ =	swait.ge [sflag:s11], $0x1900  }
0x69: {  	[sflag:s11] =	ssyncset.done $0x0  }
0x6a: {  	[sflag:s11] =	ssyncadd.s32 $0xFFFFE700  }
0x6b: {  	_ =	swait.ge [sflag:s11], $0x500  }
0x6c: {  	[sflag:s11] =	ssyncset.done $0x0  }
0x6d: {  	[sflag:s11] =	ssyncadd.s32 $0xFFFFFB00  }
0x6e: {  	_ =	swait.ge [sflag:s12], $0x50  }
0x6f: {  	[sflag:s12] =	ssyncset.done $0x0  }
0x70: {  	[sflag:s12] =	ssyncadd.s32 $0xFFFFFFB0  }
0x71: {  	_ =	swait.ge [sflag:s12], $0x50  }
0x72: {  	[sflag:s12] =	ssyncset.done $0x0  }
0x73: {  	[sflag:s12] =	ssyncadd.s32 $0xFFFFFFB0  }
0x74: {  	[tilespmem:s15], [sflag:$0x4] =	stream.indirect.gather [hbm4b:s5+s3], $0x50, s3, s3, $0xb8;
	[tilespmem:$0x14BF0] =	vst v63  }
0x75: {  	s7 =	simm.s32 $0xF0;
	p0 =	seq.s32 s26, $0x0  }
0x76: {  	[tilespmem:s17], [sflag:$0x4] =	stream.indirect.gather [hbm4b:s6+s3], $0x10, s7, s3, $0xb8;
	[tilespmem:$0x14BF0] =	vst v63  }
0x77: {  	s7 =	simm.s32 @!p0 $0x5  }
0x78: {  	_ =	swait.ge @!p0 [sflag:s7], $0x1900  }
0x79: {  	[sflag:s7] =	ssyncset.done @!p0 $0x0  }
0x7a: {  	[sflag:s7] =	ssyncadd.s32 @!p0 $0xFFFFE700  }
0x7b: {  	v13 =	vld [tilespmem:$0xA0]  }
0x7c: {  	v14 =	vld [tilespmem:$0xB0]  }
0x7d: {  	v15 =	vld [tilespmem:$0xC0]  }
0x7e: {  	v16 =	vld [tilespmem:$0xD0]  }
0x7f: {  	v17 =	vld [tilespmem:$0xE0]  }
0x80: {  	s28 =	smul.u32 $0xA0, s26;
	s25 =	simm.s32 $0x0;
	[tilespmem:$0x140] =	vst v13  }
0x81: {  	[tilespmem:$0x150] =	vst v14;
	v13 =	vor.u32 s25, v1  }
0x82: {  	s16 =	sadd.s32 s28, s13;
	[tilespmem:$0x160] =	vst v15;
	v14 =	vmul.u32 $0x50, v13;
	v13 =	vshll.u32 v13, $0x4  }
0x83: {  	s16 =	sshrl.u32 s16, $0x3;
	[tilespmem:$0x170] =	vst v16;
	v13 =	vor.u32 v2, v13  }
0x84: {  	s22 =	sadd.s32 s8, s16;
	[tilespmem:$0x180] =	vst v17;
	v14 =	vadd.s32 v4, v14  }
0x85: {  	[tilespmem:s4], [sflag:$0x1] =	stream.linear.gather [hbm4b:s22+s4], $0x50, $0x38;
	[tilespmem:$0x14BF0] =	vst v63  }
0x86: {  	s16 =	sadd.s32 s1, s16  }
0x87: {  	[tilespmem:s0], [sflag:$0x1] =	stream.linear.gather [hbm4b:s16+s4], $0x50, $0x38;
	[tilespmem:$0x14BF0] =	vst v63  }
0x88: {  	v13 =	vld.idx.msk [tilespmem:v13+s10+$0x0], $0xffff  }
0x89: {  	v15 =	vld.idx.msk [tilespmem:v14+s9+$0x0], $0xffff;
	_ =	sdelay $0x4  }
0x8a: {  	v16 =	vadd.f32 v13, v12;
	v13 =	vadd.f32 v13, v15;
	_ =	sdelay $0x1  }
0x8b: {  	v15 =	vmul.f32 $2.000000030e-01, v16;
	v17 =	vmul.f32 $2.000000030e-01, v13;
	_ =	sdelay $0x1  }
0x8c: {  	v15 =	vmax.f32 v16, v15;
	v13 =	vmax.f32 v13, v17  }
0x8d: {  	v13 =	vsub.f32 v13, v15;
	_ =	sdelay $0x1  }
0x8e: {  	v13 =	vmul.f32 $1.442695020e+00, v13;
	_ =	sdelay $0x1  }
0x8f: {  	(erf) = vpow2.f32 v13;
	_ =	sdelay $0x1  }
0x90: {  	s23 =	simm.s32 $0x2  }
0x91: {  	v13 =	vor.u32 s23, v1  }
0x92: {  	v15 =	vmul.u32 $0x50, v13;
	_ =	sdelay $0x1  }
0x93: {  	v13 =	vshll.u32 v13, $0x4;
	v15 =	vadd.s32 v4, v15  }
0x94: {  	v13 =	vor.u32 v2, v13;
	_ =	sdelay $0x1  }
0x95: {  	v16 =	vpop (erf)  }
0x96: {  	[tilespmem:v14+s18+$0x0] =	vst.idx.msk $0xffff, v16  }
0x97: {  	v14 =	vld.idx.msk [tilespmem:v15+s9+$0x0], $0xffff  }
0x98: {  	v13 =	vld.idx.msk [tilespmem:v13+s10+$0x0], $0xffff;
	_ =	sdelay $0x4  }
0x99: {  	v14 =	vadd.f32 v13, v14;
	v13 =	vadd.f32 v13, v12;
	_ =	sdelay $0x1  }
0x9a: {  	v16 =	vmul.f32 $2.000000030e-01, v14;
	v17 =	vmul.f32 $2.000000030e-01, v13;
	_ =	sdelay $0x1  }
0x9b: {  	v14 =	vmax.f32 v14, v16;
	v13 =	vmax.f32 v13, v17  }
0x9c: {  	v13 =	vsub.f32 v14, v13;
	_ =	sdelay $0x1  }
0x9d: {  	v13 =	vmul.f32 $1.442695020e+00, v13;
	_ =	sdelay $0x1  }
0x9e: {  	(erf) = vpow2.f32 v13;
	_ =	sdelay $0x2  }
0x9f: {  	v13 =	vmov s25  }
0xa0: {  	v13 =	vmul.u32 $0x50, v13;
	_ =	sdelay $0x1  }
0xa1: {  	v14 =	vadd.s32 v5, v13;
	_ =	sdelay $0x2  }
0xa2: {  	v16 =	vpop (erf)  }
0xa3: {  	[tilespmem:v15+s18+$0x0] =	vst.idx.msk $0xffff, v16  }
0xa4: {  	s24 =	simm.s32 $0x280;
	v14 =	vld.idx.msk [tilespmem:v14+s18+$0x0], $0xffff  }
0xa5: {  	v15 =	vld [tilespmem:s24+$0xFFFFFF60];
	_ =	sdelay $0x2  }
0xa6: {  	v16 =	vadd.s32 v6, v13;
	_ =	sdelay $0x1  }
0xa7: {  	v14 =	vmul.f32 v15, v14  }
0xa8: {  	s16 =	simm.s32 $0x3E80  }
0xa9: {  	[tilespmem:s16+$0xFFFFFF60] =	vst v14  }
0xaa: {  	v14 =	vld.idx.msk [tilespmem:v16+s18+$0x0], $0xffff  }
0xab: {  	v15 =	vld [tilespmem:s24+$0xFFFFFF70];
	_ =	sdelay $0x2  }
0xac: {  	v16 =	vadd.s32 v7, v13;
	_ =	sdelay $0x1  }
0xad: {  	v14 =	vmul.f32 v15, v14;
	_ =	sdelay $0x1  }
0xae: {  	[tilespmem:s16+$0xFFFFFF70] =	vst v14  }
0xaf: {  	v14 =	vld.idx.msk [tilespmem:v16+s18+$0x0], $0xffff  }
0xb0: {  	v15 =	vld [tilespmem:s24+$0xFFFFFF80];
	_ =	sdelay $0x2  }
0xb1: {  	v13 =	vadd.s32 v8, v13;
	_ =	sdelay $0x1  }
0xb2: {  	v14 =	vmul.f32 v15, v14  }
0xb3: {  	s25 =	simm.s32 $0x1  }
0xb4: {  	v15 =	vmov s25;
	[tilespmem:s16+$0xFFFFFF80] =	vst v14  }
0xb5: {  	v14 =	vmul.u32 $0x50, v15;
	v13 =	vld.idx.msk [tilespmem:v13+s18+$0x0], $0xffff  }
0xb6: {  	v15 =	vld [tilespmem:s24+$0xFFFFFF90]  }
0xb7: {  	v14 =	vadd.s32 $0x40, v14  }
0xb8: {  	v14 =	vbroadcast v14, $0x0;
	_ =	sdelay $0x1  }
0xb9: {  	v16 =	vor.u32 v1, v14  }
0xba: {  	v13 =	vmul.f32 v15, v13;
	_ =	sdelay $0x1  }
0xbb: {  	[tilespmem:s16+$0xFFFFFF90] =	vst v13  }
0xbc: {  	v15 =	vld [tilespmem:s24+$0xFFFFFFB0]  }
0xbd: {  	v13 =	vld.idx.msk [tilespmem:v16+s18+$0x0], $0xffff;
	_ =	sdelay $0x2  }
0xbe: {  	v16 =	vor.u32 v9, v14;
	_ =	sdelay $0x1  }
0xbf: {  	v13 =	vmul.f32 v15, v13;
	_ =	sdelay $0x1  }
0xc0: {  	[tilespmem:s16+$0xFFFFFFB0] =	vst v13  }
0xc1: {  	v13 =	vld.idx.msk [tilespmem:v16+s18+$0x0], $0xffff  }
0xc2: {  	v15 =	vld [tilespmem:s24+$0xFFFFFFC0];
	_ =	sdelay $0x2  }
0xc3: {  	v16 =	vor.u32 v10, v14;
	_ =	sdelay $0x1  }
0xc4: {  	v13 =	vmul.f32 v15, v13;
	_ =	sdelay $0x1  }
0xc5: {  	[tilespmem:s16+$0xFFFFFFC0] =	vst v13  }
0xc6: {  	v13 =	vld.idx.msk [tilespmem:v16+s18+$0x0], $0xffff  }
0xc7: {  	v15 =	vld [tilespmem:s24+$0xFFFFFFD0];
	_ =	sdelay $0x2  }
0xc8: {  	v14 =	vor.u32 v11, v14;
	_ =	sdelay $0x1  }
0xc9: {  	v13 =	vmul.f32 v15, v13;
	_ =	sdelay $0x1  }
0xca: {  	[tilespmem:s16+$0xFFFFFFD0] =	vst v13  }
0xcb: {  	v13 =	vld.idx.msk [tilespmem:v14+s18+$0x0], $0xffff  }
0xcc: {  	v14 =	vmov s23;
	v15 =	vld [tilespmem:s24+$0xFFFFFFE0]  }
0xcd: {  	v14 =	vmul.u32 $0x50, v14;
	_ =	sdelay $0x1  }
0xce: {  	v16 =	vadd.s32 v5, v14;
	_ =	sdelay $0x1  }
0xcf: {  	v13 =	vmul.f32 v15, v13;
	_ =	sdelay $0x1  }
0xd0: {  	[tilespmem:s16+$0xFFFFFFE0] =	vst v13  }
0xd1: {  	v13 =	vld.idx.msk [tilespmem:v16+s18+$0x0], $0xffff  }
0xd2: {  	v15 =	vld [tilespmem:s24+$0x0];
	_ =	sdelay $0x2  }
0xd3: {  	v16 =	vadd.s32 v6, v14;
	_ =	sdelay $0x1  }
0xd4: {  	v13 =	vmul.f32 v15, v13;
	_ =	sdelay $0x1  }
0xd5: {  	[tilespmem:s16+$0x0] =	vst v13  }
0xd6: {  	v13 =	vld.idx.msk [tilespmem:v16+s18+$0x0], $0xffff  }
0xd7: {  	v15 =	vld [tilespmem:s24+$0x10];
	_ =	sdelay $0x2  }
0xd8: {  	v16 =	vadd.s32 v7, v14;
	_ =	sdelay $0x1  }
0xd9: {  	v13 =	vmul.f32 v15, v13;
	_ =	sdelay $0x1  }
0xda: {  	[tilespmem:s16+$0x10] =	vst v13  }
0xdb: {  	v13 =	vld.idx.msk [tilespmem:v16+s18+$0x0], $0xffff  }
0xdc: {  	v15 =	vld [tilespmem:s24+$0x20];
	_ =	sdelay $0x2  }
0xdd: {  	v14 =	vadd.s32 v8, v14;
	_ =	sdelay $0x1  }
0xde: {  	v13 =	vmul.f32 v15, v13  }
0xdf: {  	s23 =	simm.s32 $0x3  }
0xe0: {  	v15 =	vmov s23;
	[tilespmem:s16+$0x20] =	vst v13  }
0xe1: {  	v13 =	vmul.u32 $0x50, v15;
	v14 =	vld.idx.msk [tilespmem:v14+s18+$0x0], $0xffff  }
0xe2: {  	v15 =	vld [tilespmem:s24+$0x30]  }
0xe3: {  	v13 =	vadd.s32 $0x40, v13  }
0xe4: {  	v13 =	vbroadcast v13, $0x0;
	_ =	sdelay $0x1  }
0xe5: {  	v16 =	vor.u32 v1, v13  }
0xe6: {  	v14 =	vmul.f32 v15, v14;
	_ =	sdelay $0x1  }
0xe7: {  	[tilespmem:s16+$0x30] =	vst v14  }
0xe8: {  	v15 =	vld [tilespmem:s24+$0x50]  }
0xe9: {  	v14 =	vld.idx.msk [tilespmem:v16+s18+$0x0], $0xffff;
	_ =	sdelay $0x2  }
0xea: {  	v16 =	vor.u32 v9, v13;
	_ =	sdelay $0x1  }
0xeb: {  	v14 =	vmul.f32 v15, v14;
	_ =	sdelay $0x1  }
0xec: {  	[tilespmem:s16+$0x50] =	vst v14  }
0xed: {  	v14 =	vld.idx.msk [tilespmem:v16+s18+$0x0], $0xffff  }
0xee: {  	v15 =	vld [tilespmem:s24+$0x60];
	_ =	sdelay $0x2  }
0xef: {  	v16 =	vor.u32 v10, v13;
	_ =	sdelay $0x1  }
0xf0: {  	v14 =	vmul.f32 v15, v14;
	_ =	sdelay $0x1  }
0xf1: {  	[tilespmem:s16+$0x60] =	vst v14  }
0xf2: {  	v14 =	vld.idx.msk [tilespmem:v16+s18+$0x0], $0xffff  }
0xf3: {  	v15 =	vld [tilespmem:s24+$0x70];
	_ =	sdelay $0x2  }
0xf4: {  	v13 =	vor.u32 v11, v13;
	_ =	sdelay $0x1  }
0xf5: {  	v14 =	vmul.f32 v15, v14;
	_ =	sdelay $0x1  }
0xf6: {  	[tilespmem:s16+$0x70] =	vst v14  }
0xf7: {  	v16 =	vld.idx.msk [tilespmem:v13+s18+$0x0], $0xffff  }
0xf8: {  	v17 =	vld [tilespmem:s24+$0x80]  }
0xf9: {  	s25 =	simm.s32 $0x4  }
0xfa: {  	v13 =	vor.u32 s25, v1  }
0xfb: {  	v14 =	vmov s25;
	v15 =	vmul.u32 $0x50, v13;
	v18 =	vshll.u32 v13, $0x4  }
0xfc: {  	v13 =	vmul.u32 $0x50, v14;
	v14 =	vor.u32 v2, v18  }
0xfd: {  	s29 =	simm.s32 $0x3E80;
	s23 =	simm.s32 $0x7;
	s25 =	simm.s32 $0xB;
	v15 =	vadd.s32 v4, v15;
	v16 =	vmul.f32 v17, v16  }
.LBB2_5:
0xfe: {  	s16 =	sadd.s32 $0x140, s16  }
0xff: {  	s24 =	sadd.s32 $0x140, s24;
	s22 =	smov.u32 s25;
	s7 =	sadd.s32 $0x4, s25  }
0x100: {  	p1 =	sne.s32 s25, $0x4F;
	[tilespmem:s29+$0x80] =	vst v16;
	s29 =	smov.u32 s16  }
0x101: {  	v14 =	vld.idx.msk [tilespmem:v14+s10+$0x0], $0xffff  }
0x102: {  	v16 =	vld.idx.msk [tilespmem:v15+s9+$0x0], $0xffff;
	_ =	sdelay $0x4  }
0x103: {  	v17 =	vadd.f32 v14, v12  }
0x104: {  	v14 =	vadd.f32 v14, v16  }
0x105: {  	v16 =	vmul.f32 $2.000000030e-01, v17  }
0x106: {  	v18 =	vmul.f32 $2.000000030e-01, v14  }
0x107: {  	v16 =	vmax.f32 v17, v16  }
0x108: {  	v14 =	vmax.f32 v14, v18  }
0x109: {  	v14 =	vsub.f32 v14, v16;
	_ =	sdelay $0x1  }
0x10a: {  	v14 =	vmul.f32 $1.442695020e+00, v14;
	_ =	sdelay $0x1  }
0x10b: {  	(erf) = vpow2.f32 v14;
	_ =	sdelay $0x1  }
0x10c: {  	s25 =	sadd.s32 $0xFFFFFFFF, s23  }
0x10d: {  	v16 =	vor.u32 s25, v1;
	v14 =	vmov s25  }
0x10e: {  	v17 =	vmul.u32 $0x50, v16;
	v16 =	vshll.u32 v16, $0x4;
	_ =	sdelay $0x1  }
0x10f: {  	v16 =	vor.u32 v2, v16;
	v17 =	vadd.s32 v4, v17;
	_ =	sdelay $0x2  }
0x110: {  	v18 =	vpop (erf)  }
0x111: {  	[tilespmem:v15+s18+$0x0] =	vst.idx.msk $0xffff, v18  }
0x112: {  	v15 =	vld.idx.msk [tilespmem:v17+s9+$0x0], $0xffff  }
0x113: {  	v16 =	vld.idx.msk [tilespmem:v16+s10+$0x0], $0xffff;
	_ =	sdelay $0x5  }
0x114: {  	v15 =	vadd.f32 v16, v15;
	v16 =	vadd.f32 v16, v12;
	_ =	sdelay $0x1  }
0x115: {  	v18 =	vmul.f32 $2.000000030e-01, v15;
	v19 =	vmul.f32 $2.000000030e-01, v16;
	_ =	sdelay $0x1  }
0x116: {  	v15 =	vmax.f32 v15, v18;
	v16 =	vmax.f32 v16, v19  }
0x117: {  	v15 =	vsub.f32 v15, v16;
	_ =	sdelay $0x1  }
0x118: {  	v15 =	vmul.f32 $1.442695020e+00, v15;
	_ =	sdelay $0x1  }
0x119: {  	(erf) = vpow2.f32 v15;
	_ =	sdelay $0x5  }
0x11a: {  	v15 =	vadd.s32 v5, v13;
	_ =	sdelay $0x2  }
0x11b: {  	v16 =	vpop (erf)  }
0x11c: {  	[tilespmem:v17+s18+$0x0] =	vst.idx.msk $0xffff, v16  }
0x11d: {  	v15 =	vld.idx.msk [tilespmem:v15+s18+$0x0], $0xffff  }
0x11e: {  	v16 =	vld [tilespmem:s24+$0xFFFFFF60];
	_ =	sdelay $0x2  }
0x11f: {  	v17 =	vadd.s32 v6, v13;
	_ =	sdelay $0x1  }
0x120: {  	v15 =	vmul.f32 v16, v15;
	_ =	sdelay $0x1  }
0x121: {  	[tilespmem:s16+$0xFFFFFF60] =	vst v15  }
0x122: {  	v15 =	vld.idx.msk [tilespmem:v17+s18+$0x0], $0xffff  }
0x123: {  	v16 =	vld [tilespmem:s24+$0xFFFFFF70];
	_ =	sdelay $0x2  }
0x124: {  	v17 =	vadd.s32 v7, v13;
	_ =	sdelay $0x1  }
0x125: {  	v15 =	vmul.f32 v16, v15;
	_ =	sdelay $0x1  }
0x126: {  	[tilespmem:s16+$0xFFFFFF70] =	vst v15  }
0x127: {  	v15 =	vld.idx.msk [tilespmem:v17+s18+$0x0], $0xffff  }
0x128: {  	v16 =	vld [tilespmem:s24+$0xFFFFFF80];
	_ =	sdelay $0x2  }
0x129: {  	v13 =	vadd.s32 v8, v13;
	_ =	sdelay $0x1  }
0x12a: {  	s25 =	sadd.s32 $0xFFFFFFFE, s23;
	v15 =	vmul.f32 v16, v15  }
0x12b: {  	v16 =	vmov s25  }
0x12c: {  	[tilespmem:s16+$0xFFFFFF80] =	vst v15;
	v15 =	vmul.u32 $0x50, v16  }
0x12d: {  	v13 =	vld.idx.msk [tilespmem:v13+s18+$0x0], $0xffff  }
0x12e: {  	v16 =	vld [tilespmem:s24+$0xFFFFFF90];
	v15 =	vadd.s32 $0x40, v15  }
0x12f: {  	v15 =	vbroadcast v15, $0x0;
	_ =	sdelay $0x1  }
0x130: {  	v17 =	vor.u32 v1, v15;
	_ =	sdelay $0x1  }
0x131: {  	v13 =	vmul.f32 v16, v13;
	_ =	sdelay $0x1  }
0x132: {  	[tilespmem:s16+$0xFFFFFF90] =	vst v13  }
0x133: {  	v13 =	vld.idx.msk [tilespmem:v17+s18+$0x0], $0xffff  }
0x134: {  	v16 =	vld [tilespmem:s24+$0xFFFFFFB0];
	_ =	sdelay $0x2  }
0x135: {  	v17 =	vor.u32 v9, v15;
	_ =	sdelay $0x1  }
0x136: {  	v13 =	vmul.f32 v16, v13;
	_ =	sdelay $0x1  }
0x137: {  	[tilespmem:s16+$0xFFFFFFB0] =	vst v13  }
0x138: {  	v13 =	vld.idx.msk [tilespmem:v17+s18+$0x0], $0xffff  }
0x139: {  	v16 =	vld [tilespmem:s24+$0xFFFFFFC0];
	_ =	sdelay $0x2  }
0x13a: {  	v17 =	vor.u32 v10, v15;
	_ =	sdelay $0x1  }
0x13b: {  	v13 =	vmul.f32 v16, v13;
	_ =	sdelay $0x1  }
0x13c: {  	[tilespmem:s16+$0xFFFFFFC0] =	vst v13  }
0x13d: {  	v13 =	vld.idx.msk [tilespmem:v17+s18+$0x0], $0xffff  }
0x13e: {  	v16 =	vld [tilespmem:s24+$0xFFFFFFD0];
	_ =	sdelay $0x2  }
0x13f: {  	v15 =	vor.u32 v11, v15;
	_ =	sdelay $0x1  }
0x140: {  	v13 =	vmul.f32 v16, v13;
	_ =	sdelay $0x1  }
0x141: {  	[tilespmem:s16+$0xFFFFFFD0] =	vst v13  }
0x142: {  	v13 =	vld.idx.msk [tilespmem:v15+s18+$0x0], $0xffff  }
0x143: {  	v15 =	vld [tilespmem:s24+$0xFFFFFFE0]  }
0x144: {  	v14 =	vmul.u32 $0x50, v14;
	_ =	sdelay $0x1  }
0x145: {  	v16 =	vadd.s32 v5, v14;
	_ =	sdelay $0x1  }
0x146: {  	v13 =	vmul.f32 v15, v13;
	_ =	sdelay $0x1  }
0x147: {  	[tilespmem:s16+$0xFFFFFFE0] =	vst v13  }
0x148: {  	v13 =	vld.idx.msk [tilespmem:v16+s18+$0x0], $0xffff  }
0x149: {  	v15 =	vld [tilespmem:s24+$0x0];
	_ =	sdelay $0x2  }
0x14a: {  	v16 =	vadd.s32 v6, v14;
	_ =	sdelay $0x1  }
0x14b: {  	v13 =	vmul.f32 v15, v13;
	_ =	sdelay $0x1  }
0x14c: {  	[tilespmem:s16+$0x0] =	vst v13  }
0x14d: {  	v13 =	vld.idx.msk [tilespmem:v16+s18+$0x0], $0xffff  }
0x14e: {  	v15 =	vld [tilespmem:s24+$0x10];
	_ =	sdelay $0x2  }
0x14f: {  	v16 =	vadd.s32 v7, v14;
	_ =	sdelay $0x1  }
0x150: {  	v13 =	vmul.f32 v15, v13;
	_ =	sdelay $0x1  }
0x151: {  	[tilespmem:s16+$0x10] =	vst v13  }
0x152: {  	v13 =	vld.idx.msk [tilespmem:v16+s18+$0x0], $0xffff  }
0x153: {  	v15 =	vld [tilespmem:s24+$0x20];
	_ =	sdelay $0x2  }
0x154: {  	v14 =	vadd.s32 v8, v14;
	_ =	sdelay $0x1  }
0x155: {  	v13 =	vmul.f32 v15, v13  }
0x156: {  	v15 =	vmov s23;
	s23 =	smov.u32 s22  }
0x157: {  	[tilespmem:s16+$0x20] =	vst v13;
	v13 =	vmul.u32 $0x50, v15  }
0x158: {  	v14 =	vld.idx.msk [tilespmem:v14+s18+$0x0], $0xffff  }
0x159: {  	v15 =	vld [tilespmem:s24+$0x30];
	v13 =	vadd.s32 $0x40, v13  }
0x15a: {  	v13 =	vbroadcast v13, $0x0;
	_ =	sdelay $0x1  }
0x15b: {  	v16 =	vor.u32 v1, v13;
	_ =	sdelay $0x1  }
0x15c: {  	v14 =	vmul.f32 v15, v14;
	_ =	sdelay $0x1  }
0x15d: {  	[tilespmem:s16+$0x30] =	vst v14  }
0x15e: {  	v14 =	vld.idx.msk [tilespmem:v16+s18+$0x0], $0xffff  }
0x15f: {  	v15 =	vld [tilespmem:s24+$0x50];
	_ =	sdelay $0x2  }
0x160: {  	v16 =	vor.u32 v9, v13;
	_ =	sdelay $0x1  }
0x161: {  	v14 =	vmul.f32 v15, v14;
	_ =	sdelay $0x1  }
0x162: {  	[tilespmem:s16+$0x50] =	vst v14  }
0x163: {  	v14 =	vld.idx.msk [tilespmem:v16+s18+$0x0], $0xffff  }
0x164: {  	v15 =	vld [tilespmem:s24+$0x60];
	_ =	sdelay $0x2  }
0x165: {  	v16 =	vor.u32 v10, v13;
	_ =	sdelay $0x1  }
0x166: {  	v14 =	vmul.f32 v15, v14;
	_ =	sdelay $0x1  }
0x167: {  	[tilespmem:s16+$0x60] =	vst v14  }
0x168: {  	v14 =	vld.idx.msk [tilespmem:v16+s18+$0x0], $0xffff  }
0x169: {  	v15 =	vld [tilespmem:s24+$0x70];
	_ =	sdelay $0x2  }
0x16a: {  	v13 =	vor.u32 v11, v13;
	_ =	sdelay $0x1  }
0x16b: {  	v14 =	vmul.f32 v15, v14;
	_ =	sdelay $0x1  }
0x16c: {  	[tilespmem:s16+$0x70] =	vst v14  }
0x16d: {  	v16 =	vld.idx.msk [tilespmem:v13+s18+$0x0], $0xffff  }
0x16e: {  	s22 =	sadd.s32 $0xFFFFFFFD, s23;
	v17 =	vld [tilespmem:s24+$0x80]  }
.Ltmp1:
0x16f: {  	v14 =	vor.u32 s22, v1;
	v13 =	vmov s22;
	(pc) =	sbr.rel @p1 .LBB2_5-.Ltmp1, $4  }
0x170: {  	v15 =	vmul.u32 $0x50, v14;
	v14 =	vshll.u32 v14, $0x4;
	v13 =	vmul.u32 $0x50, v13  }
0x171: {  	v14 =	vor.u32 v2, v14  }
0x172: {  	v15 =	vadd.s32 v4, v15  }
0x173: {  	s25 =	smov.u32 s7;
	v16 =	vmul.f32 v17, v16  }
0x174: {  	_ =	sdelay $0x2  }
0x175: {  	[tilespmem:s29+$0x80] =	vst v16  }
0x176: {  	v14 =	vld.idx.msk [tilespmem:v14+s10+$0x0], $0xffff  }
0x177: {  	v16 =	vld.idx.msk [tilespmem:v15+s9+$0x0], $0xffff;
	_ =	sdelay $0x4  }
0x178: {  	v17 =	vadd.f32 v14, v12;
	v14 =	vadd.f32 v14, v16;
	_ =	sdelay $0x1  }
0x179: {  	v16 =	vmul.f32 $2.000000030e-01, v17;
	v18 =	vmul.f32 $2.000000030e-01, v14;
	_ =	sdelay $0x1  }
0x17a: {  	v16 =	vmax.f32 v17, v16;
	v14 =	vmax.f32 v14, v18  }
0x17b: {  	v14 =	vsub.f32 v14, v16;
	_ =	sdelay $0x1  }
0x17c: {  	v14 =	vmul.f32 $1.442695020e+00, v14;
	_ =	sdelay $0x1  }
0x17d: {  	(erf) = vpow2.f32 v14;
	_ =	sdelay $0x1  }
0x17e: {  	s25 =	sadd.s32 $0xFFFFFFFF, s23  }
0x17f: {  	v14 =	vor.u32 s25, v1  }
0x180: {  	v16 =	vmul.u32 $0x50, v14;
	_ =	sdelay $0x1  }
0x181: {  	v14 =	vshll.u32 v14, $0x4;
	v16 =	vadd.s32 v4, v16  }
0x182: {  	v14 =	vor.u32 v2, v14;
	_ =	sdelay $0x1  }
0x183: {  	v17 =	vpop (erf)  }
0x184: {  	[tilespmem:v15+s18+$0x0] =	vst.idx.msk $0xffff, v17  }
0x185: {  	v15 =	vld.idx.msk [tilespmem:v16+s9+$0x0], $0xffff  }
0x186: {  	v14 =	vld.idx.msk [tilespmem:v14+s10+$0x0], $0xffff;
	_ =	sdelay $0x4  }
0x187: {  	v15 =	vadd.f32 v14, v15;
	v14 =	vadd.f32 v14, v12;
	_ =	sdelay $0x1  }
0x188: {  	v17 =	vmul.f32 $2.000000030e-01, v15;
	v18 =	vmul.f32 $2.000000030e-01, v14;
	_ =	sdelay $0x1  }
0x189: {  	v15 =	vmax.f32 v15, v17;
	v14 =	vmax.f32 v14, v18  }
0x18a: {  	v14 =	vsub.f32 v15, v14;
	_ =	sdelay $0x1  }
0x18b: {  	v14 =	vmul.f32 $1.442695020e+00, v14;
	_ =	sdelay $0x1  }
0x18c: {  	(erf) = vpow2.f32 v14;
	_ =	sdelay $0x5  }
0x18d: {  	v14 =	vadd.s32 v5, v13;
	_ =	sdelay $0x2  }
0x18e: {  	v15 =	vpop (erf)  }
0x18f: {  	[tilespmem:v16+s18+$0x0] =	vst.idx.msk $0xffff, v15  }
0x190: {  	s22 =	sadd.s32 $0x140, s24;
	v14 =	vld.idx.msk [tilespmem:v14+s18+$0x0], $0xffff  }
0x191: {  	v15 =	vld [tilespmem:s22+$0xFFFFFF60];
	_ =	sdelay $0x2  }
0x192: {  	v16 =	vadd.s32 v6, v13;
	_ =	sdelay $0x1  }
0x193: {  	v14 =	vmul.f32 v15, v14  }
0x194: {  	s16 =	sadd.s32 $0x140, s16  }
0x195: {  	[tilespmem:s16+$0xFFFFFF60] =	vst v14  }
0x196: {  	v14 =	vld.idx.msk [tilespmem:v16+s18+$0x0], $0xffff  }
0x197: {  	v15 =	vld [tilespmem:s22+$0xFFFFFF70];
	_ =	sdelay $0x2  }
0x198: {  	v16 =	vadd.s32 v7, v13;
	_ =	sdelay $0x1  }
0x199: {  	v14 =	vmul.f32 v15, v14;
	_ =	sdelay $0x1  }
0x19a: {  	[tilespmem:s16+$0xFFFFFF70] =	vst v14  }
0x19b: {  	v14 =	vld.idx.msk [tilespmem:v16+s18+$0x0], $0xffff  }
0x19c: {  	v15 =	vld [tilespmem:s22+$0xFFFFFF80];
	_ =	sdelay $0x2  }
0x19d: {  	v13 =	vadd.s32 v8, v13;
	_ =	sdelay $0x1  }
0x19e: {  	v14 =	vmul.f32 v15, v14  }
0x19f: {  	s7 =	sadd.s32 $0xFFFFFFFE, s23  }
0x1a0: {  	v15 =	vmov s7;
	[tilespmem:s16+$0xFFFFFF80] =	vst v14  }
0x1a1: {  	v14 =	vmul.u32 $0x50, v15;
	v13 =	vld.idx.msk [tilespmem:v13+s18+$0x0], $0xffff  }
0x1a2: {  	v15 =	vld [tilespmem:s22+$0xFFFFFF90]  }
0x1a3: {  	v14 =	vadd.s32 $0x40, v14  }
0x1a4: {  	v14 =	vbroadcast v14, $0x0;
	_ =	sdelay $0x1  }
0x1a5: {  	v16 =	vor.u32 v1, v14  }
0x1a6: {  	v13 =	vmul.f32 v15, v13;
	_ =	sdelay $0x1  }
0x1a7: {  	[tilespmem:s16+$0xFFFFFF90] =	vst v13  }
0x1a8: {  	v15 =	vld [tilespmem:s22+$0xFFFFFFB0]  }
0x1a9: {  	v13 =	vld.idx.msk [tilespmem:v16+s18+$0x0], $0xffff;
	_ =	sdelay $0x2  }
0x1aa: {  	v16 =	vor.u32 v9, v14;
	_ =	sdelay $0x1  }
0x1ab: {  	v13 =	vmul.f32 v15, v13;
	_ =	sdelay $0x1  }
0x1ac: {  	[tilespmem:s16+$0xFFFFFFB0] =	vst v13  }
0x1ad: {  	v13 =	vld.idx.msk [tilespmem:v16+s18+$0x0], $0xffff  }
0x1ae: {  	v15 =	vld [tilespmem:s22+$0xFFFFFFC0];
	_ =	sdelay $0x2  }
0x1af: {  	v16 =	vor.u32 v10, v14;
	_ =	sdelay $0x1  }
0x1b0: {  	v13 =	vmul.f32 v15, v13;
	_ =	sdelay $0x1  }
0x1b1: {  	[tilespmem:s16+$0xFFFFFFC0] =	vst v13  }
0x1b2: {  	v13 =	vld.idx.msk [tilespmem:v16+s18+$0x0], $0xffff  }
0x1b3: {  	v15 =	vld [tilespmem:s22+$0xFFFFFFD0];
	_ =	sdelay $0x2  }
0x1b4: {  	v14 =	vor.u32 v11, v14;
	_ =	sdelay $0x1  }
0x1b5: {  	v13 =	vmul.f32 v15, v13;
	_ =	sdelay $0x1  }
0x1b6: {  	[tilespmem:s16+$0xFFFFFFD0] =	vst v13  }
0x1b7: {  	v13 =	vld.idx.msk [tilespmem:v14+s18+$0x0], $0xffff  }
0x1b8: {  	v14 =	vmov s25;
	v15 =	vld [tilespmem:s22+$0xFFFFFFE0]  }
0x1b9: {  	v14 =	vmul.u32 $0x50, v14;
	_ =	sdelay $0x1  }
0x1ba: {  	v16 =	vadd.s32 v5, v14;
	_ =	sdelay $0x1  }
0x1bb: {  	v13 =	vmul.f32 v15, v13;
	_ =	sdelay $0x1  }
0x1bc: {  	[tilespmem:s16+$0xFFFFFFE0] =	vst v13  }
0x1bd: {  	v13 =	vld.idx.msk [tilespmem:v16+s18+$0x0], $0xffff  }
0x1be: {  	v15 =	vld [tilespmem:s22+$0x0];
	_ =	sdelay $0x2  }
0x1bf: {  	v16 =	vadd.s32 v6, v14;
	_ =	sdelay $0x1  }
0x1c0: {  	v13 =	vmul.f32 v15, v13;
	_ =	sdelay $0x1  }
0x1c1: {  	[tilespmem:s16+$0x0] =	vst v13  }
0x1c2: {  	v13 =	vld.idx.msk [tilespmem:v16+s18+$0x0], $0xffff  }
0x1c3: {  	v15 =	vld [tilespmem:s22+$0x10];
	_ =	sdelay $0x2  }
0x1c4: {  	v16 =	vadd.s32 v7, v14;
	_ =	sdelay $0x1  }
0x1c5: {  	v13 =	vmul.f32 v15, v13;
	_ =	sdelay $0x1  }
0x1c6: {  	[tilespmem:s16+$0x10] =	vst v13  }
0x1c7: {  	v13 =	vld.idx.msk [tilespmem:v16+s18+$0x0], $0xffff  }
0x1c8: {  	v15 =	vld [tilespmem:s22+$0x20];
	_ =	sdelay $0x2  }
0x1c9: {  	v14 =	vadd.s32 v8, v14;
	_ =	sdelay $0x1  }
0x1ca: {  	v13 =	vmul.f32 v15, v13;
	_ =	sdelay $0x1  }
0x1cb: {  	v15 =	vmov s23;
	[tilespmem:s16+$0x20] =	vst v13  }
0x1cc: {  	v13 =	vmul.u32 $0x50, v15;
	v14 =	vld.idx.msk [tilespmem:v14+s18+$0x0], $0xffff  }
0x1cd: {  	v15 =	vld [tilespmem:s22+$0x30]  }
0x1ce: {  	v13 =	vadd.s32 $0x40, v13  }
0x1cf: {  	v13 =	vbroadcast v13, $0x0;
	_ =	sdelay $0x1  }
0x1d0: {  	v16 =	vor.u32 v1, v13  }
0x1d1: {  	v14 =	vmul.f32 v15, v14;
	_ =	sdelay $0x1  }
0x1d2: {  	[tilespmem:s16+$0x30] =	vst v14  }
0x1d3: {  	v15 =	vld [tilespmem:s22+$0x50]  }
0x1d4: {  	v14 =	vld.idx.msk [tilespmem:v16+s18+$0x0], $0xffff;
	_ =	sdelay $0x2  }
0x1d5: {  	v16 =	vor.u32 v9, v13;
	_ =	sdelay $0x1  }
0x1d6: {  	v14 =	vmul.f32 v15, v14;
	_ =	sdelay $0x1  }
0x1d7: {  	[tilespmem:s16+$0x50] =	vst v14  }
0x1d8: {  	v14 =	vld.idx.msk [tilespmem:v16+s18+$0x0], $0xffff  }
0x1d9: {  	v15 =	vld [tilespmem:s22+$0x60];
	_ =	sdelay $0x2  }
0x1da: {  	v16 =	vor.u32 v10, v13;
	_ =	sdelay $0x1  }
0x1db: {  	v14 =	vmul.f32 v15, v14;
	_ =	sdelay $0x1  }
0x1dc: {  	[tilespmem:s16+$0x60] =	vst v14  }
0x1dd: {  	v14 =	vld.idx.msk [tilespmem:v16+s18+$0x0], $0xffff  }
0x1de: {  	v15 =	vld [tilespmem:s22+$0x70];
	_ =	sdelay $0x2  }
0x1df: {  	v13 =	vor.u32 v11, v13;
	_ =	sdelay $0x1  }
0x1e0: {  	v14 =	vmul.f32 v15, v14;
	_ =	sdelay $0x1  }
0x1e1: {  	[tilespmem:s16+$0x70] =	vst v14  }
0x1e2: {  	v13 =	vld.idx.msk [tilespmem:v13+s18+$0x0], $0xffff  }
0x1e3: {  	v14 =	vld [tilespmem:s22+$0x80];
	_ =	sdelay $0x4  }
0x1e4: {  	v13 =	vmul.f32 v14, v13;
	_ =	sdelay $0x1  }
0x1e5: {  	[tilespmem:s16+$0x80] =	vst v13  }
0x1e6: {  	[spmem:s2] =	stream.indirect.scatter.add.f32 [tilespmem:s18], [sflag:$0x5], $0x50, s19, s3, $0xb8;
	[tilespmem:$0x14BF0] =	vst v63  }
0x1e7: {  	_ =	swait.ge [sflag:s20], $0x1900  }
0x1e8: {  	[sflag:s20] =	ssyncset.done $0x0  }
0x1e9: {  	[sflag:s20] =	ssyncadd.s32 $0xFFFFE700  }
0x1ea: {  	_ =	swait.ge [sflag:s20], $0x500  }
0x1eb: {  	[sflag:s20] =	ssyncset.done $0x0  }
0x1ec: {  	[sflag:s20] =	ssyncadd.s32 $0xFFFFFB00  }
0x1ed: {  	_ =	swait.ge [sflag:s31], $0x50  }
0x1ee: {  	[sflag:s31] =	ssyncset.done $0x0  }
0x1ef: {  	[sflag:s31] =	ssyncadd.s32 $0xFFFFFFB0  }
0x1f0: {  	_ =	swait.ge [sflag:s31], $0x50  }
0x1f1: {  	[sflag:s31] =	ssyncset.done $0x0  }
0x1f2: {  	[sflag:s31] =	ssyncadd.s32 $0xFFFFFFB0  }
0x1f3: {  	[tilespmem:s9], [sflag:$0x3] =	stream.indirect.gather [hbm4b:s5+s3], $0x50, s4, s3, $0xb8;
	[tilespmem:$0x14BF0] =	vst v63  }
0x1f4: {  	s7 =	simm.s32 @!p0 $0x6  }
0x1f5: {  	[tilespmem:s10], [sflag:$0x3] =	stream.indirect.gather [hbm4b:s6+s3], $0x10, s0, s3, $0xb8;
	[tilespmem:$0x14BF0] =	vst v63  }
0x1f6: {  	_ =	swait.ge @!p0 [sflag:s7], $0x1900  }
0x1f7: {  	[sflag:s7] =	ssyncset.done @!p0 $0x0  }
0x1f8: {  	[sflag:s7] =	ssyncadd.s32 @!p0 $0xFFFFE700  }
0x1f9: {  	v13 =	vld [tilespmem:$0xF0]  }
0x1fa: {  	v14 =	vld [tilespmem:$0x100]  }
0x1fb: {  	v15 =	vld [tilespmem:$0x110]  }
0x1fc: {  	v16 =	vld [tilespmem:$0x120]  }
0x1fd: {  	v17 =	vld [tilespmem:$0x130]  }
0x1fe: {  	s25 =	simm.s32 $0x0;
	[tilespmem:$0x190] =	vst v13  }
0x1ff: {  	p0 =	seq.s32 s26, $0x3D;
	[tilespmem:$0x1A0] =	vst v14;
	v13 =	vor.u32 s25, v1  }
0x200: {  	s16 =	sadd.s32 @!p0 s28, s14;
	[tilespmem:$0x1B0] =	vst v15;
	v14 =	vmul.u32 $0x50, v13;
	v13 =	vshll.u32 v13, $0x4  }
0x201: {  	s16 =	sshrl.u32 @!p0 s16, $0x3;
	[tilespmem:$0x1C0] =	vst v16;
	v13 =	vor.u32 v2, v13  }
0x202: {  	s23 =	simm.s32 @!p0 $0x0;
	s24 =	simm.s32 @!p0 $0x50;
	s22 =	sadd.s32 @!p0 s8, s16;
	[tilespmem:$0x1D0] =	vst v17;
	v14 =	vadd.s32 v4, v14  }
0x203: {  	[tilespmem:s24], [sflag:$0x2] =	stream.linear.gather @!p0 [hbm4b:s22+s23], $0x50, $0x38;
	[tilespmem:$0x14BF0] =	vst v63  }
0x204: {  	s16 =	sadd.s32 @!p0 s1, s16;
	s22 =	simm.s32 @!p0 $0xF0  }
0x205: {  	[tilespmem:s22], [sflag:$0x2] =	stream.linear.gather @!p0 [hbm4b:s16+s23], $0x50, $0x38;
	[tilespmem:$0x14BF0] =	vst v63  }
0x206: {  	v13 =	vld.idx.msk [tilespmem:v13+s17+$0x0], $0xffff  }
0x207: {  	v15 =	vld.idx.msk [tilespmem:v14+s15+$0x0], $0xffff;
	_ =	sdelay $0x4  }
0x208: {  	v16 =	vadd.f32 v13, v12;
	v13 =	vadd.f32 v13, v15;
	_ =	sdelay $0x1  }
0x209: {  	v15 =	vmul.f32 $2.000000030e-01, v16;
	v17 =	vmul.f32 $2.000000030e-01, v13;
	_ =	sdelay $0x1  }
0x20a: {  	v15 =	vmax.f32 v16, v15;
	v13 =	vmax.f32 v13, v17  }
0x20b: {  	v13 =	vsub.f32 v13, v15;
	_ =	sdelay $0x1  }
0x20c: {  	v13 =	vmul.f32 $1.442695020e+00, v13;
	_ =	sdelay $0x1  }
0x20d: {  	(erf) = vpow2.f32 v13;
	_ =	sdelay $0x1  }
0x20e: {  	s29 =	simm.s32 $0x2  }
0x20f: {  	v13 =	vor.u32 s29, v1  }
0x210: {  	v15 =	vmul.u32 $0x50, v13;
	_ =	sdelay $0x1  }
0x211: {  	v13 =	vshll.u32 v13, $0x4;
	v15 =	vadd.s32 v4, v15  }
0x212: {  	v13 =	vor.u32 v2, v13;
	_ =	sdelay $0x1  }
0x213: {  	v16 =	vpop (erf)  }
0x214: {  	[tilespmem:v14+s21+$0x0] =	vst.idx.msk $0xffff, v16  }
0x215: {  	v14 =	vld.idx.msk [tilespmem:v15+s15+$0x0], $0xffff  }
0x216: {  	v13 =	vld.idx.msk [tilespmem:v13+s17+$0x0], $0xffff;
	_ =	sdelay $0x4  }
0x217: {  	v14 =	vadd.f32 v13, v14;
	v13 =	vadd.f32 v13, v12;
	_ =	sdelay $0x1  }
0x218: {  	v16 =	vmul.f32 $2.000000030e-01, v14;
	v17 =	vmul.f32 $2.000000030e-01, v13;
	_ =	sdelay $0x1  }
0x219: {  	v14 =	vmax.f32 v14, v16;
	v13 =	vmax.f32 v13, v17  }
0x21a: {  	v13 =	vsub.f32 v14, v13;
	_ =	sdelay $0x1  }
0x21b: {  	v13 =	vmul.f32 $1.442695020e+00, v13;
	_ =	sdelay $0x1  }
0x21c: {  	(erf) = vpow2.f32 v13;
	_ =	sdelay $0x2  }
0x21d: {  	v13 =	vmov s25  }
0x21e: {  	v13 =	vmul.u32 $0x50, v13;
	_ =	sdelay $0x1  }
0x21f: {  	v14 =	vadd.s32 v5, v13;
	_ =	sdelay $0x2  }
0x220: {  	v16 =	vpop (erf)  }
0x221: {  	[tilespmem:v15+s21+$0x0] =	vst.idx.msk $0xffff, v16  }
0x222: {  	s24 =	simm.s32 $0x1B80;
	v14 =	vld.idx.msk [tilespmem:v14+s21+$0x0], $0xffff  }
0x223: {  	v15 =	vld [tilespmem:s24+$0xFFFFFF60];
	_ =	sdelay $0x2  }
0x224: {  	v16 =	vadd.s32 v6, v13;
	_ =	sdelay $0x1  }
0x225: {  	v14 =	vmul.f32 v15, v14  }
0x226: {  	s16 =	simm.s32 $0x5780  }
0x227: {  	[tilespmem:s16+$0xFFFFFF60] =	vst v14  }
0x228: {  	v14 =	vld.idx.msk [tilespmem:v16+s21+$0x0], $0xffff  }
0x229: {  	v15 =	vld [tilespmem:s24+$0xFFFFFF70];
	_ =	sdelay $0x2  }
0x22a: {  	v16 =	vadd.s32 v7, v13;
	_ =	sdelay $0x1  }
0x22b: {  	v14 =	vmul.f32 v15, v14;
	_ =	sdelay $0x1  }
0x22c: {  	[tilespmem:s16+$0xFFFFFF70] =	vst v14  }
0x22d: {  	v14 =	vld.idx.msk [tilespmem:v16+s21+$0x0], $0xffff  }
0x22e: {  	v15 =	vld [tilespmem:s24+$0xFFFFFF80];
	_ =	sdelay $0x2  }
0x22f: {  	v13 =	vadd.s32 v8, v13;
	_ =	sdelay $0x1  }
0x230: {  	v14 =	vmul.f32 v15, v14  }
0x231: {  	s23 =	simm.s32 $0x1  }
0x232: {  	v15 =	vmov s23;
	[tilespmem:s16+$0xFFFFFF80] =	vst v14  }
0x233: {  	v14 =	vmul.u32 $0x50, v15;
	v13 =	vld.idx.msk [tilespmem:v13+s21+$0x0], $0xffff  }
0x234: {  	v15 =	vld [tilespmem:s24+$0xFFFFFF90]  }
0x235: {  	v14 =	vadd.s32 $0x40, v14  }
0x236: {  	v14 =	vbroadcast v14, $0x0;
	_ =	sdelay $0x1  }
0x237: {  	v16 =	vor.u32 v1, v14  }
0x238: {  	v13 =	vmul.f32 v15, v13;
	_ =	sdelay $0x1  }
0x239: {  	[tilespmem:s16+$0xFFFFFF90] =	vst v13  }
0x23a: {  	v15 =	vld [tilespmem:s24+$0xFFFFFFB0]  }
0x23b: {  	v13 =	vld.idx.msk [tilespmem:v16+s21+$0x0], $0xffff;
	_ =	sdelay $0x2  }
0x23c: {  	v16 =	vor.u32 v9, v14;
	_ =	sdelay $0x1  }
0x23d: {  	v13 =	vmul.f32 v15, v13;
	_ =	sdelay $0x1  }
0x23e: {  	[tilespmem:s16+$0xFFFFFFB0] =	vst v13  }
0x23f: {  	v13 =	vld.idx.msk [tilespmem:v16+s21+$0x0], $0xffff  }
0x240: {  	v15 =	vld [tilespmem:s24+$0xFFFFFFC0];
	_ =	sdelay $0x2  }
0x241: {  	v16 =	vor.u32 v10, v14;
	_ =	sdelay $0x1  }
0x242: {  	v13 =	vmul.f32 v15, v13;
	_ =	sdelay $0x1  }
0x243: {  	[tilespmem:s16+$0xFFFFFFC0] =	vst v13  }
0x244: {  	v13 =	vld.idx.msk [tilespmem:v16+s21+$0x0], $0xffff  }
0x245: {  	v15 =	vld [tilespmem:s24+$0xFFFFFFD0];
	_ =	sdelay $0x2  }
0x246: {  	v14 =	vor.u32 v11, v14;
	_ =	sdelay $0x1  }
0x247: {  	v13 =	vmul.f32 v15, v13;
	_ =	sdelay $0x1  }
0x248: {  	[tilespmem:s16+$0xFFFFFFD0] =	vst v13  }
0x249: {  	v13 =	vld.idx.msk [tilespmem:v14+s21+$0x0], $0xffff  }
0x24a: {  	v14 =	vmov s29;
	v15 =	vld [tilespmem:s24+$0xFFFFFFE0]  }
0x24b: {  	v14 =	vmul.u32 $0x50, v14;
	_ =	sdelay $0x1  }
0x24c: {  	v16 =	vadd.s32 v5, v14;
	_ =	sdelay $0x1  }
0x24d: {  	v13 =	vmul.f32 v15, v13;
	_ =	sdelay $0x1  }
0x24e: {  	[tilespmem:s16+$0xFFFFFFE0] =	vst v13  }
0x24f: {  	v13 =	vld.idx.msk [tilespmem:v16+s21+$0x0], $0xffff  }
0x250: {  	v15 =	vld [tilespmem:s24+$0x0];
	_ =	sdelay $0x2  }
0x251: {  	v16 =	vadd.s32 v6, v14;
	_ =	sdelay $0x1  }
0x252: {  	v13 =	vmul.f32 v15, v13;
	_ =	sdelay $0x1  }
0x253: {  	[tilespmem:s16+$0x0] =	vst v13  }
0x254: {  	v13 =	vld.idx.msk [tilespmem:v16+s21+$0x0], $0xffff  }
0x255: {  	v15 =	vld [tilespmem:s24+$0x10];
	_ =	sdelay $0x2  }
0x256: {  	v16 =	vadd.s32 v7, v14;
	_ =	sdelay $0x1  }
0x257: {  	v13 =	vmul.f32 v15, v13;
	_ =	sdelay $0x1  }
0x258: {  	[tilespmem:s16+$0x10] =	vst v13  }
0x259: {  	v13 =	vld.idx.msk [tilespmem:v16+s21+$0x0], $0xffff  }
0x25a: {  	v15 =	vld [tilespmem:s24+$0x20];
	_ =	sdelay $0x2  }
0x25b: {  	v14 =	vadd.s32 v8, v14;
	_ =	sdelay $0x1  }
0x25c: {  	v13 =	vmul.f32 v15, v13  }
0x25d: {  	s25 =	simm.s32 $0x3  }
0x25e: {  	v15 =	vmov s25;
	[tilespmem:s16+$0x20] =	vst v13  }
0x25f: {  	v13 =	vmul.u32 $0x50, v15;
	v14 =	vld.idx.msk [tilespmem:v14+s21+$0x0], $0xffff  }
0x260: {  	v15 =	vld [tilespmem:s24+$0x30]  }
0x261: {  	v13 =	vadd.s32 $0x40, v13  }
0x262: {  	v13 =	vbroadcast v13, $0x0;
	_ =	sdelay $0x1  }
0x263: {  	v16 =	vor.u32 v1, v13  }
0x264: {  	v14 =	vmul.f32 v15, v14;
	_ =	sdelay $0x1  }
0x265: {  	[tilespmem:s16+$0x30] =	vst v14  }
0x266: {  	v15 =	vld [tilespmem:s24+$0x50]  }
0x267: {  	v14 =	vld.idx.msk [tilespmem:v16+s21+$0x0], $0xffff;
	_ =	sdelay $0x2  }
0x268: {  	v16 =	vor.u32 v9, v13;
	_ =	sdelay $0x1  }
0x269: {  	v14 =	vmul.f32 v15, v14;
	_ =	sdelay $0x1  }
0x26a: {  	[tilespmem:s16+$0x50] =	vst v14  }
0x26b: {  	v14 =	vld.idx.msk [tilespmem:v16+s21+$0x0], $0xffff  }
0x26c: {  	v15 =	vld [tilespmem:s24+$0x60];
	_ =	sdelay $0x2  }
0x26d: {  	v16 =	vor.u32 v10, v13;
	_ =	sdelay $0x1  }
0x26e: {  	v14 =	vmul.f32 v15, v14;
	_ =	sdelay $0x1  }
0x26f: {  	[tilespmem:s16+$0x60] =	vst v14  }
0x270: {  	v14 =	vld.idx.msk [tilespmem:v16+s21+$0x0], $0xffff  }
0x271: {  	v15 =	vld [tilespmem:s24+$0x70];
	_ =	sdelay $0x2  }
0x272: {  	v13 =	vor.u32 v11, v13;
	_ =	sdelay $0x1  }
0x273: {  	v14 =	vmul.f32 v15, v14;
	_ =	sdelay $0x1  }
0x274: {  	[tilespmem:s16+$0x70] =	vst v14  }
0x275: {  	v16 =	vld.idx.msk [tilespmem:v13+s21+$0x0], $0xffff  }
0x276: {  	v17 =	vld [tilespmem:s24+$0x80]  }
0x277: {  	s29 =	simm.s32 $0x4  }
0x278: {  	v13 =	vor.u32 s29, v1  }
0x279: {  	v14 =	vmov s29;
	v15 =	vmul.u32 $0x50, v13;
	v18 =	vshll.u32 v13, $0x4  }
0x27a: {  	v13 =	vmul.u32 $0x50, v14;
	v14 =	vor.u32 v2, v18  }
0x27b: {  	s7 =	simm.s32 $0xB;
	s28 =	simm.s32 $0x5780;
	s23 =	simm.s32 $0x7;
	v15 =	vadd.s32 v4, v15;
	v16 =	vmul.f32 v17, v16  }
.LBB2_7:
0x27c: {  	s16 =	sadd.s32 $0x140, s16  }
0x27d: {  	s24 =	sadd.s32 $0x140, s24;
	s22 =	smov.u32 s7;
	s25 =	sadd.s32 $0x4, s7  }
0x27e: {  	p0 =	sne.s32 s7, $0x4F;
	[tilespmem:s28+$0x80] =	vst v16;
	s28 =	smov.u32 s16  }
0x27f: {  	v14 =	vld.idx.msk [tilespmem:v14+s17+$0x0], $0xffff  }
0x280: {  	v16 =	vld.idx.msk [tilespmem:v15+s15+$0x0], $0xffff;
	_ =	sdelay $0x4  }
0x281: {  	v17 =	vadd.f32 v14, v12  }
0x282: {  	v14 =	vadd.f32 v14, v16  }
0x283: {  	v16 =	vmul.f32 $2.000000030e-01, v17  }
0x284: {  	v18 =	vmul.f32 $2.000000030e-01, v14  }
0x285: {  	v16 =	vmax.f32 v17, v16  }
0x286: {  	v14 =	vmax.f32 v14, v18  }
0x287: {  	v14 =	vsub.f32 v14, v16;
	_ =	sdelay $0x1  }
0x288: {  	v14 =	vmul.f32 $1.442695020e+00, v14;
	_ =	sdelay $0x1  }
0x289: {  	(erf) = vpow2.f32 v14;
	_ =	sdelay $0x1  }
0x28a: {  	s7 =	sadd.s32 $0xFFFFFFFF, s23  }
0x28b: {  	v16 =	vor.u32 s7, v1;
	v14 =	vmov s7  }
0x28c: {  	v17 =	vmul.u32 $0x50, v16;
	v16 =	vshll.u32 v16, $0x4;
	_ =	sdelay $0x1  }
0x28d: {  	v16 =	vor.u32 v2, v16;
	v17 =	vadd.s32 v4, v17;
	_ =	sdelay $0x2  }
0x28e: {  	v18 =	vpop (erf)  }
0x28f: {  	[tilespmem:v15+s21+$0x0] =	vst.idx.msk $0xffff, v18  }
0x290: {  	v15 =	vld.idx.msk [tilespmem:v17+s15+$0x0], $0xffff  }
0x291: {  	v16 =	vld.idx.msk [tilespmem:v16+s17+$0x0], $0xffff;
	_ =	sdelay $0x5  }
0x292: {  	v15 =	vadd.f32 v16, v15;
	v16 =	vadd.f32 v16, v12;
	_ =	sdelay $0x1  }
0x293: {  	v18 =	vmul.f32 $2.000000030e-01, v15;
	v19 =	vmul.f32 $2.000000030e-01, v16;
	_ =	sdelay $0x1  }
0x294: {  	v15 =	vmax.f32 v15, v18;
	v16 =	vmax.f32 v16, v19  }
0x295: {  	v15 =	vsub.f32 v15, v16;
	_ =	sdelay $0x1  }
0x296: {  	v15 =	vmul.f32 $1.442695020e+00, v15;
	_ =	sdelay $0x1  }
0x297: {  	(erf) = vpow2.f32 v15;
	_ =	sdelay $0x5  }
0x298: {  	v15 =	vadd.s32 v5, v13;
	_ =	sdelay $0x2  }
0x299: {  	v16 =	vpop (erf)  }
0x29a: {  	[tilespmem:v17+s21+$0x0] =	vst.idx.msk $0xffff, v16  }
0x29b: {  	v15 =	vld.idx.msk [tilespmem:v15+s21+$0x0], $0xffff  }
0x29c: {  	v16 =	vld [tilespmem:s24+$0xFFFFFF60];
	_ =	sdelay $0x2  }
0x29d: {  	v17 =	vadd.s32 v6, v13;
	_ =	sdelay $0x1  }
0x29e: {  	v15 =	vmul.f32 v16, v15;
	_ =	sdelay $0x1  }
0x29f: {  	[tilespmem:s16+$0xFFFFFF60] =	vst v15  }
0x2a0: {  	v15 =	vld.idx.msk [tilespmem:v17+s21+$0x0], $0xffff  }
0x2a1: {  	v16 =	vld [tilespmem:s24+$0xFFFFFF70];
	_ =	sdelay $0x2  }
0x2a2: {  	v17 =	vadd.s32 v7, v13;
	_ =	sdelay $0x1  }
0x2a3: {  	v15 =	vmul.f32 v16, v15;
	_ =	sdelay $0x1  }
0x2a4: {  	[tilespmem:s16+$0xFFFFFF70] =	vst v15  }
0x2a5: {  	v15 =	vld.idx.msk [tilespmem:v17+s21+$0x0], $0xffff  }
0x2a6: {  	v16 =	vld [tilespmem:s24+$0xFFFFFF80];
	_ =	sdelay $0x2  }
0x2a7: {  	v13 =	vadd.s32 v8, v13;
	_ =	sdelay $0x1  }
0x2a8: {  	s7 =	sadd.s32 $0xFFFFFFFE, s23;
	v15 =	vmul.f32 v16, v15  }
0x2a9: {  	v16 =	vmov s7  }
0x2aa: {  	[tilespmem:s16+$0xFFFFFF80] =	vst v15;
	v15 =	vmul.u32 $0x50, v16  }
0x2ab: {  	v13 =	vld.idx.msk [tilespmem:v13+s21+$0x0], $0xffff  }
0x2ac: {  	v16 =	vld [tilespmem:s24+$0xFFFFFF90];
	v15 =	vadd.s32 $0x40, v15  }
0x2ad: {  	v15 =	vbroadcast v15, $0x0;
	_ =	sdelay $0x1  }
0x2ae: {  	v17 =	vor.u32 v1, v15;
	_ =	sdelay $0x1  }
0x2af: {  	v13 =	vmul.f32 v16, v13;
	_ =	sdelay $0x1  }
0x2b0: {  	[tilespmem:s16+$0xFFFFFF90] =	vst v13  }
0x2b1: {  	v13 =	vld.idx.msk [tilespmem:v17+s21+$0x0], $0xffff  }
0x2b2: {  	v16 =	vld [tilespmem:s24+$0xFFFFFFB0];
	_ =	sdelay $0x2  }
0x2b3: {  	v17 =	vor.u32 v9, v15;
	_ =	sdelay $0x1  }
0x2b4: {  	v13 =	vmul.f32 v16, v13;
	_ =	sdelay $0x1  }
0x2b5: {  	[tilespmem:s16+$0xFFFFFFB0] =	vst v13  }
0x2b6: {  	v13 =	vld.idx.msk [tilespmem:v17+s21+$0x0], $0xffff  }
0x2b7: {  	v16 =	vld [tilespmem:s24+$0xFFFFFFC0];
	_ =	sdelay $0x2  }
0x2b8: {  	v17 =	vor.u32 v10, v15;
	_ =	sdelay $0x1  }
0x2b9: {  	v13 =	vmul.f32 v16, v13;
	_ =	sdelay $0x1  }
0x2ba: {  	[tilespmem:s16+$0xFFFFFFC0] =	vst v13  }
0x2bb: {  	v13 =	vld.idx.msk [tilespmem:v17+s21+$0x0], $0xffff  }
0x2bc: {  	v16 =	vld [tilespmem:s24+$0xFFFFFFD0];
	_ =	sdelay $0x2  }
0x2bd: {  	v15 =	vor.u32 v11, v15;
	_ =	sdelay $0x1  }
0x2be: {  	v13 =	vmul.f32 v16, v13;
	_ =	sdelay $0x1  }
0x2bf: {  	[tilespmem:s16+$0xFFFFFFD0] =	vst v13  }
0x2c0: {  	v13 =	vld.idx.msk [tilespmem:v15+s21+$0x0], $0xffff  }
0x2c1: {  	v15 =	vld [tilespmem:s24+$0xFFFFFFE0]  }
0x2c2: {  	v14 =	vmul.u32 $0x50, v14;
	_ =	sdelay $0x1  }
0x2c3: {  	v16 =	vadd.s32 v5, v14;
	_ =	sdelay $0x1  }
0x2c4: {  	v13 =	vmul.f32 v15, v13;
	_ =	sdelay $0x1  }
0x2c5: {  	[tilespmem:s16+$0xFFFFFFE0] =	vst v13  }
0x2c6: {  	v13 =	vld.idx.msk [tilespmem:v16+s21+$0x0], $0xffff  }
0x2c7: {  	v15 =	vld [tilespmem:s24+$0x0];
	_ =	sdelay $0x2  }
0x2c8: {  	v16 =	vadd.s32 v6, v14;
	_ =	sdelay $0x1  }
0x2c9: {  	v13 =	vmul.f32 v15, v13;
	_ =	sdelay $0x1  }
0x2ca: {  	[tilespmem:s16+$0x0] =	vst v13  }
0x2cb: {  	v13 =	vld.idx.msk [tilespmem:v16+s21+$0x0], $0xffff  }
0x2cc: {  	v15 =	vld [tilespmem:s24+$0x10];
	_ =	sdelay $0x2  }
0x2cd: {  	v16 =	vadd.s32 v7, v14;
	_ =	sdelay $0x1  }
0x2ce: {  	v13 =	vmul.f32 v15, v13;
	_ =	sdelay $0x1  }
0x2cf: {  	[tilespmem:s16+$0x10] =	vst v13  }
0x2d0: {  	v13 =	vld.idx.msk [tilespmem:v16+s21+$0x0], $0xffff  }
0x2d1: {  	v15 =	vld [tilespmem:s24+$0x20];
	_ =	sdelay $0x2  }
0x2d2: {  	v14 =	vadd.s32 v8, v14;
	_ =	sdelay $0x1  }
0x2d3: {  	v13 =	vmul.f32 v15, v13  }
0x2d4: {  	v15 =	vmov s23;
	s23 =	smov.u32 s22  }
0x2d5: {  	[tilespmem:s16+$0x20] =	vst v13;
	v13 =	vmul.u32 $0x50, v15  }
0x2d6: {  	v14 =	vld.idx.msk [tilespmem:v14+s21+$0x0], $0xffff  }
0x2d7: {  	v15 =	vld [tilespmem:s24+$0x30];
	v13 =	vadd.s32 $0x40, v13  }
0x2d8: {  	v13 =	vbroadcast v13, $0x0;
	_ =	sdelay $0x1  }
0x2d9: {  	v16 =	vor.u32 v1, v13;
	_ =	sdelay $0x1  }
0x2da: {  	v14 =	vmul.f32 v15, v14;
	_ =	sdelay $0x1  }
0x2db: {  	[tilespmem:s16+$0x30] =	vst v14  }
0x2dc: {  	v14 =	vld.idx.msk [tilespmem:v16+s21+$0x0], $0xffff  }
0x2dd: {  	v15 =	vld [tilespmem:s24+$0x50];
	_ =	sdelay $0x2  }
0x2de: {  	v16 =	vor.u32 v9, v13;
	_ =	sdelay $0x1  }
0x2df: {  	v14 =	vmul.f32 v15, v14;
	_ =	sdelay $0x1  }
0x2e0: {  	[tilespmem:s16+$0x50] =	vst v14  }
0x2e1: {  	v14 =	vld.idx.msk [tilespmem:v16+s21+$0x0], $0xffff  }
0x2e2: {  	v15 =	vld [tilespmem:s24+$0x60];
	_ =	sdelay $0x2  }
0x2e3: {  	v16 =	vor.u32 v10, v13;
	_ =	sdelay $0x1  }
0x2e4: {  	v14 =	vmul.f32 v15, v14;
	_ =	sdelay $0x1  }
0x2e5: {  	[tilespmem:s16+$0x60] =	vst v14  }
0x2e6: {  	v14 =	vld.idx.msk [tilespmem:v16+s21+$0x0], $0xffff  }
0x2e7: {  	v15 =	vld [tilespmem:s24+$0x70];
	_ =	sdelay $0x2  }
0x2e8: {  	v13 =	vor.u32 v11, v13;
	_ =	sdelay $0x1  }
0x2e9: {  	v14 =	vmul.f32 v15, v14;
	_ =	sdelay $0x1  }
0x2ea: {  	[tilespmem:s16+$0x70] =	vst v14  }
0x2eb: {  	v16 =	vld.idx.msk [tilespmem:v13+s21+$0x0], $0xffff  }
0x2ec: {  	s7 =	sadd.s32 $0xFFFFFFFD, s23;
	v17 =	vld [tilespmem:s24+$0x80]  }
.Ltmp2:
0x2ed: {  	v14 =	vor.u32 s7, v1;
	v13 =	vmov s7;
	(pc) =	sbr.rel @p0 .LBB2_7-.Ltmp2, $4  }
0x2ee: {  	v15 =	vmul.u32 $0x50, v14;
	v14 =	vshll.u32 v14, $0x4;
	v13 =	vmul.u32 $0x50, v13  }
0x2ef: {  	v14 =	vor.u32 v2, v14  }
0x2f0: {  	v15 =	vadd.s32 v4, v15  }
0x2f1: {  	s7 =	smov.u32 s25;
	v16 =	vmul.f32 v17, v16  }
0x2f2: {  	_ =	sdelay $0x2  }
0x2f3: {  	[tilespmem:s28+$0x80] =	vst v16  }
0x2f4: {  	v14 =	vld.idx.msk [tilespmem:v14+s17+$0x0], $0xffff  }
0x2f5: {  	v16 =	vld.idx.msk [tilespmem:v15+s15+$0x0], $0xffff;
	_ =	sdelay $0x4  }
0x2f6: {  	v17 =	vadd.f32 v14, v12;
	v14 =	vadd.f32 v14, v16;
	_ =	sdelay $0x1  }
0x2f7: {  	v48 =	vmul.f32 $2.000000030e-01, v17;
	v18 =	vmul.f32 $2.000000030e-01, v14;
	_ =	sdelay $0x1  }
0x2f8: {  	v16 =	vmax.f32 v17, v48;
	v14 =	vmax.f32 v14, v18  }
0x2f9: {  	v14 =	vsub.f32 v14, v16;
	_ =	sdelay $0x1  }
0x2fa: {  	v14 =	vmul.f32 $1.442695020e+00, v14;
	_ =	sdelay $0x1  }
0x2fb: {  	(erf) = vpow2.f32 v14;
	_ =	sdelay $0x1  }
0x2fc: {  	s25 =	sadd.s32 $0xFFFFFFFF, s23  }
0x2fd: {  	v14 =	vor.u32 s25, v1  }
0x2fe: {  	v49 =	vmul.u32 $0x50, v14;
	_ =	sdelay $0x1  }
0x2ff: {  	v14 =	vshll.u32 v14, $0x4;
	v16 =	vadd.s32 v4, v49  }
0x300: {  	v14 =	vor.u32 v2, v14;
	_ =	sdelay $0x1  }
0x301: {  	v50 =	vpop (erf)  }
0x302: {  	[tilespmem:v15+s21+$0x0] =	vst.idx.msk $0xffff, v50  }
0x303: {  	v15 =	vld.idx.msk [tilespmem:v16+s15+$0x0], $0xffff  }
0x304: {  	v14 =	vld.idx.msk [tilespmem:v14+s17+$0x0], $0xffff;
	_ =	sdelay $0x4  }
0x305: {  	v15 =	vadd.f32 v14, v15;
	v14 =	vadd.f32 v14, v12;
	_ =	sdelay $0x1  }
0x306: {  	v51 =	vmul.f32 $2.000000030e-01, v15;
	v52 =	vmul.f32 $2.000000030e-01, v14;
	_ =	sdelay $0x1  }
0x307: {  	v15 =	vmax.f32 v15, v51;
	v14 =	vmax.f32 v14, v52  }
0x308: {  	v14 =	vsub.f32 v15, v14;
	_ =	sdelay $0x1  }
0x309: {  	v14 =	vmul.f32 $1.442695020e+00, v14;
	_ =	sdelay $0x1  }
0x30a: {  	(erf) = vpow2.f32 v14;
	_ =	sdelay $0x5  }
0x30b: {  	v14 =	vadd.s32 v5, v13;
	_ =	sdelay $0x2  }
0x30c: {  	v15 =	vpop (erf)  }
0x30d: {  	[tilespmem:v16+s21+$0x0] =	vst.idx.msk $0xffff, v15  }
0x30e: {  	s22 =	sadd.s32 $0x140, s24;
	v14 =	vld.idx.msk [tilespmem:v14+s21+$0x0], $0xffff  }
0x30f: {  	v15 =	vld [tilespmem:s22+$0xFFFFFF60];
	_ =	sdelay $0x2  }
0x310: {  	v53 =	vadd.s32 v6, v13;
	_ =	sdelay $0x1  }
0x311: {  	v14 =	vmul.f32 v15, v14  }
0x312: {  	s16 =	sadd.s32 $0x140, s16  }
0x313: {  	[tilespmem:s16+$0xFFFFFF60] =	vst v14  }
0x314: {  	v14 =	vld.idx.msk [tilespmem:v53+s21+$0x0], $0xffff  }
0x315: {  	v15 =	vld [tilespmem:s22+$0xFFFFFF70];
	_ =	sdelay $0x2  }
0x316: {  	v54 =	vadd.s32 v7, v13;
	_ =	sdelay $0x1  }
0x317: {  	v14 =	vmul.f32 v15, v14;
	_ =	sdelay $0x1  }
0x318: {  	[tilespmem:s16+$0xFFFFFF70] =	vst v14  }
0x319: {  	v14 =	vld.idx.msk [tilespmem:v54+s21+$0x0], $0xffff  }
0x31a: {  	v15 =	vld [tilespmem:s22+$0xFFFFFF80];
	_ =	sdelay $0x2  }
0x31b: {  	v13 =	vadd.s32 v8, v13;
	_ =	sdelay $0x1  }
0x31c: {  	v14 =	vmul.f32 v15, v14  }
0x31d: {  	s7 =	sadd.s32 $0xFFFFFFFE, s23  }
0x31e: {  	v15 =	vmov s7;
	[tilespmem:s16+$0xFFFFFF80] =	vst v14  }
0x31f: {  	v14 =	vmul.u32 $0x50, v15;
	v13 =	vld.idx.msk [tilespmem:v13+s21+$0x0], $0xffff  }
0x320: {  	v15 =	vld [tilespmem:s22+$0xFFFFFF90]  }
0x321: {  	v14 =	vadd.s32 $0x40, v14  }
0x322: {  	v14 =	vbroadcast v14, $0x0;
	_ =	sdelay $0x1  }
0x323: {  	v55 =	vor.u32 v1, v14  }
0x324: {  	v13 =	vmul.f32 v15, v13;
	_ =	sdelay $0x1  }
0x325: {  	[tilespmem:s16+$0xFFFFFF90] =	vst v13  }
0x326: {  	v15 =	vld [tilespmem:s22+$0xFFFFFFB0]  }
0x327: {  	v13 =	vld.idx.msk [tilespmem:v55+s21+$0x0], $0xffff;
	_ =	sdelay $0x2  }
0x328: {  	v56 =	vor.u32 v9, v14;
	_ =	sdelay $0x1  }
0x329: {  	v13 =	vmul.f32 v15, v13;
	_ =	sdelay $0x1  }
0x32a: {  	[tilespmem:s16+$0xFFFFFFB0] =	vst v13  }
0x32b: {  	v13 =	vld.idx.msk [tilespmem:v56+s21+$0x0], $0xffff  }
0x32c: {  	v15 =	vld [tilespmem:s22+$0xFFFFFFC0];
	_ =	sdelay $0x2  }
0x32d: {  	v57 =	vor.u32 v10, v14;
	_ =	sdelay $0x1  }
0x32e: {  	v13 =	vmul.f32 v15, v13;
	_ =	sdelay $0x1  }
0x32f: {  	[tilespmem:s16+$0xFFFFFFC0] =	vst v13  }
0x330: {  	v13 =	vld.idx.msk [tilespmem:v57+s21+$0x0], $0xffff  }
0x331: {  	v15 =	vld [tilespmem:s22+$0xFFFFFFD0];
	_ =	sdelay $0x2  }
0x332: {  	v14 =	vor.u32 v11, v14;
	_ =	sdelay $0x1  }
0x333: {  	v13 =	vmul.f32 v15, v13;
	_ =	sdelay $0x1  }
0x334: {  	[tilespmem:s16+$0xFFFFFFD0] =	vst v13  }
0x335: {  	v13 =	vld.idx.msk [tilespmem:v14+s21+$0x0], $0xffff  }
0x336: {  	v14 =	vmov s25;
	v15 =	vld [tilespmem:s22+$0xFFFFFFE0]  }
0x337: {  	v14 =	vmul.u32 $0x50, v14;
	_ =	sdelay $0x1  }
0x338: {  	v58 =	vadd.s32 v5, v14;
	_ =	sdelay $0x1  }
0x339: {  	v13 =	vmul.f32 v15, v13;
	_ =	sdelay $0x1  }
0x33a: {  	[tilespmem:s16+$0xFFFFFFE0] =	vst v13  }
0x33b: {  	v13 =	vld.idx.msk [tilespmem:v58+s21+$0x0], $0xffff  }
0x33c: {  	v15 =	vld [tilespmem:s22+$0x0];
	_ =	sdelay $0x2  }
0x33d: {  	v59 =	vadd.s32 v6, v14;
	_ =	sdelay $0x1  }
0x33e: {  	v13 =	vmul.f32 v15, v13;
	_ =	sdelay $0x1  }
0x33f: {  	[tilespmem:s16+$0x0] =	vst v13  }
0x340: {  	v13 =	vld.idx.msk [tilespmem:v59+s21+$0x0], $0xffff  }
0x341: {  	v15 =	vld [tilespmem:s22+$0x10];
	_ =	sdelay $0x2  }
0x342: {  	v60 =	vadd.s32 v7, v14;
	_ =	sdelay $0x1  }
0x343: {  	v13 =	vmul.f32 v15, v13;
	_ =	sdelay $0x1  }
0x344: {  	[tilespmem:s16+$0x10] =	vst v13  }
0x345: {  	v13 =	vld.idx.msk [tilespmem:v60+s21+$0x0], $0xffff  }
0x346: {  	v15 =	vld [tilespmem:s22+$0x20];
	_ =	sdelay $0x2  }
0x347: {  	v14 =	vadd.s32 v8, v14;
	_ =	sdelay $0x1  }
0x348: {  	v13 =	vmul.f32 v15, v13;
	_ =	sdelay $0x1  }
0x349: {  	v15 =	vmov s23;
	[tilespmem:s16+$0x20] =	vst v13  }
0x34a: {  	v13 =	vmul.u32 $0x50, v15;
	v14 =	vld.idx.msk [tilespmem:v14+s21+$0x0], $0xffff  }
0x34b: {  	v15 =	vld [tilespmem:s22+$0x30]  }
0x34c: {  	v13 =	vadd.s32 $0x40, v13  }
0x34d: {  	v13 =	vbroadcast v13, $0x0;
	_ =	sdelay $0x1  }
0x34e: {  	v61 =	vor.u32 v1, v13  }
0x34f: {  	v14 =	vmul.f32 v15, v14;
	_ =	sdelay $0x1  }
0x350: {  	[tilespmem:s16+$0x30] =	vst v14  }
0x351: {  	v15 =	vld [tilespmem:s22+$0x50]  }
0x352: {  	v14 =	vld.idx.msk [tilespmem:v61+s21+$0x0], $0xffff;
	_ =	sdelay $0x2  }
0x353: {  	v62 =	vor.u32 v9, v13;
	_ =	sdelay $0x1  }
0x354: {  	v14 =	vmul.f32 v15, v14;
	_ =	sdelay $0x1  }
0x355: {  	[tilespmem:s16+$0x50] =	vst v14  }
0x356: {  	v14 =	vld.idx.msk [tilespmem:v62+s21+$0x0], $0xffff  }
0x357: {  	v15 =	vld [tilespmem:s22+$0x60];
	_ =	sdelay $0x2  }
0x358: {  	v63 =	vor.u32 v10, v13;
	_ =	sdelay $0x1  }
0x359: {  	v14 =	vmul.f32 v15, v14;
	_ =	sdelay $0x1  }
0x35a: {  	[tilespmem:s16+$0x60] =	vst v14  }
0x35b: {  	v14 =	vld.idx.msk [tilespmem:v63+s21+$0x0], $0xffff  }
0x35c: {  	v15 =	vld [tilespmem:s22+$0x70];
	_ =	sdelay $0x2  }
0x35d: {  	v13 =	vor.u32 v11, v13;
	_ =	sdelay $0x1  }
0x35e: {  	v14 =	vmul.f32 v15, v14;
	_ =	sdelay $0x1  }
0x35f: {  	[tilespmem:s16+$0x70] =	vst v14  }
0x360: {  	v13 =	vld.idx.msk [tilespmem:v13+s21+$0x0], $0xffff  }
0x361: {  	v14 =	vld [tilespmem:s22+$0x80];
	_ =	sdelay $0x1  }
0x362: {  	s26 =	sadd.s32 $0x1, s26  }
0x363: {  	p0 =	sne.s32 s26, $0x3E  }
.Ltmp3:
0x364: {  	_ = 	snop;
	(pc) =	sbr.rel @p0 .LBB2_4-.Ltmp3, $3  }
0x365: {  	v13 =	vmul.f32 v14, v13;
	_ =	sdelay $0x1  }
0x366: {  	s29 =	simm.s32 $0x190;
	[tilespmem:s16+$0x80] =	vst v13  }
0x367: {  	[spmem:s2] =	stream.indirect.scatter.add.f32 [tilespmem:s21], [sflag:$0x6], $0x50, s29, s3, $0xb8;
	[tilespmem:$0x14BF0] =	vst v63  }
0x368: {  	s22 =	simm.s32 $0x3  }
0x369: {  	_ =	swait.ge [sflag:s22], $0x1900  }
0x36a: {  	[sflag:s22] =	ssyncset.done $0x0  }
0x36b: {  	[sflag:s22] =	ssyncadd.s32 $0xFFFFE700  }
0x36c: {  	_ =	swait.ge [sflag:s22], $0x500  }
0x36d: {  	[sflag:s22] =	ssyncset.done $0x0  }
0x36e: {  	s28 =	simm.s32 $0x5;
	[sflag:s22] =	ssyncadd.s32 $0xFFFFFB00  }
0x36f: {  	_ =	swait.ge [sflag:s28], $0x1900  }
0x370: {  	[sflag:s28] =	ssyncset.done $0x0  }
0x371: {  	[sflag:s28] =	ssyncadd.s32 $0xFFFFE700  }
0x372: {  	v13 =	vld [tilespmem:$0xA0]  }
0x373: {  	v14 =	vld [tilespmem:$0xB0]  }
0x374: {  	s7 =	simm.s32 $0x0;
	v15 =	vld [tilespmem:$0xC0]  }
0x375: {  	v17 =	vor.u32 s7, v1;
	v16 =	vld [tilespmem:$0xD0]  }
0x376: {  	v19 =	vmul.u32 $0x50, v17;
	v17 =	vshll.u32 v17, $0x4;
	v18 =	vld [tilespmem:$0xE0]  }
0x377: {  	[tilespmem:$0x140] =	vst v13;
	v13 =	vor.u32 v2, v17  }
0x378: {  	[tilespmem:$0x150] =	vst v14;
	v14 =	vadd.s32 v4, v19  }
0x379: {  	[tilespmem:$0x160] =	vst v15  }
0x37a: {  	[tilespmem:$0x170] =	vst v16  }
0x37b: {  	[tilespmem:$0x180] =	vst v18  }
0x37c: {  	v13 =	vld.idx.msk [tilespmem:v13+s10+$0x0], $0xffff  }
0x37d: {  	v15 =	vld.idx.msk [tilespmem:v14+s9+$0x0], $0xffff;
	_ =	sdelay $0x4  }
0x37e: {  	v16 =	vadd.f32 v13, v12;
	v13 =	vadd.f32 v13, v15;
	_ =	sdelay $0x1  }
0x37f: {  	v15 =	vmul.f32 $2.000000030e-01, v16;
	v17 =	vmul.f32 $2.000000030e-01, v13;
	_ =	sdelay $0x1  }
0x380: {  	v15 =	vmax.f32 v16, v15;
	v13 =	vmax.f32 v13, v17  }
0x381: {  	v13 =	vsub.f32 v13, v15;
	_ =	sdelay $0x1  }
0x382: {  	v13 =	vmul.f32 $1.442695020e+00, v13;
	_ =	sdelay $0x1  }
0x383: {  	(erf) = vpow2.f32 v13;
	_ =	sdelay $0x1  }
0x384: {  	s23 =	simm.s32 $0x2  }
0x385: {  	v13 =	vor.u32 s23, v1  }
0x386: {  	v15 =	vmul.u32 $0x50, v13;
	_ =	sdelay $0x1  }
0x387: {  	v13 =	vshll.u32 v13, $0x4;
	v15 =	vadd.s32 v4, v15  }
0x388: {  	v13 =	vor.u32 v2, v13;
	_ =	sdelay $0x1  }
0x389: {  	v16 =	vpop (erf)  }
0x38a: {  	[tilespmem:v14+s18+$0x0] =	vst.idx.msk $0xffff, v16  }
0x38b: {  	v14 =	vld.idx.msk [tilespmem:v15+s9+$0x0], $0xffff  }
0x38c: {  	v13 =	vld.idx.msk [tilespmem:v13+s10+$0x0], $0xffff;
	_ =	sdelay $0x4  }
0x38d: {  	v14 =	vadd.f32 v13, v14;
	v13 =	vadd.f32 v13, v12;
	_ =	sdelay $0x1  }
0x38e: {  	v16 =	vmul.f32 $2.000000030e-01, v14;
	v17 =	vmul.f32 $2.000000030e-01, v13;
	_ =	sdelay $0x1  }
0x38f: {  	v14 =	vmax.f32 v14, v16;
	v13 =	vmax.f32 v13, v17  }
0x390: {  	v13 =	vsub.f32 v14, v13;
	_ =	sdelay $0x1  }
0x391: {  	v13 =	vmul.f32 $1.442695020e+00, v13;
	_ =	sdelay $0x1  }
0x392: {  	(erf) = vpow2.f32 v13;
	_ =	sdelay $0x2  }
0x393: {  	v13 =	vmov s7  }
0x394: {  	v13 =	vmul.u32 $0x50, v13;
	_ =	sdelay $0x1  }
0x395: {  	v14 =	vadd.s32 v5, v13;
	_ =	sdelay $0x2  }
0x396: {  	v16 =	vpop (erf)  }
0x397: {  	[tilespmem:v15+s18+$0x0] =	vst.idx.msk $0xffff, v16  }
0x398: {  	s24 =	simm.s32 $0x280;
	v14 =	vld.idx.msk [tilespmem:v14+s18+$0x0], $0xffff  }
0x399: {  	v15 =	vld [tilespmem:s24+$0xFFFFFF60];
	_ =	sdelay $0x2  }
0x39a: {  	v16 =	vadd.s32 v6, v13;
	_ =	sdelay $0x1  }
0x39b: {  	v14 =	vmul.f32 v15, v14  }
0x39c: {  	s16 =	simm.s32 $0x3E80  }
0x39d: {  	[tilespmem:s16+$0xFFFFFF60] =	vst v14  }
0x39e: {  	v14 =	vld.idx.msk [tilespmem:v16+s18+$0x0], $0xffff  }
0x39f: {  	v15 =	vld [tilespmem:s24+$0xFFFFFF70];
	_ =	sdelay $0x2  }
0x3a0: {  	v16 =	vadd.s32 v7, v13;
	_ =	sdelay $0x1  }
0x3a1: {  	v14 =	vmul.f32 v15, v14;
	_ =	sdelay $0x1  }
0x3a2: {  	[tilespmem:s16+$0xFFFFFF70] =	vst v14  }
0x3a3: {  	v14 =	vld.idx.msk [tilespmem:v16+s18+$0x0], $0xffff  }
0x3a4: {  	v15 =	vld [tilespmem:s24+$0xFFFFFF80];
	_ =	sdelay $0x2  }
0x3a5: {  	v13 =	vadd.s32 v8, v13;
	_ =	sdelay $0x1  }
0x3a6: {  	v14 =	vmul.f32 v15, v14  }
0x3a7: {  	s26 =	simm.s32 $0x1  }
0x3a8: {  	v15 =	vmov s26;
	[tilespmem:s16+$0xFFFFFF80] =	vst v14  }
0x3a9: {  	v14 =	vmul.u32 $0x50, v15;
	v13 =	vld.idx.msk [tilespmem:v13+s18+$0x0], $0xffff  }
0x3aa: {  	v15 =	vld [tilespmem:s24+$0xFFFFFF90]  }
0x3ab: {  	v14 =	vadd.s32 $0x40, v14  }
0x3ac: {  	v14 =	vbroadcast v14, $0x0;
	_ =	sdelay $0x1  }
0x3ad: {  	v16 =	vor.u32 v1, v14  }
0x3ae: {  	v13 =	vmul.f32 v15, v13;
	_ =	sdelay $0x1  }
0x3af: {  	[tilespmem:s16+$0xFFFFFF90] =	vst v13  }
0x3b0: {  	v15 =	vld [tilespmem:s24+$0xFFFFFFB0]  }
0x3b1: {  	v13 =	vld.idx.msk [tilespmem:v16+s18+$0x0], $0xffff;
	_ =	sdelay $0x2  }
0x3b2: {  	v16 =	vor.u32 v9, v14;
	_ =	sdelay $0x1  }
0x3b3: {  	v13 =	vmul.f32 v15, v13;
	_ =	sdelay $0x1  }
0x3b4: {  	[tilespmem:s16+$0xFFFFFFB0] =	vst v13  }
0x3b5: {  	v13 =	vld.idx.msk [tilespmem:v16+s18+$0x0], $0xffff  }
0x3b6: {  	v15 =	vld [tilespmem:s24+$0xFFFFFFC0];
	_ =	sdelay $0x2  }
0x3b7: {  	v16 =	vor.u32 v10, v14;
	_ =	sdelay $0x1  }
0x3b8: {  	v13 =	vmul.f32 v15, v13;
	_ =	sdelay $0x1  }
0x3b9: {  	[tilespmem:s16+$0xFFFFFFC0] =	vst v13  }
0x3ba: {  	v13 =	vld.idx.msk [tilespmem:v16+s18+$0x0], $0xffff  }
0x3bb: {  	v15 =	vld [tilespmem:s24+$0xFFFFFFD0];
	_ =	sdelay $0x2  }
0x3bc: {  	v14 =	vor.u32 v11, v14;
	_ =	sdelay $0x1  }
0x3bd: {  	v13 =	vmul.f32 v15, v13;
	_ =	sdelay $0x1  }
0x3be: {  	[tilespmem:s16+$0xFFFFFFD0] =	vst v13  }
0x3bf: {  	v13 =	vld.idx.msk [tilespmem:v14+s18+$0x0], $0xffff  }
0x3c0: {  	v14 =	vmov s23;
	v15 =	vld [tilespmem:s24+$0xFFFFFFE0]  }
0x3c1: {  	v14 =	vmul.u32 $0x50, v14;
	_ =	sdelay $0x1  }
0x3c2: {  	v16 =	vadd.s32 v5, v14;
	_ =	sdelay $0x1  }
0x3c3: {  	v13 =	vmul.f32 v15, v13;
	_ =	sdelay $0x1  }
0x3c4: {  	[tilespmem:s16+$0xFFFFFFE0] =	vst v13  }
0x3c5: {  	v13 =	vld.idx.msk [tilespmem:v16+s18+$0x0], $0xffff  }
0x3c6: {  	v15 =	vld [tilespmem:s24+$0x0];
	_ =	sdelay $0x2  }
0x3c7: {  	v16 =	vadd.s32 v6, v14;
	_ =	sdelay $0x1  }
0x3c8: {  	v13 =	vmul.f32 v15, v13;
	_ =	sdelay $0x1  }
0x3c9: {  	[tilespmem:s16+$0x0] =	vst v13  }
0x3ca: {  	v13 =	vld.idx.msk [tilespmem:v16+s18+$0x0], $0xffff  }
0x3cb: {  	v15 =	vld [tilespmem:s24+$0x10];
	_ =	sdelay $0x2  }
0x3cc: {  	v16 =	vadd.s32 v7, v14;
	_ =	sdelay $0x1  }
0x3cd: {  	v13 =	vmul.f32 v15, v13;
	_ =	sdelay $0x1  }
0x3ce: {  	[tilespmem:s16+$0x10] =	vst v13  }
0x3cf: {  	v13 =	vld.idx.msk [tilespmem:v16+s18+$0x0], $0xffff  }
0x3d0: {  	v15 =	vld [tilespmem:s24+$0x20];
	_ =	sdelay $0x2  }
0x3d1: {  	v14 =	vadd.s32 v8, v14;
	_ =	sdelay $0x1  }
0x3d2: {  	v13 =	vmul.f32 v15, v13;
	_ =	sdelay $0x1  }
0x3d3: {  	v15 =	vmov s22;
	[tilespmem:s16+$0x20] =	vst v13  }
0x3d4: {  	v13 =	vmul.u32 $0x50, v15;
	v14 =	vld.idx.msk [tilespmem:v14+s18+$0x0], $0xffff  }
0x3d5: {  	v15 =	vld [tilespmem:s24+$0x30]  }
0x3d6: {  	v13 =	vadd.s32 $0x40, v13  }
0x3d7: {  	v13 =	vbroadcast v13, $0x0;
	_ =	sdelay $0x1  }
0x3d8: {  	v16 =	vor.u32 v1, v13  }
0x3d9: {  	v14 =	vmul.f32 v15, v14;
	_ =	sdelay $0x1  }
0x3da: {  	[tilespmem:s16+$0x30] =	vst v14  }
0x3db: {  	v15 =	vld [tilespmem:s24+$0x50]  }
0x3dc: {  	v14 =	vld.idx.msk [tilespmem:v16+s18+$0x0], $0xffff;
	_ =	sdelay $0x2  }
0x3dd: {  	v16 =	vor.u32 v9, v13;
	_ =	sdelay $0x1  }
0x3de: {  	v14 =	vmul.f32 v15, v14;
	_ =	sdelay $0x1  }
0x3df: {  	[tilespmem:s16+$0x50] =	vst v14  }
0x3e0: {  	v14 =	vld.idx.msk [tilespmem:v16+s18+$0x0], $0xffff  }
0x3e1: {  	v15 =	vld [tilespmem:s24+$0x60];
	_ =	sdelay $0x2  }
0x3e2: {  	v16 =	vor.u32 v10, v13;
	_ =	sdelay $0x1  }
0x3e3: {  	v14 =	vmul.f32 v15, v14;
	_ =	sdelay $0x1  }
0x3e4: {  	[tilespmem:s16+$0x60] =	vst v14  }
0x3e5: {  	v14 =	vld.idx.msk [tilespmem:v16+s18+$0x0], $0xffff  }
0x3e6: {  	v15 =	vld [tilespmem:s24+$0x70];
	_ =	sdelay $0x2  }
0x3e7: {  	v13 =	vor.u32 v11, v13;
	_ =	sdelay $0x1  }
0x3e8: {  	v14 =	vmul.f32 v15, v14;
	_ =	sdelay $0x1  }
0x3e9: {  	[tilespmem:s16+$0x70] =	vst v14  }
0x3ea: {  	v16 =	vld.idx.msk [tilespmem:v13+s18+$0x0], $0xffff  }
0x3eb: {  	v17 =	vld [tilespmem:s24+$0x80]  }
0x3ec: {  	s29 =	simm.s32 $0x4  }
0x3ed: {  	v13 =	vor.u32 s29, v1  }
0x3ee: {  	v14 =	vmov s29;
	v15 =	vmul.u32 $0x50, v13;
	v18 =	vshll.u32 v13, $0x4  }
0x3ef: {  	v13 =	vmul.u32 $0x50, v14;
	v14 =	vor.u32 v2, v18  }
0x3f0: {  	s7 =	simm.s32 $0xB;
	s26 =	simm.s32 $0x3E80;
	s23 =	simm.s32 $0x7;
	v15 =	vadd.s32 v4, v15;
	v16 =	vmul.f32 v17, v16  }
.LBB2_10:
0x3f1: {  	s16 =	sadd.s32 $0x140, s16  }
0x3f2: {  	s24 =	sadd.s32 $0x140, s24;
	s22 =	smov.u32 s7;
	s25 =	sadd.s32 $0x4, s7  }
0x3f3: {  	p0 =	sne.s32 s7, $0x4F;
	[tilespmem:s26+$0x80] =	vst v16;
	s26 =	smov.u32 s16  }
0x3f4: {  	v14 =	vld.idx.msk [tilespmem:v14+s10+$0x0], $0xffff  }
0x3f5: {  	v16 =	vld.idx.msk [tilespmem:v15+s9+$0x0], $0xffff;
	_ =	sdelay $0x4  }
0x3f6: {  	v17 =	vadd.f32 v14, v12  }
0x3f7: {  	v14 =	vadd.f32 v14, v16  }
0x3f8: {  	v16 =	vmul.f32 $2.000000030e-01, v17  }
0x3f9: {  	v18 =	vmul.f32 $2.000000030e-01, v14  }
0x3fa: {  	v16 =	vmax.f32 v17, v16  }
0x3fb: {  	v14 =	vmax.f32 v14, v18  }
0x3fc: {  	v14 =	vsub.f32 v14, v16;
	_ =	sdelay $0x1  }
0x3fd: {  	v14 =	vmul.f32 $1.442695020e+00, v14;
	_ =	sdelay $0x1  }
0x3fe: {  	(erf) = vpow2.f32 v14;
	_ =	sdelay $0x1  }
0x3ff: {  	s7 =	sadd.s32 $0xFFFFFFFF, s23  }
0x400: {  	v16 =	vor.u32 s7, v1;
	v14 =	vmov s7  }
0x401: {  	v17 =	vmul.u32 $0x50, v16;
	v16 =	vshll.u32 v16, $0x4;
	_ =	sdelay $0x1  }
0x402: {  	v16 =	vor.u32 v2, v16;
	v17 =	vadd.s32 v4, v17;
	_ =	sdelay $0x2  }
0x403: {  	v18 =	vpop (erf)  }
0x404: {  	[tilespmem:v15+s18+$0x0] =	vst.idx.msk $0xffff, v18  }
0x405: {  	v15 =	vld.idx.msk [tilespmem:v17+s9+$0x0], $0xffff  }
0x406: {  	v16 =	vld.idx.msk [tilespmem:v16+s10+$0x0], $0xffff;
	_ =	sdelay $0x5  }
0x407: {  	v15 =	vadd.f32 v16, v15;
	v16 =	vadd.f32 v16, v12;
	_ =	sdelay $0x1  }
0x408: {  	v18 =	vmul.f32 $2.000000030e-01, v15;
	v19 =	vmul.f32 $2.000000030e-01, v16;
	_ =	sdelay $0x1  }
0x409: {  	v15 =	vmax.f32 v15, v18;
	v16 =	vmax.f32 v16, v19  }
0x40a: {  	v15 =	vsub.f32 v15, v16;
	_ =	sdelay $0x1  }
0x40b: {  	v15 =	vmul.f32 $1.442695020e+00, v15;
	_ =	sdelay $0x1  }
0x40c: {  	(erf) = vpow2.f32 v15;
	_ =	sdelay $0x5  }
0x40d: {  	v15 =	vadd.s32 v5, v13;
	_ =	sdelay $0x2  }
0x40e: {  	v16 =	vpop (erf)  }
0x40f: {  	[tilespmem:v17+s18+$0x0] =	vst.idx.msk $0xffff, v16  }
0x410: {  	v15 =	vld.idx.msk [tilespmem:v15+s18+$0x0], $0xffff  }
0x411: {  	v16 =	vld [tilespmem:s24+$0xFFFFFF60];
	_ =	sdelay $0x2  }
0x412: {  	v17 =	vadd.s32 v6, v13;
	_ =	sdelay $0x1  }
0x413: {  	v15 =	vmul.f32 v16, v15;
	_ =	sdelay $0x1  }
0x414: {  	[tilespmem:s16+$0xFFFFFF60] =	vst v15  }
0x415: {  	v15 =	vld.idx.msk [tilespmem:v17+s18+$0x0], $0xffff  }
0x416: {  	v16 =	vld [tilespmem:s24+$0xFFFFFF70];
	_ =	sdelay $0x2  }
0x417: {  	v17 =	vadd.s32 v7, v13;
	_ =	sdelay $0x1  }
0x418: {  	v15 =	vmul.f32 v16, v15;
	_ =	sdelay $0x1  }
0x419: {  	[tilespmem:s16+$0xFFFFFF70] =	vst v15  }
0x41a: {  	v15 =	vld.idx.msk [tilespmem:v17+s18+$0x0], $0xffff  }
0x41b: {  	v16 =	vld [tilespmem:s24+$0xFFFFFF80];
	_ =	sdelay $0x2  }
0x41c: {  	v13 =	vadd.s32 v8, v13;
	_ =	sdelay $0x1  }
0x41d: {  	s7 =	sadd.s32 $0xFFFFFFFE, s23;
	v15 =	vmul.f32 v16, v15  }
0x41e: {  	v16 =	vmov s7  }
0x41f: {  	[tilespmem:s16+$0xFFFFFF80] =	vst v15;
	v15 =	vmul.u32 $0x50, v16  }
0x420: {  	v13 =	vld.idx.msk [tilespmem:v13+s18+$0x0], $0xffff  }
0x421: {  	v16 =	vld [tilespmem:s24+$0xFFFFFF90];
	v15 =	vadd.s32 $0x40, v15  }
0x422: {  	v15 =	vbroadcast v15, $0x0;
	_ =	sdelay $0x1  }
0x423: {  	v17 =	vor.u32 v1, v15;
	_ =	sdelay $0x1  }
0x424: {  	v13 =	vmul.f32 v16, v13;
	_ =	sdelay $0x1  }
0x425: {  	[tilespmem:s16+$0xFFFFFF90] =	vst v13  }
0x426: {  	v13 =	vld.idx.msk [tilespmem:v17+s18+$0x0], $0xffff  }
0x427: {  	v16 =	vld [tilespmem:s24+$0xFFFFFFB0];
	_ =	sdelay $0x2  }
0x428: {  	v17 =	vor.u32 v9, v15;
	_ =	sdelay $0x1  }
0x429: {  	v13 =	vmul.f32 v16, v13;
	_ =	sdelay $0x1  }
0x42a: {  	[tilespmem:s16+$0xFFFFFFB0] =	vst v13  }
0x42b: {  	v13 =	vld.idx.msk [tilespmem:v17+s18+$0x0], $0xffff  }
0x42c: {  	v16 =	vld [tilespmem:s24+$0xFFFFFFC0];
	_ =	sdelay $0x2  }
0x42d: {  	v17 =	vor.u32 v10, v15;
	_ =	sdelay $0x1  }
0x42e: {  	v13 =	vmul.f32 v16, v13;
	_ =	sdelay $0x1  }
0x42f: {  	[tilespmem:s16+$0xFFFFFFC0] =	vst v13  }
0x430: {  	v13 =	vld.idx.msk [tilespmem:v17+s18+$0x0], $0xffff  }
0x431: {  	v16 =	vld [tilespmem:s24+$0xFFFFFFD0];
	_ =	sdelay $0x2  }
0x432: {  	v15 =	vor.u32 v11, v15;
	_ =	sdelay $0x1  }
0x433: {  	v13 =	vmul.f32 v16, v13;
	_ =	sdelay $0x1  }
0x434: {  	[tilespmem:s16+$0xFFFFFFD0] =	vst v13  }
0x435: {  	v13 =	vld.idx.msk [tilespmem:v15+s18+$0x0], $0xffff  }
0x436: {  	v15 =	vld [tilespmem:s24+$0xFFFFFFE0]  }
0x437: {  	v14 =	vmul.u32 $0x50, v14;
	_ =	sdelay $0x1  }
0x438: {  	v16 =	vadd.s32 v5, v14;
	_ =	sdelay $0x1  }
0x439: {  	v13 =	vmul.f32 v15, v13;
	_ =	sdelay $0x1  }
0x43a: {  	[tilespmem:s16+$0xFFFFFFE0] =	vst v13  }
0x43b: {  	v13 =	vld.idx.msk [tilespmem:v16+s18+$0x0], $0xffff  }
0x43c: {  	v15 =	vld [tilespmem:s24+$0x0];
	_ =	sdelay $0x2  }
0x43d: {  	v16 =	vadd.s32 v6, v14;
	_ =	sdelay $0x1  }
0x43e: {  	v13 =	vmul.f32 v15, v13;
	_ =	sdelay $0x1  }
0x43f: {  	[tilespmem:s16+$0x0] =	vst v13  }
0x440: {  	v13 =	vld.idx.msk [tilespmem:v16+s18+$0x0], $0xffff  }
0x441: {  	v15 =	vld [tilespmem:s24+$0x10];
	_ =	sdelay $0x2  }
0x442: {  	v16 =	vadd.s32 v7, v14;
	_ =	sdelay $0x1  }
0x443: {  	v13 =	vmul.f32 v15, v13;
	_ =	sdelay $0x1  }
0x444: {  	[tilespmem:s16+$0x10] =	vst v13  }
0x445: {  	v13 =	vld.idx.msk [tilespmem:v16+s18+$0x0], $0xffff  }
0x446: {  	v15 =	vld [tilespmem:s24+$0x20];
	_ =	sdelay $0x2  }
0x447: {  	v14 =	vadd.s32 v8, v14;
	_ =	sdelay $0x1  }
0x448: {  	v13 =	vmul.f32 v15, v13  }
0x449: {  	v15 =	vmov s23;
	s23 =	smov.u32 s22  }
0x44a: {  	[tilespmem:s16+$0x20] =	vst v13;
	v13 =	vmul.u32 $0x50, v15  }
0x44b: {  	v14 =	vld.idx.msk [tilespmem:v14+s18+$0x0], $0xffff  }
0x44c: {  	v15 =	vld [tilespmem:s24+$0x30];
	v13 =	vadd.s32 $0x40, v13  }
0x44d: {  	v13 =	vbroadcast v13, $0x0;
	_ =	sdelay $0x1  }
0x44e: {  	v16 =	vor.u32 v1, v13;
	_ =	sdelay $0x1  }
0x44f: {  	v14 =	vmul.f32 v15, v14;
	_ =	sdelay $0x1  }
0x450: {  	[tilespmem:s16+$0x30] =	vst v14  }
0x451: {  	v14 =	vld.idx.msk [tilespmem:v16+s18+$0x0], $0xffff  }
0x452: {  	v15 =	vld [tilespmem:s24+$0x50];
	_ =	sdelay $0x2  }
0x453: {  	v16 =	vor.u32 v9, v13;
	_ =	sdelay $0x1  }
0x454: {  	v14 =	vmul.f32 v15, v14;
	_ =	sdelay $0x1  }
0x455: {  	[tilespmem:s16+$0x50] =	vst v14  }
0x456: {  	v14 =	vld.idx.msk [tilespmem:v16+s18+$0x0], $0xffff  }
0x457: {  	v15 =	vld [tilespmem:s24+$0x60];
	_ =	sdelay $0x2  }
0x458: {  	v16 =	vor.u32 v10, v13;
	_ =	sdelay $0x1  }
0x459: {  	v14 =	vmul.f32 v15, v14;
	_ =	sdelay $0x1  }
0x45a: {  	[tilespmem:s16+$0x60] =	vst v14  }
0x45b: {  	v14 =	vld.idx.msk [tilespmem:v16+s18+$0x0], $0xffff  }
0x45c: {  	v15 =	vld [tilespmem:s24+$0x70];
	_ =	sdelay $0x2  }
0x45d: {  	v13 =	vor.u32 v11, v13;
	_ =	sdelay $0x1  }
0x45e: {  	v14 =	vmul.f32 v15, v14;
	_ =	sdelay $0x1  }
0x45f: {  	[tilespmem:s16+$0x70] =	vst v14  }
0x460: {  	v16 =	vld.idx.msk [tilespmem:v13+s18+$0x0], $0xffff  }
0x461: {  	s7 =	sadd.s32 $0xFFFFFFFD, s23;
	v17 =	vld [tilespmem:s24+$0x80]  }
.Ltmp4:
0x462: {  	v14 =	vor.u32 s7, v1;
	v13 =	vmov s7;
	(pc) =	sbr.rel @p0 .LBB2_10-.Ltmp4, $4  }
0x463: {  	v15 =	vmul.u32 $0x50, v14;
	v14 =	vshll.u32 v14, $0x4;
	v13 =	vmul.u32 $0x50, v13  }
0x464: {  	v14 =	vor.u32 v2, v14  }
0x465: {  	v15 =	vadd.s32 v4, v15  }
0x466: {  	s7 =	smov.u32 s25;
	v16 =	vmul.f32 v17, v16  }
0x467: {  	_ =	sdelay $0x2  }
0x468: {  	[tilespmem:s26+$0x80] =	vst v16  }
0x469: {  	v14 =	vld.idx.msk [tilespmem:v14+s10+$0x0], $0xffff  }
0x46a: {  	v16 =	vld.idx.msk [tilespmem:v15+s9+$0x0], $0xffff;
	_ =	sdelay $0x4  }
0x46b: {  	v17 =	vadd.f32 v14, v12;
	v14 =	vadd.f32 v14, v16;
	_ =	sdelay $0x1  }
0x46c: {  	v24 =	vmul.f32 $2.000000030e-01, v17;
	v18 =	vmul.f32 $2.000000030e-01, v14;
	_ =	sdelay $0x1  }
0x46d: {  	v16 =	vmax.f32 v17, v24;
	v14 =	vmax.f32 v14, v18  }
0x46e: {  	v14 =	vsub.f32 v14, v16;
	_ =	sdelay $0x1  }
0x46f: {  	v14 =	vmul.f32 $1.442695020e+00, v14;
	_ =	sdelay $0x1  }
0x470: {  	(erf) = vpow2.f32 v14;
	_ =	sdelay $0x1  }
0x471: {  	s25 =	sadd.s32 $0xFFFFFFFF, s23  }
0x472: {  	v25 =	vor.u32 s25, v1  }
0x473: {  	v26 =	vmul.u32 $0x50, v25;
	_ =	sdelay $0x1  }
0x474: {  	v16 =	vadd.s32 v4, v26;
	v14 =	vshll.u32 v25, $0x4  }
0x475: {  	v14 =	vor.u32 v2, v14;
	_ =	sdelay $0x1  }
0x476: {  	v27 =	vpop (erf)  }
0x477: {  	[tilespmem:v15+s18+$0x0] =	vst.idx.msk $0xffff, v27  }
0x478: {  	v15 =	vld.idx.msk [tilespmem:v16+s9+$0x0], $0xffff  }
0x479: {  	v14 =	vld.idx.msk [tilespmem:v14+s10+$0x0], $0xffff;
	_ =	sdelay $0x4  }
0x47a: {  	v15 =	vadd.f32 v14, v15;
	v28 =	vadd.f32 v14, v12;
	_ =	sdelay $0x1  }
0x47b: {  	v29 =	vmul.f32 $2.000000030e-01, v15;
	v30 =	vmul.f32 $2.000000030e-01, v28;
	_ =	sdelay $0x1  }
0x47c: {  	v14 =	vmax.f32 v15, v29;
	v12 =	vmax.f32 v28, v30  }
0x47d: {  	v12 =	vsub.f32 v14, v12;
	_ =	sdelay $0x1  }
0x47e: {  	v12 =	vmul.f32 $1.442695020e+00, v12;
	_ =	sdelay $0x1  }
0x47f: {  	(erf) = vpow2.f32 v12;
	_ =	sdelay $0x5  }
0x480: {  	v31 =	vadd.s32 v5, v13;
	_ =	sdelay $0x2  }
0x481: {  	v32 =	vpop (erf)  }
0x482: {  	[tilespmem:v16+s18+$0x0] =	vst.idx.msk $0xffff, v32  }
0x483: {  	s22 =	sadd.s32 $0x140, s24;
	v12 =	vld.idx.msk [tilespmem:v31+s18+$0x0], $0xffff  }
0x484: {  	v14 =	vld [tilespmem:s22+$0xFFFFFF60];
	_ =	sdelay $0x2  }
0x485: {  	v33 =	vadd.s32 v6, v13;
	_ =	sdelay $0x1  }
0x486: {  	v12 =	vmul.f32 v14, v12  }
0x487: {  	s16 =	sadd.s32 $0x140, s16  }
0x488: {  	[tilespmem:s16+$0xFFFFFF60] =	vst v12  }
0x489: {  	v12 =	vld.idx.msk [tilespmem:v33+s18+$0x0], $0xffff  }
0x48a: {  	v34 =	vld [tilespmem:s22+$0xFFFFFF70];
	_ =	sdelay $0x2  }
0x48b: {  	v35 =	vadd.s32 v7, v13;
	_ =	sdelay $0x1  }
0x48c: {  	v12 =	vmul.f32 v34, v12;
	_ =	sdelay $0x1  }
0x48d: {  	[tilespmem:s16+$0xFFFFFF70] =	vst v12  }
0x48e: {  	v12 =	vld.idx.msk [tilespmem:v35+s18+$0x0], $0xffff  }
0x48f: {  	v36 =	vld [tilespmem:s22+$0xFFFFFF80];
	_ =	sdelay $0x2  }
0x490: {  	v37 =	vadd.s32 v8, v13;
	_ =	sdelay $0x1  }
0x491: {  	s7 =	sadd.s32 $0xFFFFFFFE, s23;
	v12 =	vmul.f32 v36, v12  }
0x492: {  	v38 =	vmov s7  }
0x493: {  	v39 =	vmul.u32 $0x50, v38;
	[tilespmem:s16+$0xFFFFFF80] =	vst v12  }
0x494: {  	v13 =	vld.idx.msk [tilespmem:v37+s18+$0x0], $0xffff  }
0x495: {  	v12 =	vadd.s32 $0x40, v39;
	v40 =	vld [tilespmem:s22+$0xFFFFFF90]  }
0x496: {  	v12 =	vbroadcast v12, $0x0;
	_ =	sdelay $0x1  }
0x497: {  	v41 =	vor.u32 v1, v12;
	_ =	sdelay $0x1  }
0x498: {  	v13 =	vmul.f32 v40, v13;
	_ =	sdelay $0x1  }
0x499: {  	[tilespmem:s16+$0xFFFFFF90] =	vst v13  }
0x49a: {  	v13 =	vld.idx.msk [tilespmem:v41+s18+$0x0], $0xffff  }
0x49b: {  	v42 =	vld [tilespmem:s22+$0xFFFFFFB0];
	_ =	sdelay $0x2  }
0x49c: {  	v43 =	vor.u32 v9, v12;
	_ =	sdelay $0x1  }
0x49d: {  	v13 =	vmul.f32 v42, v13;
	_ =	sdelay $0x1  }
0x49e: {  	[tilespmem:s16+$0xFFFFFFB0] =	vst v13  }
0x49f: {  	v13 =	vld.idx.msk [tilespmem:v43+s18+$0x0], $0xffff  }
0x4a0: {  	v44 =	vld [tilespmem:s22+$0xFFFFFFC0];
	_ =	sdelay $0x2  }
0x4a1: {  	v45 =	vor.u32 v10, v12;
	_ =	sdelay $0x1  }
0x4a2: {  	v13 =	vmul.f32 v44, v13;
	_ =	sdelay $0x1  }
0x4a3: {  	[tilespmem:s16+$0xFFFFFFC0] =	vst v13  }
0x4a4: {  	v13 =	vld.idx.msk [tilespmem:v45+s18+$0x0], $0xffff  }
0x4a5: {  	v46 =	vld [tilespmem:s22+$0xFFFFFFD0];
	_ =	sdelay $0x2  }
0x4a6: {  	v12 =	vor.u32 v11, v12;
	_ =	sdelay $0x1  }
0x4a7: {  	v13 =	vmul.f32 v46, v13;
	_ =	sdelay $0x1  }
0x4a8: {  	[tilespmem:s16+$0xFFFFFFD0] =	vst v13  }
0x4a9: {  	v12 =	vld.idx.msk [tilespmem:v12+s18+$0x0], $0xffff  }
0x4aa: {  	v47 =	vmov s25;
	v48 =	vld [tilespmem:s22+$0xFFFFFFE0]  }
0x4ab: {  	v13 =	vmul.u32 $0x50, v47;
	_ =	sdelay $0x1  }
0x4ac: {  	v49 =	vadd.s32 v5, v13;
	_ =	sdelay $0x1  }
0x4ad: {  	v12 =	vmul.f32 v48, v12;
	_ =	sdelay $0x1  }
0x4ae: {  	[tilespmem:s16+$0xFFFFFFE0] =	vst v12  }
0x4af: {  	v12 =	vld.idx.msk [tilespmem:v49+s18+$0x0], $0xffff  }
0x4b0: {  	v50 =	vld [tilespmem:s22+$0x0];
	_ =	sdelay $0x2  }
0x4b1: {  	v51 =	vadd.s32 v6, v13;
	_ =	sdelay $0x1  }
0x4b2: {  	v12 =	vmul.f32 v50, v12;
	_ =	sdelay $0x1  }
0x4b3: {  	[tilespmem:s16+$0x0] =	vst v12  }
0x4b4: {  	v12 =	vld.idx.msk [tilespmem:v51+s18+$0x0], $0xffff  }
0x4b5: {  	v52 =	vld [tilespmem:s22+$0x10];
	_ =	sdelay $0x2  }
0x4b6: {  	v53 =	vadd.s32 v7, v13;
	_ =	sdelay $0x1  }
0x4b7: {  	v12 =	vmul.f32 v52, v12;
	_ =	sdelay $0x1  }
0x4b8: {  	[tilespmem:s16+$0x10] =	vst v12  }
0x4b9: {  	v12 =	vld.idx.msk [tilespmem:v53+s18+$0x0], $0xffff  }
0x4ba: {  	v54 =	vld [tilespmem:s22+$0x20];
	_ =	sdelay $0x2  }
0x4bb: {  	v13 =	vadd.s32 v8, v13;
	_ =	sdelay $0x1  }
0x4bc: {  	v12 =	vmul.f32 v54, v12  }
0x4bd: {  	v55 =	vmov s23  }
0x4be: {  	v56 =	vmul.u32 $0x50, v55;
	[tilespmem:s16+$0x20] =	vst v12  }
0x4bf: {  	v13 =	vld.idx.msk [tilespmem:v13+s18+$0x0], $0xffff  }
0x4c0: {  	v12 =	vadd.s32 $0x40, v56;
	v57 =	vld [tilespmem:s22+$0x30]  }
0x4c1: {  	v12 =	vbroadcast v12, $0x0;
	_ =	sdelay $0x1  }
0x4c2: {  	v58 =	vor.u32 v1, v12;
	_ =	sdelay $0x1  }
0x4c3: {  	v13 =	vmul.f32 v57, v13;
	_ =	sdelay $0x1  }
0x4c4: {  	[tilespmem:s16+$0x30] =	vst v13  }
0x4c5: {  	v13 =	vld.idx.msk [tilespmem:v58+s18+$0x0], $0xffff  }
0x4c6: {  	v59 =	vld [tilespmem:s22+$0x50];
	_ =	sdelay $0x2  }
0x4c7: {  	v60 =	vor.u32 v9, v12;
	_ =	sdelay $0x1  }
0x4c8: {  	v13 =	vmul.f32 v59, v13;
	_ =	sdelay $0x1  }
0x4c9: {  	[tilespmem:s16+$0x50] =	vst v13  }
0x4ca: {  	v13 =	vld.idx.msk [tilespmem:v60+s18+$0x0], $0xffff  }
0x4cb: {  	v61 =	vld [tilespmem:s22+$0x60];
	_ =	sdelay $0x2  }
0x4cc: {  	v62 =	vor.u32 v10, v12;
	_ =	sdelay $0x1  }
0x4cd: {  	v13 =	vmul.f32 v61, v13;
	_ =	sdelay $0x1  }
0x4ce: {  	[tilespmem:s16+$0x60] =	vst v13  }
0x4cf: {  	v13 =	vld.idx.msk [tilespmem:v62+s18+$0x0], $0xffff  }
0x4d0: {  	v63 =	vld [tilespmem:s22+$0x70];
	_ =	sdelay $0x2  }
0x4d1: {  	v12 =	vor.u32 v11, v12;
	_ =	sdelay $0x1  }
0x4d2: {  	v13 =	vmul.f32 v63, v13;
	_ =	sdelay $0x1  }
0x4d3: {  	[tilespmem:s16+$0x70] =	vst v13  }
0x4d4: {  	v12 =	vld.idx.msk [tilespmem:v12+s18+$0x0], $0xffff  }
0x4d5: {  	v13 =	vld [tilespmem:s22+$0x80];
	_ =	sdelay $0x4  }
0x4d6: {  	v12 =	vmul.f32 v13, v12;
	_ =	sdelay $0x1  }
0x4d7: {  	[tilespmem:s16+$0x80] =	vst v12  }
0x4d8: {  	[spmem:s2] =	stream.indirect.scatter.add.f32 [tilespmem:s18], [sflag:$0x5], $0x50, s19, s3, $0xb8;
	[tilespmem:$0x14BF0] =	vst v63  }
0x4d9: {  	_ =	swait.ge [sflag:s28], $0x1900  }
0x4da: {  	[sflag:s28] =	ssyncset.done $0x0  }
0x4db: {  	s23 =	simm.s32 $0x6;
	[sflag:s28] =	ssyncadd.s32 $0xFFFFE700  }
0x4dc: {  	_ =	swait.ge [sflag:s23], $0x1900  }
0x4dd: {  	[sflag:s23] =	ssyncset.done $0x0  }
0x4de: {  	[sflag:s23] =	ssyncadd.s32 $0xFFFFE700  }
0x4df: {  	s24 =	stileid.u32;
	[bflag:$0x0] =	sbarrier.arrive $0xFFFF  }
0x4e0: {  	s7 =	sshll.u32 s24, $0x6;
	s25 =	rddreg [dreg:$0x9]  }
0x4e1: {  	s7 =	sor.u32 $0x1C07, s7;
	s26 =	rddreg [dreg:$0x13]  }
0x4e2: {  	[hbm:s25], [sflag:s7] =	dma.local [spmem:s26], $0x1900  }
0x4e3: {  	_ =	swait.ge [sflag:s30], $0x1900  }
0x4e4: {  	s28 =	rddreg [dreg:$0x16]  }
0x4e5: {  	s29 =	rddreg [dreg:$0xb];
	s16 =	sadd.s32 $0x1, s28  }
0x4e6: {  	p0 =	sne.s32 s16, s29  }
.Ltmp5:
0x4e7: {  	_ = 	snop;
	(pc) =	sbr.rel @p0 .LBB2_1-.Ltmp5, $3  }
0x4e8: {  	_ =	sdelay $0x1  }
0x4e9: {  	[sflag:s30] =	ssyncset.done $0x0  }
0x4ea: {  	[sflag:s30] =	ssyncadd.s32 $0xFFFFE700  }
0x4eb: {  	_ =	sfence.sel $0x180000  }
0x4ec: {  	[bflag:$0x0] =	sbarrier.arrive $0xFFFF  }
0x4ed: {  	_ =	strace $0x90000047  }
0x4ee: {  	s0 =	stileid.u32;
	[bflag:$0x2] =	sbarrier.arrive $0xFFFF  }
0x4ef: {  	p0 =	sne.s32 s0, $0x0;
	s0 =	rddreg [dreg:$0x3]  }
0x4f0: {  	s0 =	sadd.s32 @!p0 $0x100000, s0  }
0x4f1: {  	[sflag:s0] =	ssyncadd.tile.s32 @!p0 $0x1;
	_ =	shalt  }
.Lfunc_end2:
_tile_overlayer_lowered:
.L_overlay_start_2:
0x4f2: {  	(tag) =	ssettag $0x2  }
0x4f3: {  	s0 =	rddreg [dreg:$0x0];
	s2 =	stileid.u32  }
0x4f4: {  	s1 =	rddreg [dreg:$0x1];
	p0 =	sne.s32 s2, $0x0  }
0x4f5: {  	s3 =	rddreg [dreg:$0x2];
	[bflag:$0x3] =	sbarrier.arrive $0xFFFF;
	s2 =	simm.s32 @!p0 $0x1C07  }
0x4f6: {  	[timem:s3], [sflag:s2] =	dma.local @!p0 [hbm:s0], s1  }
0x4f7: {  	s0 =	simm.s32 @!p0 $0x7  }
0x4f8: {  	_ =	swait.ge @!p0 [sflag:s0], s1  }
0x4f9: {  	s1 =	ssub.s32 @!p0 $0x0, s1;
	[sflag:s0] =	ssyncset.done @!p0 $0x0  }
0x4fa: {  	[sflag:s0] =	ssyncadd.s32 @!p0 s1  }
0x4fb: {  	[bflag:$0x3] =	sbarrier.arrive $0xFFFF  }
0x4fc: {  	_ =	shalt  }

</sc_bundles>
